<compile_context>
chip_gen: v7x
topology: tpu7x:2x2x1
jax: 0.10.2.dev20260603
libtpu: 0.0.44.dev20260713+nightly
codegen_flags: <defaults>
</compile_context>

<pallas_src>
import functools

import jax
import jax.numpy as jnp
from jax import lax
from jax.experimental import pallas as pl
from jax.experimental.pallas import tpu as pltpu
from jax.experimental.pallas import tpu_sc as plsc

_MEMORY_SIZE = 50000
_NUM_ITEMS = 8192
_H = 1024
_NW = 32
_COPY_PER_W = _NUM_ITEMS // _NW
_CHUNK = 32
_Z_STRIDE = 1304
_Z_SIZE = _MEMORY_SIZE - _NUM_ITEMS - _Z_STRIDE * (_NW - 1)
_Z_CHUNKS = [_CHUNK] * (_Z_SIZE // _CHUNK) + (
    [_Z_SIZE % _CHUNK] if _Z_SIZE % _CHUNK else [])


def _sc_store(hs_hbm, imp_hbm, em_hbm, mi_hbm, out_mem, out_imp,
              buf, zbuf, ibuf, izbuf):
    wid = lax.axis_index("s") * 2 + lax.axis_index("c")

    base = wid * _COPY_PER_W
    for j in range(_COPY_PER_W // _CHUNK):
        src = hs_hbm.at[pl.ds(base + j * _CHUNK, _CHUNK)]
        pltpu.sync_copy(src, buf)
        pltpu.sync_copy(buf, out_mem.at[pl.ds(base + j * _CHUNK, _CHUNK)])

    pltpu.sync_copy(imp_hbm.at[pl.ds(base, _COPY_PER_W)], ibuf)
    for i in range(_COPY_PER_W // 16):
        v = ibuf[pl.ds(i * 16, 16)]
        ibuf[pl.ds(i * 16, 16)] = jnp.clip(v, 0.0, 5.0)
    pltpu.sync_copy(ibuf, out_imp.at[pl.ds(base, _COPY_PER_W)])

    pltpu.sync_copy(em_hbm.at[pl.ds(0, _CHUNK)], zbuf)
    pltpu.sync_copy(mi_hbm.at[pl.ds(0, _Z_SIZE)], izbuf)
    zstart = _NUM_ITEMS + wid * _Z_STRIDE
    off = 0
    for sz in _Z_CHUNKS:
        pltpu.sync_copy(zbuf.at[pl.ds(0, sz)],
                        out_mem.at[pl.ds(zstart + off, sz)])
        off += sz
    pltpu.sync_copy(izbuf, out_imp.at[pl.ds(zstart, _Z_SIZE)])


def kernel(hidden_states, importance, episodic_memory, memory_importance):
    B, T, H = hidden_states.shape
    states_flat = hidden_states.reshape(B * T, H)
    imp_flat = importance.reshape(B * T)

    mesh = plsc.VectorSubcoreMesh(core_axis_name="c", subcore_axis_name="s")
    run = functools.partial(
        pl.kernel,
        mesh=mesh,
        out_type=[
            jax.ShapeDtypeStruct((_MEMORY_SIZE, _H), jnp.float32),
            jax.ShapeDtypeStruct((_MEMORY_SIZE,), jnp.float32),
        ],
        scratch_types=[
            pltpu.VMEM((_CHUNK, _H), jnp.float32),
            pltpu.VMEM((_CHUNK, _H), jnp.float32),
            pltpu.VMEM((_COPY_PER_W,), jnp.float32),
            pltpu.VMEM((_Z_SIZE,), jnp.float32),
        ],
    )(_sc_store)
    new_memory, new_importance = run(
        states_flat, imp_flat, episodic_memory, memory_importance)
    return new_memory, new_importance

# --- scband reference (transcript-rebuilt; emitter-appended) ---
"""Pipeline reference for scband-dream-consolidation-engine-53523882443047 (READ-ONLY COPY).

The authoritative reference and input builder live on the scoring server;
editing this copy changes nothing except your own understanding.
"""

import jax, jax.numpy as jnp
import numpy as np

MEMORY_SIZE = 50000
HIDDEN_DIM = 1024
WRITE_PTR = 0


def setup_inputs(seed: int = 0) -> dict:
    key = jax.random.key(seed)
    k1, k2 = jax.random.split(key)
    hidden_states = jax.random.normal(k1, (16, 512, HIDDEN_DIM), dtype=jnp.float32)
    importance = jax.random.uniform(k2, (16, 512), dtype=jnp.float32)
    # module buffers (state)
    episodic_memory = jnp.zeros((MEMORY_SIZE, HIDDEN_DIM), dtype=jnp.float32)
    memory_importance = jnp.zeros((MEMORY_SIZE,), dtype=jnp.float32)
    return {
        "hidden_states": hidden_states,
        "importance": importance,
        "episodic_memory": episodic_memory,
        "memory_importance": memory_importance,
    }


def reference(hidden_states, importance, episodic_memory, memory_importance):
    # Faithful translation of DreamConsolidationEngine.store_experience
    B, T, H = hidden_states.shape
    states_flat = hidden_states.reshape(-1, H)
    imp_flat = jnp.clip(importance.reshape(-1), 0.0, 5.0)
    num_items = states_flat.shape[0]
    # indices = [(write_ptr + i) % memory_size for i in range(num_items)]
    idx = (WRITE_PTR + jnp.arange(num_items)) % MEMORY_SIZE
    # scatter-overwrite (the torch python loop writes row i to slot idx[i])
    new_memory = episodic_memory.at[idx].set(states_flat)
    new_importance = memory_importance.at[idx].set(imp_flat)
    return new_memory, new_importance

if __name__ == "__main__":
    import jax
    _d = setup_inputs()
    print(jax.jit(kernel)(*tuple(_d.values())))

</pallas_src>

<mosaic_0001>
#map = affine_map<(d0, d1) -> (0, 0)>
#map1 = affine_map<(d0, d1) -> (0)>
module attributes {stable_mosaic.version = 14 : i64} {
  func.func @_sc_store(%arg0: i32, %arg1: i32, %arg2: memref<8192x1024xf32, #tpu.memory_space<hbm>>, %arg3: memref<8192xf32, #tpu.memory_space<hbm>>, %arg4: memref<50000x1024xf32, #tpu.memory_space<hbm>>, %arg5: memref<50000xf32, #tpu.memory_space<hbm>>, %arg6: memref<50000x1024xf32, #tpu.memory_space<hbm>>, %arg7: memref<50000xf32, #tpu.memory_space<hbm>>, %arg8: memref<32x1024xf32, #tpu.memory_space<vmem>>, %arg9: memref<32x1024xf32, #tpu.memory_space<vmem>>, %arg10: memref<256xf32, #tpu.memory_space<vmem>>, %arg11: memref<1384xf32, #tpu.memory_space<vmem>>) attributes {dimension_semantics = [#tpu.dimension_semantics<core_parallel>, #tpu.dimension_semantics<subcore_parallel>], iteration_bounds = array<i64: 2, 16>, scalar_prefetch = 0 : i64, scratch_operands = 4 : i64, tpu.core_type = #tpu.core_type<sc_vector_subcore>, window_params = [{transform_indices = #map}, {transform_indices = #map1}, {transform_indices = #map}, {transform_indices = #map1}, {transform_indices = #map}, {transform_indices = #map1}]} {
    %mul3A = arith.constant 2 : i32
    %mul3A_0 = arith.muli %arg1, %mul3A : i32
    %add3A = arith.addi %mul3A_0, %arg0 : i32
    %mul3A_1 = arith.constant 256 : i32
    %mul3A_2 = arith.muli %add3A, %mul3A_1 : i32
    %add3A_3 = arith.constant 0 : i32
    %add3A_4 = arith.addi %mul3A_2, %add3A_3 : i32
    "tpu.region"() ({
      %run_scoped3A = tpu.sem_alloc : memref<!tpu.dma_semaphore, #tpu.memory_space<semaphore_mem>>
      %dma_start3A = arith.constant 0 : i32
      %dma_start3A_330 = tpu.memref_slice %arg2[%add3A_4, %dma_start3A] : memref<8192x1024xf32, #tpu.memory_space<hbm>> -> memref<32x1024xf32, #tpu.memory_space<hbm>>
      %dma_start3A_331 = arith.constant 0 : i32
      %dma_start3A_332 = tpu.memref_slice %arg2[%add3A_4, %dma_start3A_331] : memref<8192x1024xf32, #tpu.memory_space<hbm>> -> memref<32x1024xf32, #tpu.memory_space<hbm>>
      tpu.enqueue_dma source(%dma_start3A_332 : memref<32x1024xf32, #tpu.memory_space<hbm>>) target(%arg8 : memref<32x1024xf32, #tpu.memory_space<vmem>>) target_semaphore(%run_scoped3A : memref<!tpu.dma_semaphore, #tpu.memory_space<semaphore_mem>>)
      %dma_wait3A = arith.constant 0 : i32
      %dma_wait3A_333 = tpu.memref_slice %arg2[%add3A_4, %dma_wait3A] : memref<8192x1024xf32, #tpu.memory_space<hbm>> -> memref<32x1024xf32, #tpu.memory_space<hbm>>
      %dma_wait3A_334 = arith.constant 0 : i32
      %dma_wait3A_335 = tpu.memref_slice %arg2[%add3A_4, %dma_wait3A_334] : memref<8192x1024xf32, #tpu.memory_space<hbm>> -> memref<32x1024xf32, #tpu.memory_space<hbm>>
      tpu.wait_dma2 semaphore(%run_scoped3A : memref<!tpu.dma_semaphore, #tpu.memory_space<semaphore_mem>>) src(%dma_wait3A_335 : memref<32x1024xf32, #tpu.memory_space<hbm>>) dst(%arg8 : memref<32x1024xf32, #tpu.memory_space<vmem>>)
      tpu.yield
    }) : () -> ()
    %add3A_5 = arith.constant 0 : i32
    %add3A_6 = arith.addi %mul3A_2, %add3A_5 : i32
    "tpu.region"() ({
      %run_scoped3A = tpu.sem_alloc : memref<!tpu.dma_semaphore, #tpu.memory_space<semaphore_mem>>
      %dma_start3A = arith.constant 0 : i32
      %dma_start3A_330 = tpu.memref_slice %arg6[%add3A_6, %dma_start3A] : memref<50000x1024xf32, #tpu.memory_space<hbm>> -> memref<32x1024xf32, #tpu.memory_space<hbm>>
      %dma_start3A_331 = arith.constant 0 : i32
      %dma_start3A_332 = tpu.memref_slice %arg6[%add3A_6, %dma_start3A_331] : memref<50000x1024xf32, #tpu.memory_space<hbm>> -> memref<32x1024xf32, #tpu.memory_space<hbm>>
      tpu.enqueue_dma source(%arg8 : memref<32x1024xf32, #tpu.memory_space<vmem>>) target(%dma_start3A_332 : memref<32x1024xf32, #tpu.memory_space<hbm>>) target_semaphore(%run_scoped3A : memref<!tpu.dma_semaphore, #tpu.memory_space<semaphore_mem>>)
      %dma_wait3A = arith.constant 0 : i32
      %dma_wait3A_333 = tpu.memref_slice %arg6[%add3A_6, %dma_wait3A] : memref<50000x1024xf32, #tpu.memory_space<hbm>> -> memref<32x1024xf32, #tpu.memory_space<hbm>>
      %dma_wait3A_334 = arith.constant 0 : i32
      %dma_wait3A_335 = tpu.memref_slice %arg6[%add3A_6, %dma_wait3A_334] : memref<50000x1024xf32, #tpu.memory_space<hbm>> -> memref<32x1024xf32, #tpu.memory_space<hbm>>
      tpu.wait_dma2 semaphore(%run_scoped3A : memref<!tpu.dma_semaphore, #tpu.memory_space<semaphore_mem>>) src(%arg8 : memref<32x1024xf32, #tpu.memory_space<vmem>>) dst(%dma_wait3A_335 : memref<32x1024xf32, #tpu.memory_space<hbm>>)
      tpu.yield
    }) : () -> ()
    %add3A_7 = arith.constant 32 : i32
    %add3A_8 = arith.addi %mul3A_2, %add3A_7 : i32
    "tpu.region"() ({
      %run_scoped3A = tpu.sem_alloc : memref<!tpu.dma_semaphore, #tpu.memory_space<semaphore_mem>>
      %dma_start3A = arith.constant 0 : i32
      %dma_start3A_330 = tpu.memref_slice %arg2[%add3A_8, %dma_start3A] : memref<8192x1024xf32, #tpu.memory_space<hbm>> -> memref<32x1024xf32, #tpu.memory_space<hbm>>
      %dma_start3A_331 = arith.constant 0 : i32
      %dma_start3A_332 = tpu.memref_slice %arg2[%add3A_8, %dma_start3A_331] : memref<8192x1024xf32, #tpu.memory_space<hbm>> -> memref<32x1024xf32, #tpu.memory_space<hbm>>
      tpu.enqueue_dma source(%dma_start3A_332 : memref<32x1024xf32, #tpu.memory_space<hbm>>) target(%arg8 : memref<32x1024xf32, #tpu.memory_space<vmem>>) target_semaphore(%run_scoped3A : memref<!tpu.dma_semaphore, #tpu.memory_space<semaphore_mem>>)
      %dma_wait3A = arith.constant 0 : i32
      %dma_wait3A_333 = tpu.memref_slice %arg2[%add3A_8, %dma_wait3A] : memref<8192x1024xf32, #tpu.memory_space<hbm>> -> memref<32x1024xf32, #tpu.memory_space<hbm>>
      %dma_wait3A_334 = arith.constant 0 : i32
      %dma_wait3A_335 = tpu.memref_slice %arg2[%add3A_8, %dma_wait3A_334] : memref<8192x1024xf32, #tpu.memory_space<hbm>> -> memref<32x1024xf32, #tpu.memory_space<hbm>>
      tpu.wait_dma2 semaphore(%run_scoped3A : memref<!tpu.dma_semaphore, #tpu.memory_space<semaphore_mem>>) src(%dma_wait3A_335 : memref<32x1024xf32, #tpu.memory_space<hbm>>) dst(%arg8 : memref<32x1024xf32, #tpu.memory_space<vmem>>)
      tpu.yield
    }) : () -> ()
    %add3A_9 = arith.constant 32 : i32
    %add3A_10 = arith.addi %mul3A_2, %add3A_9 : i32
    "tpu.region"() ({
      %run_scoped3A = tpu.sem_alloc : memref<!tpu.dma_semaphore, #tpu.memory_space<semaphore_mem>>
      %dma_start3A = arith.constant 0 : i32
      %dma_start3A_330 = tpu.memref_slice %arg6[%add3A_10, %dma_start3A] : memref<50000x1024xf32, #tpu.memory_space<hbm>> -> memref<32x1024xf32, #tpu.memory_space<hbm>>
      %dma_start3A_331 = arith.constant 0 : i32
      %dma_start3A_332 = tpu.memref_slice %arg6[%add3A_10, %dma_start3A_331] : memref<50000x1024xf32, #tpu.memory_space<hbm>> -> memref<32x1024xf32, #tpu.memory_space<hbm>>
      tpu.enqueue_dma source(%arg8 : memref<32x1024xf32, #tpu.memory_space<vmem>>) target(%dma_start3A_332 : memref<32x1024xf32, #tpu.memory_space<hbm>>) target_semaphore(%run_scoped3A : memref<!tpu.dma_semaphore, #tpu.memory_space<semaphore_mem>>)
      %dma_wait3A = arith.constant 0 : i32
      %dma_wait3A_333 = tpu.memref_slice %arg6[%add3A_10, %dma_wait3A] : memref<50000x1024xf32, #tpu.memory_space<hbm>> -> memref<32x1024xf32, #tpu.memory_space<hbm>>
      %dma_wait3A_334 = arith.constant 0 : i32
      %dma_wait3A_335 = tpu.memref_slice %arg6[%add3A_10, %dma_wait3A_334] : memref<50000x1024xf32, #tpu.memory_space<hbm>> -> memref<32x1024xf32, #tpu.memory_space<hbm>>
      tpu.wait_dma2 semaphore(%run_scoped3A : memref<!tpu.dma_semaphore, #tpu.memory_space<semaphore_mem>>) src(%arg8 : memref<32x1024xf32, #tpu.memory_space<vmem>>) dst(%dma_wait3A_335 : memref<32x1024xf32, #tpu.memory_space<hbm>>)
      tpu.yield
    }) : () -> ()
    %add3A_11 = arith.constant 64 : i32
    %add3A_12 = arith.addi %mul3A_2, %add3A_11 : i32
    "tpu.region"() ({
      %run_scoped3A = tpu.sem_alloc : memref<!tpu.dma_semaphore, #tpu.memory_space<semaphore_mem>>
      %dma_start3A = arith.constant 0 : i32
      %dma_start3A_330 = tpu.memref_slice %arg2[%add3A_12, %dma_start3A] : memref<8192x1024xf32, #tpu.memory_space<hbm>> -> memref<32x1024xf32, #tpu.memory_space<hbm>>
      %dma_start3A_331 = arith.constant 0 : i32
      %dma_start3A_332 = tpu.memref_slice %arg2[%add3A_12, %dma_start3A_331] : memref<8192x1024xf32, #tpu.memory_space<hbm>> -> memref<32x1024xf32, #tpu.memory_space<hbm>>
      tpu.enqueue_dma source(%dma_start3A_332 : memref<32x1024xf32, #tpu.memory_space<hbm>>) target(%arg8 : memref<32x1024xf32, #tpu.memory_space<vmem>>) target_semaphore(%run_scoped3A : memref<!tpu.dma_semaphore, #tpu.memory_space<semaphore_mem>>)
      %dma_wait3A = arith.constant 0 : i32
      %dma_wait3A_333 = tpu.memref_slice %arg2[%add3A_12, %dma_wait3A] : memref<8192x1024xf32, #tpu.memory_space<hbm>> -> memref<32x1024xf32, #tpu.memory_space<hbm>>
      %dma_wait3A_334 = arith.constant 0 : i32
      %dma_wait3A_335 = tpu.memref_slice %arg2[%add3A_12, %dma_wait3A_334] : memref<8192x1024xf32, #tpu.memory_space<hbm>> -> memref<32x1024xf32, #tpu.memory_space<hbm>>
      tpu.wait_dma2 semaphore(%run_scoped3A : memref<!tpu.dma_semaphore, #tpu.memory_space<semaphore_mem>>) src(%dma_wait3A_335 : memref<32x1024xf32, #tpu.memory_space<hbm>>) dst(%arg8 : memref<32x1024xf32, #tpu.memory_space<vmem>>)
      tpu.yield
    }) : () -> ()
    %add3A_13 = arith.constant 64 : i32
    %add3A_14 = arith.addi %mul3A_2, %add3A_13 : i32
    "tpu.region"() ({
      %run_scoped3A = tpu.sem_alloc : memref<!tpu.dma_semaphore, #tpu.memory_space<semaphore_mem>>
      %dma_start3A = arith.constant 0 : i32
      %dma_start3A_330 = tpu.memref_slice %arg6[%add3A_14, %dma_start3A] : memref<50000x1024xf32, #tpu.memory_space<hbm>> -> memref<32x1024xf32, #tpu.memory_space<hbm>>
      %dma_start3A_331 = arith.constant 0 : i32
      %dma_start3A_332 = tpu.memref_slice %arg6[%add3A_14, %dma_start3A_331] : memref<50000x1024xf32, #tpu.memory_space<hbm>> -> memref<32x1024xf32, #tpu.memory_space<hbm>>
      tpu.enqueue_dma source(%arg8 : memref<32x1024xf32, #tpu.memory_space<vmem>>) target(%dma_start3A_332 : memref<32x1024xf32, #tpu.memory_space<hbm>>) target_semaphore(%run_scoped3A : memref<!tpu.dma_semaphore, #tpu.memory_space<semaphore_mem>>)
      %dma_wait3A = arith.constant 0 : i32
      %dma_wait3A_333 = tpu.memref_slice %arg6[%add3A_14, %dma_wait3A] : memref<50000x1024xf32, #tpu.memory_space<hbm>> -> memref<32x1024xf32, #tpu.memory_space<hbm>>
      %dma_wait3A_334 = arith.constant 0 : i32
      %dma_wait3A_335 = tpu.memref_slice %arg6[%add3A_14, %dma_wait3A_334] : memref<50000x1024xf32, #tpu.memory_space<hbm>> -> memref<32x1024xf32, #tpu.memory_space<hbm>>
      tpu.wait_dma2 semaphore(%run_scoped3A : memref<!tpu.dma_semaphore, #tpu.memory_space<semaphore_mem>>) src(%arg8 : memref<32x1024xf32, #tpu.memory_space<vmem>>) dst(%dma_wait3A_335 : memref<32x1024xf32, #tpu.memory_space<hbm>>)
      tpu.yield
    }) : () -> ()
    %add3A_15 = arith.constant 96 : i32
    %add3A_16 = arith.addi %mul3A_2, %add3A_15 : i32
    "tpu.region"() ({
      %run_scoped3A = tpu.sem_alloc : memref<!tpu.dma_semaphore, #tpu.memory_space<semaphore_mem>>
      %dma_start3A = arith.constant 0 : i32
      %dma_start3A_330 = tpu.memref_slice %arg2[%add3A_16, %dma_start3A] : memref<8192x1024xf32, #tpu.memory_space<hbm>> -> memref<32x1024xf32, #tpu.memory_space<hbm>>
      %dma_start3A_331 = arith.constant 0 : i32
      %dma_start3A_332 = tpu.memref_slice %arg2[%add3A_16, %dma_start3A_331] : memref<8192x1024xf32, #tpu.memory_space<hbm>> -> memref<32x1024xf32, #tpu.memory_space<hbm>>
      tpu.enqueue_dma source(%dma_start3A_332 : memref<32x1024xf32, #tpu.memory_space<hbm>>) target(%arg8 : memref<32x1024xf32, #tpu.memory_space<vmem>>) target_semaphore(%run_scoped3A : memref<!tpu.dma_semaphore, #tpu.memory_space<semaphore_mem>>)
      %dma_wait3A = arith.constant 0 : i32
      %dma_wait3A_333 = tpu.memref_slice %arg2[%add3A_16, %dma_wait3A] : memref<8192x1024xf32, #tpu.memory_space<hbm>> -> memref<32x1024xf32, #tpu.memory_space<hbm>>
      %dma_wait3A_334 = arith.constant 0 : i32
      %dma_wait3A_335 = tpu.memref_slice %arg2[%add3A_16, %dma_wait3A_334] : memref<8192x1024xf32, #tpu.memory_space<hbm>> -> memref<32x1024xf32, #tpu.memory_space<hbm>>
      tpu.wait_dma2 semaphore(%run_scoped3A : memref<!tpu.dma_semaphore, #tpu.memory_space<semaphore_mem>>) src(%dma_wait3A_335 : memref<32x1024xf32, #tpu.memory_space<hbm>>) dst(%arg8 : memref<32x1024xf32, #tpu.memory_space<vmem>>)
      tpu.yield
    }) : () -> ()
    %add3A_17 = arith.constant 96 : i32
    %add3A_18 = arith.addi %mul3A_2, %add3A_17 : i32
    "tpu.region"() ({
      %run_scoped3A = tpu.sem_alloc : memref<!tpu.dma_semaphore, #tpu.memory_space<semaphore_mem>>
      %dma_start3A = arith.constant 0 : i32
      %dma_start3A_330 = tpu.memref_slice %arg6[%add3A_18, %dma_start3A] : memref<50000x1024xf32, #tpu.memory_space<hbm>> -> memref<32x1024xf32, #tpu.memory_space<hbm>>
      %dma_start3A_331 = arith.constant 0 : i32
      %dma_start3A_332 = tpu.memref_slice %arg6[%add3A_18, %dma_start3A_331] : memref<50000x1024xf32, #tpu.memory_space<hbm>> -> memref<32x1024xf32, #tpu.memory_space<hbm>>
      tpu.enqueue_dma source(%arg8 : memref<32x1024xf32, #tpu.memory_space<vmem>>) target(%dma_start3A_332 : memref<32x1024xf32, #tpu.memory_space<hbm>>) target_semaphore(%run_scoped3A : memref<!tpu.dma_semaphore, #tpu.memory_space<semaphore_mem>>)
      %dma_wait3A = arith.constant 0 : i32
      %dma_wait3A_333 = tpu.memref_slice %arg6[%add3A_18, %dma_wait3A] : memref<50000x1024xf32, #tpu.memory_space<hbm>> -> memref<32x1024xf32, #tpu.memory_space<hbm>>
      %dma_wait3A_334 = arith.constant 0 : i32
      %dma_wait3A_335 = tpu.memref_slice %arg6[%add3A_18, %dma_wait3A_334] : memref<50000x1024xf32, #tpu.memory_space<hbm>> -> memref<32x1024xf32, #tpu.memory_space<hbm>>
      tpu.wait_dma2 semaphore(%run_scoped3A : memref<!tpu.dma_semaphore, #tpu.memory_space<semaphore_mem>>) src(%arg8 : memref<32x1024xf32, #tpu.memory_space<vmem>>) dst(%dma_wait3A_335 : memref<32x1024xf32, #tpu.memory_space<hbm>>)
      tpu.yield
    }) : () -> ()
    %add3A_19 = arith.constant 128 : i32
    %add3A_20 = arith.addi %mul3A_2, %add3A_19 : i32
    "tpu.region"() ({
      %run_scoped3A = tpu.sem_alloc : memref<!tpu.dma_semaphore, #tpu.memory_space<semaphore_mem>>
      %dma_start3A = arith.constant 0 : i32
      %dma_start3A_330 = tpu.memref_slice %arg2[%add3A_20, %dma_start3A] : memref<8192x1024xf32, #tpu.memory_space<hbm>> -> memref<32x1024xf32, #tpu.memory_space<hbm>>
      %dma_start3A_331 = arith.constant 0 : i32
      %dma_start3A_332 = tpu.memref_slice %arg2[%add3A_20, %dma_start3A_331] : memref<8192x1024xf32, #tpu.memory_space<hbm>> -> memref<32x1024xf32, #tpu.memory_space<hbm>>
      tpu.enqueue_dma source(%dma_start3A_332 : memref<32x1024xf32, #tpu.memory_space<hbm>>) target(%arg8 : memref<32x1024xf32, #tpu.memory_space<vmem>>) target_semaphore(%run_scoped3A : memref<!tpu.dma_semaphore, #tpu.memory_space<semaphore_mem>>)
      %dma_wait3A = arith.constant 0 : i32
      %dma_wait3A_333 = tpu.memref_slice %arg2[%add3A_20, %dma_wait3A] : memref<8192x1024xf32, #tpu.memory_space<hbm>> -> memref<32x1024xf32, #tpu.memory_space<hbm>>
      %dma_wait3A_334 = arith.constant 0 : i32
      %dma_wait3A_335 = tpu.memref_slice %arg2[%add3A_20, %dma_wait3A_334] : memref<8192x1024xf32, #tpu.memory_space<hbm>> -> memref<32x1024xf32, #tpu.memory_space<hbm>>
      tpu.wait_dma2 semaphore(%run_scoped3A : memref<!tpu.dma_semaphore, #tpu.memory_space<semaphore_mem>>) src(%dma_wait3A_335 : memref<32x1024xf32, #tpu.memory_space<hbm>>) dst(%arg8 : memref<32x1024xf32, #tpu.memory_space<vmem>>)
      tpu.yield
    }) : () -> ()
    %add3A_21 = arith.constant 128 : i32
    %add3A_22 = arith.addi %mul3A_2, %add3A_21 : i32
    "tpu.region"() ({
      %run_scoped3A = tpu.sem_alloc : memref<!tpu.dma_semaphore, #tpu.memory_space<semaphore_mem>>
      %dma_start3A = arith.constant 0 : i32
      %dma_start3A_330 = tpu.memref_slice %arg6[%add3A_22, %dma_start3A] : memref<50000x1024xf32, #tpu.memory_space<hbm>> -> memref<32x1024xf32, #tpu.memory_space<hbm>>
      %dma_start3A_331 = arith.constant 0 : i32
      %dma_start3A_332 = tpu.memref_slice %arg6[%add3A_22, %dma_start3A_331] : memref<50000x1024xf32, #tpu.memory_space<hbm>> -> memref<32x1024xf32, #tpu.memory_space<hbm>>
      tpu.enqueue_dma source(%arg8 : memref<32x1024xf32, #tpu.memory_space<vmem>>) target(%dma_start3A_332 : memref<32x1024xf32, #tpu.memory_space<hbm>>) target_semaphore(%run_scoped3A : memref<!tpu.dma_semaphore, #tpu.memory_space<semaphore_mem>>)
      %dma_wait3A = arith.constant 0 : i32
      %dma_wait3A_333 = tpu.memref_slice %arg6[%add3A_22, %dma_wait3A] : memref<50000x1024xf32, #tpu.memory_space<hbm>> -> memref<32x1024xf32, #tpu.memory_space<hbm>>
      %dma_wait3A_334 = arith.constant 0 : i32
      %dma_wait3A_335 = tpu.memref_slice %arg6[%add3A_22, %dma_wait3A_334] : memref<50000x1024xf32, #tpu.memory_space<hbm>> -> memref<32x1024xf32, #tpu.memory_space<hbm>>
      tpu.wait_dma2 semaphore(%run_scoped3A : memref<!tpu.dma_semaphore, #tpu.memory_space<semaphore_mem>>) src(%arg8 : memref<32x1024xf32, #tpu.memory_space<vmem>>) dst(%dma_wait3A_335 : memref<32x1024xf32, #tpu.memory_space<hbm>>)
      tpu.yield
    }) : () -> ()
    %add3A_23 = arith.constant 160 : i32
    %add3A_24 = arith.addi %mul3A_2, %add3A_23 : i32
    "tpu.region"() ({
      %run_scoped3A = tpu.sem_alloc : memref<!tpu.dma_semaphore, #tpu.memory_space<semaphore_mem>>
      %dma_start3A = arith.constant 0 : i32
      %dma_start3A_330 = tpu.memref_slice %arg2[%add3A_24, %dma_start3A] : memref<8192x1024xf32, #tpu.memory_space<hbm>> -> memref<32x1024xf32, #tpu.memory_space<hbm>>
      %dma_start3A_331 = arith.constant 0 : i32
      %dma_start3A_332 = tpu.memref_slice %arg2[%add3A_24, %dma_start3A_331] : memref<8192x1024xf32, #tpu.memory_space<hbm>> -> memref<32x1024xf32, #tpu.memory_space<hbm>>
      tpu.enqueue_dma source(%dma_start3A_332 : memref<32x1024xf32, #tpu.memory_space<hbm>>) target(%arg8 : memref<32x1024xf32, #tpu.memory_space<vmem>>) target_semaphore(%run_scoped3A : memref<!tpu.dma_semaphore, #tpu.memory_space<semaphore_mem>>)
      %dma_wait3A = arith.constant 0 : i32
      %dma_wait3A_333 = tpu.memref_slice %arg2[%add3A_24, %dma_wait3A] : memref<8192x1024xf32, #tpu.memory_space<hbm>> -> memref<32x1024xf32, #tpu.memory_space<hbm>>
      %dma_wait3A_334 = arith.constant 0 : i32
      %dma_wait3A_335 = tpu.memref_slice %arg2[%add3A_24, %dma_wait3A_334] : memref<8192x1024xf32, #tpu.memory_space<hbm>> -> memref<32x1024xf32, #tpu.memory_space<hbm>>
      tpu.wait_dma2 semaphore(%run_scoped3A : memref<!tpu.dma_semaphore, #tpu.memory_space<semaphore_mem>>) src(%dma_wait3A_335 : memref<32x1024xf32, #tpu.memory_space<hbm>>) dst(%arg8 : memref<32x1024xf32, #tpu.memory_space<vmem>>)
      tpu.yield
    }) : () -> ()
    %add3A_25 = arith.constant 160 : i32
    %add3A_26 = arith.addi %mul3A_2, %add3A_25 : i32
    "tpu.region"() ({
      %run_scoped3A = tpu.sem_alloc : memref<!tpu.dma_semaphore, #tpu.memory_space<semaphore_mem>>
      %dma_start3A = arith.constant 0 : i32
      %dma_start3A_330 = tpu.memref_slice %arg6[%add3A_26, %dma_start3A] : memref<50000x1024xf32, #tpu.memory_space<hbm>> -> memref<32x1024xf32, #tpu.memory_space<hbm>>
      %dma_start3A_331 = arith.constant 0 : i32
      %dma_start3A_332 = tpu.memref_slice %arg6[%add3A_26, %dma_start3A_331] : memref<50000x1024xf32, #tpu.memory_space<hbm>> -> memref<32x1024xf32, #tpu.memory_space<hbm>>
      tpu.enqueue_dma source(%arg8 : memref<32x1024xf32, #tpu.memory_space<vmem>>) target(%dma_start3A_332 : memref<32x1024xf32, #tpu.memory_space<hbm>>) target_semaphore(%run_scoped3A : memref<!tpu.dma_semaphore, #tpu.memory_space<semaphore_mem>>)
      %dma_wait3A = arith.constant 0 : i32
      %dma_wait3A_333 = tpu.memref_slice %arg6[%add3A_26, %dma_wait3A] : memref<50000x1024xf32, #tpu.memory_space<hbm>> -> memref<32x1024xf32, #tpu.memory_space<hbm>>
      %dma_wait3A_334 = arith.constant 0 : i32
      %dma_wait3A_335 = tpu.memref_slice %arg6[%add3A_26, %dma_wait3A_334] : memref<50000x1024xf32, #tpu.memory_space<hbm>> -> memref<32x1024xf32, #tpu.memory_space<hbm>>
      tpu.wait_dma2 semaphore(%run_scoped3A : memref<!tpu.dma_semaphore, #tpu.memory_space<semaphore_mem>>) src(%arg8 : memref<32x1024xf32, #tpu.memory_space<vmem>>) dst(%dma_wait3A_335 : memref<32x1024xf32, #tpu.memory_space<hbm>>)
      tpu.yield
    }) : () -> ()
    %add3A_27 = arith.constant 192 : i32
    %add3A_28 = arith.addi %mul3A_2, %add3A_27 : i32
    "tpu.region"() ({
      %run_scoped3A = tpu.sem_alloc : memref<!tpu.dma_semaphore, #tpu.memory_space<semaphore_mem>>
      %dma_start3A = arith.constant 0 : i32
      %dma_start3A_330 = tpu.memref_slice %arg2[%add3A_28, %dma_start3A] : memref<8192x1024xf32, #tpu.memory_space<hbm>> -> memref<32x1024xf32, #tpu.memory_space<hbm>>
      %dma_start3A_331 = arith.constant 0 : i32
      %dma_start3A_332 = tpu.memref_slice %arg2[%add3A_28, %dma_start3A_331] : memref<8192x1024xf32, #tpu.memory_space<hbm>> -> memref<32x1024xf32, #tpu.memory_space<hbm>>
      tpu.enqueue_dma source(%dma_start3A_332 : memref<32x1024xf32, #tpu.memory_space<hbm>>) target(%arg8 : memref<32x1024xf32, #tpu.memory_space<vmem>>) target_semaphore(%run_scoped3A : memref<!tpu.dma_semaphore, #tpu.memory_space<semaphore_mem>>)
      %dma_wait3A = arith.constant 0 : i32
      %dma_wait3A_333 = tpu.memref_slice %arg2[%add3A_28, %dma_wait3A] : memref<8192x1024xf32, #tpu.memory_space<hbm>> -> memref<32x1024xf32, #tpu.memory_space<hbm>>
      %dma_wait3A_334 = arith.constant 0 : i32
      %dma_wait3A_335 = tpu.memref_slice %arg2[%add3A_28, %dma_wait3A_334] : memref<8192x1024xf32, #tpu.memory_space<hbm>> -> memref<32x1024xf32, #tpu.memory_space<hbm>>
      tpu.wait_dma2 semaphore(%run_scoped3A : memref<!tpu.dma_semaphore, #tpu.memory_space<semaphore_mem>>) src(%dma_wait3A_335 : memref<32x1024xf32, #tpu.memory_space<hbm>>) dst(%arg8 : memref<32x1024xf32, #tpu.memory_space<vmem>>)
      tpu.yield
    }) : () -> ()
    %add3A_29 = arith.constant 192 : i32
    %add3A_30 = arith.addi %mul3A_2, %add3A_29 : i32
    "tpu.region"() ({
      %run_scoped3A = tpu.sem_alloc : memref<!tpu.dma_semaphore, #tpu.memory_space<semaphore_mem>>
      %dma_start3A = arith.constant 0 : i32
      %dma_start3A_330 = tpu.memref_slice %arg6[%add3A_30, %dma_start3A] : memref<50000x1024xf32, #tpu.memory_space<hbm>> -> memref<32x1024xf32, #tpu.memory_space<hbm>>
      %dma_start3A_331 = arith.constant 0 : i32
      %dma_start3A_332 = tpu.memref_slice %arg6[%add3A_30, %dma_start3A_331] : memref<50000x1024xf32, #tpu.memory_space<hbm>> -> memref<32x1024xf32, #tpu.memory_space<hbm>>
      tpu.enqueue_dma source(%arg8 : memref<32x1024xf32, #tpu.memory_space<vmem>>) target(%dma_start3A_332 : memref<32x1024xf32, #tpu.memory_space<hbm>>) target_semaphore(%run_scoped3A : memref<!tpu.dma_semaphore, #tpu.memory_space<semaphore_mem>>)
      %dma_wait3A = arith.constant 0 : i32
      %dma_wait3A_333 = tpu.memref_slice %arg6[%add3A_30, %dma_wait3A] : memref<50000x1024xf32, #tpu.memory_space<hbm>> -> memref<32x1024xf32, #tpu.memory_space<hbm>>
      %dma_wait3A_334 = arith.constant 0 : i32
      %dma_wait3A_335 = tpu.memref_slice %arg6[%add3A_30, %dma_wait3A_334] : memref<50000x1024xf32, #tpu.memory_space<hbm>> -> memref<32x1024xf32, #tpu.memory_space<hbm>>
      tpu.wait_dma2 semaphore(%run_scoped3A : memref<!tpu.dma_semaphore, #tpu.memory_space<semaphore_mem>>) src(%arg8 : memref<32x1024xf32, #tpu.memory_space<vmem>>) dst(%dma_wait3A_335 : memref<32x1024xf32, #tpu.memory_space<hbm>>)
      tpu.yield
    }) : () -> ()
    %add3A_31 = arith.constant 224 : i32
    %add3A_32 = arith.addi %mul3A_2, %add3A_31 : i32
    "tpu.region"() ({
      %run_scoped3A = tpu.sem_alloc : memref<!tpu.dma_semaphore, #tpu.memory_space<semaphore_mem>>
      %dma_start3A = arith.constant 0 : i32
      %dma_start3A_330 = tpu.memref_slice %arg2[%add3A_32, %dma_start3A] : memref<8192x1024xf32, #tpu.memory_space<hbm>> -> memref<32x1024xf32, #tpu.memory_space<hbm>>
      %dma_start3A_331 = arith.constant 0 : i32
      %dma_start3A_332 = tpu.memref_slice %arg2[%add3A_32, %dma_start3A_331] : memref<8192x1024xf32, #tpu.memory_space<hbm>> -> memref<32x1024xf32, #tpu.memory_space<hbm>>
      tpu.enqueue_dma source(%dma_start3A_332 : memref<32x1024xf32, #tpu.memory_space<hbm>>) target(%arg8 : memref<32x1024xf32, #tpu.memory_space<vmem>>) target_semaphore(%run_scoped3A : memref<!tpu.dma_semaphore, #tpu.memory_space<semaphore_mem>>)
      %dma_wait3A = arith.constant 0 : i32
      %dma_wait3A_333 = tpu.memref_slice %arg2[%add3A_32, %dma_wait3A] : memref<8192x1024xf32, #tpu.memory_space<hbm>> -> memref<32x1024xf32, #tpu.memory_space<hbm>>
      %dma_wait3A_334 = arith.constant 0 : i32
      %dma_wait3A_335 = tpu.memref_slice %arg2[%add3A_32, %dma_wait3A_334] : memref<8192x1024xf32, #tpu.memory_space<hbm>> -> memref<32x1024xf32, #tpu.memory_space<hbm>>
      tpu.wait_dma2 semaphore(%run_scoped3A : memref<!tpu.dma_semaphore, #tpu.memory_space<semaphore_mem>>) src(%dma_wait3A_335 : memref<32x1024xf32, #tpu.memory_space<hbm>>) dst(%arg8 : memref<32x1024xf32, #tpu.memory_space<vmem>>)
      tpu.yield
    }) : () -> ()
    %add3A_33 = arith.constant 224 : i32
    %add3A_34 = arith.addi %mul3A_2, %add3A_33 : i32
    "tpu.region"() ({
      %run_scoped3A = tpu.sem_alloc : memref<!tpu.dma_semaphore, #tpu.memory_space<semaphore_mem>>
      %dma_start3A = arith.constant 0 : i32
      %dma_start3A_330 = tpu.memref_slice %arg6[%add3A_34, %dma_start3A] : memref<50000x1024xf32, #tpu.memory_space<hbm>> -> memref<32x1024xf32, #tpu.memory_space<hbm>>
      %dma_start3A_331 = arith.constant 0 : i32
      %dma_start3A_332 = tpu.memref_slice %arg6[%add3A_34, %dma_start3A_331] : memref<50000x1024xf32, #tpu.memory_space<hbm>> -> memref<32x1024xf32, #tpu.memory_space<hbm>>
      tpu.enqueue_dma source(%arg8 : memref<32x1024xf32, #tpu.memory_space<vmem>>) target(%dma_start3A_332 : memref<32x1024xf32, #tpu.memory_space<hbm>>) target_semaphore(%run_scoped3A : memref<!tpu.dma_semaphore, #tpu.memory_space<semaphore_mem>>)
      %dma_wait3A = arith.constant 0 : i32
      %dma_wait3A_333 = tpu.memref_slice %arg6[%add3A_34, %dma_wait3A] : memref<50000x1024xf32, #tpu.memory_space<hbm>> -> memref<32x1024xf32, #tpu.memory_space<hbm>>
      %dma_wait3A_334 = arith.constant 0 : i32
      %dma_wait3A_335 = tpu.memref_slice %arg6[%add3A_34, %dma_wait3A_334] : memref<50000x1024xf32, #tpu.memory_space<hbm>> -> memref<32x1024xf32, #tpu.memory_space<hbm>>
      tpu.wait_dma2 semaphore(%run_scoped3A : memref<!tpu.dma_semaphore, #tpu.memory_space<semaphore_mem>>) src(%arg8 : memref<32x1024xf32, #tpu.memory_space<vmem>>) dst(%dma_wait3A_335 : memref<32x1024xf32, #tpu.memory_space<hbm>>)
      tpu.yield
    }) : () -> ()
    "tpu.region"() ({
      %run_scoped3A = tpu.sem_alloc : memref<!tpu.dma_semaphore, #tpu.memory_space<semaphore_mem>>
      %dma_start3A = tpu.memref_slice %arg3[%mul3A_2] : memref<8192xf32, #tpu.memory_space<hbm>> -> memref<256xf32, #tpu.memory_space<hbm>>
      %dma_start3A_330 = tpu.memref_slice %arg3[%mul3A_2] : memref<8192xf32, #tpu.memory_space<hbm>> -> memref<256xf32, #tpu.memory_space<hbm>>
      tpu.enqueue_dma source(%dma_start3A_330 : memref<256xf32, #tpu.memory_space<hbm>>) target(%arg10 : memref<256xf32, #tpu.memory_space<vmem>>) target_semaphore(%run_scoped3A : memref<!tpu.dma_semaphore, #tpu.memory_space<semaphore_mem>>)
      %dma_wait3A = tpu.memref_slice %arg3[%mul3A_2] : memref<8192xf32, #tpu.memory_space<hbm>> -> memref<256xf32, #tpu.memory_space<hbm>>
      %dma_wait3A_331 = tpu.memref_slice %arg3[%mul3A_2] : memref<8192xf32, #tpu.memory_space<hbm>> -> memref<256xf32, #tpu.memory_space<hbm>>
      tpu.wait_dma2 semaphore(%run_scoped3A : memref<!tpu.dma_semaphore, #tpu.memory_space<semaphore_mem>>) src(%dma_wait3A_331 : memref<256xf32, #tpu.memory_space<hbm>>) dst(%arg10 : memref<256xf32, #tpu.memory_space<vmem>>)
      tpu.yield
    }) : () -> ()
    %get3A = arith.constant 0 : index
    %get3A_35 = tpu.vector_load %arg10[%get3A] {strides = array<i32>} : memref<256xf32, #tpu.memory_space<vmem>>, vector<16xf32>,
    %get3A_36 = vector.shape_cast %get3A_35 : vector<16xf32> to vector<16xf32>
    %jit3A = arith.constant 0.000000e+00 : f32
    %jit3A_37 = arith.constant 5.000000e+00 : f32
    %max3A = vector.broadcast %jit3A : f32 to vector<16xf32>
    %max3A_38 = arith.maximumf %max3A, %get3A_36 : vector<16xf32>
    %min3A = vector.broadcast %jit3A_37 : f32 to vector<16xf32>
    %min3A_39 = arith.minimumf %min3A, %max3A_38 : vector<16xf32>
    %swap3A = arith.constant 0 : index
    %swap3A_40 = tpu.vector_load %arg10[%swap3A] {strides = array<i32>} : memref<256xf32, #tpu.memory_space<vmem>>, vector<16xf32>,
    %swap3A_41 = vector.shape_cast %swap3A_40 : vector<16xf32> to vector<16xf32>
    %swap3A_42 = vector.shape_cast %min3A_39 : vector<16xf32> to vector<16xf32>
    tpu.vector_store %arg10[%swap3A], %swap3A_42 {strides = array<i32>} : memref<256xf32, #tpu.memory_space<vmem>>, vector<16xf32>,
    %get3A_43 = arith.constant 16 : index
    %get3A_44 = tpu.vector_load %arg10[%get3A_43] {strides = array<i32>} : memref<256xf32, #tpu.memory_space<vmem>>, vector<16xf32>,
    %get3A_45 = vector.shape_cast %get3A_44 : vector<16xf32> to vector<16xf32>
    %jit3A_46 = arith.constant 0.000000e+00 : f32
    %jit3A_47 = arith.constant 5.000000e+00 : f32
    %max3A_48 = vector.broadcast %jit3A_46 : f32 to vector<16xf32>
    %max3A_49 = arith.maximumf %max3A_48, %get3A_45 : vector<16xf32>
    %min3A_50 = vector.broadcast %jit3A_47 : f32 to vector<16xf32>
    %min3A_51 = arith.minimumf %min3A_50, %max3A_49 : vector<16xf32>
    %swap3A_52 = arith.constant 16 : index
    %swap3A_53 = tpu.vector_load %arg10[%swap3A_52] {strides = array<i32>} : memref<256xf32, #tpu.memory_space<vmem>>, vector<16xf32>,
    %swap3A_54 = vector.shape_cast %swap3A_53 : vector<16xf32> to vector<16xf32>
    %swap3A_55 = vector.shape_cast %min3A_51 : vector<16xf32> to vector<16xf32>
    tpu.vector_store %arg10[%swap3A_52], %swap3A_55 {strides = array<i32>} : memref<256xf32, #tpu.memory_space<vmem>>, vector<16xf32>,
    %get3A_56 = arith.constant 32 : index
    %get3A_57 = tpu.vector_load %arg10[%get3A_56] {strides = array<i32>} : memref<256xf32, #tpu.memory_space<vmem>>, vector<16xf32>,
    %get3A_58 = vector.shape_cast %get3A_57 : vector<16xf32> to vector<16xf32>
    %jit3A_59 = arith.constant 0.000000e+00 : f32
    %jit3A_60 = arith.constant 5.000000e+00 : f32
    %max3A_61 = vector.broadcast %jit3A_59 : f32 to vector<16xf32>
    %max3A_62 = arith.maximumf %max3A_61, %get3A_58 : vector<16xf32>
    %min3A_63 = vector.broadcast %jit3A_60 : f32 to vector<16xf32>
    %min3A_64 = arith.minimumf %min3A_63, %max3A_62 : vector<16xf32>
    %swap3A_65 = arith.constant 32 : index
    %swap3A_66 = tpu.vector_load %arg10[%swap3A_65] {strides = array<i32>} : memref<256xf32, #tpu.memory_space<vmem>>, vector<16xf32>,
    %swap3A_67 = vector.shape_cast %swap3A_66 : vector<16xf32> to vector<16xf32>
    %swap3A_68 = vector.shape_cast %min3A_64 : vector<16xf32> to vector<16xf32>
    tpu.vector_store %arg10[%swap3A_65], %swap3A_68 {strides = array<i32>} : memref<256xf32, #tpu.memory_space<vmem>>, vector<16xf32>,
    %get3A_69 = arith.constant 48 : index
    %get3A_70 = tpu.vector_load %arg10[%get3A_69] {strides = array<i32>} : memref<256xf32, #tpu.memory_space<vmem>>, vector<16xf32>,
    %get3A_71 = vector.shape_cast %get3A_70 : vector<16xf32> to vector<16xf32>
    %jit3A_72 = arith.constant 0.000000e+00 : f32
    %jit3A_73 = arith.constant 5.000000e+00 : f32
    %max3A_74 = vector.broadcast %jit3A_72 : f32 to vector<16xf32>
    %max3A_75 = arith.maximumf %max3A_74, %get3A_71 : vector<16xf32>
    %min3A_76 = vector.broadcast %jit3A_73 : f32 to vector<16xf32>
    %min3A_77 = arith.minimumf %min3A_76, %max3A_75 : vector<16xf32>
    %swap3A_78 = arith.constant 48 : index
    %swap3A_79 = tpu.vector_load %arg10[%swap3A_78] {strides = array<i32>} : memref<256xf32, #tpu.memory_space<vmem>>, vector<16xf32>,
    %swap3A_80 = vector.shape_cast %swap3A_79 : vector<16xf32> to vector<16xf32>
    %swap3A_81 = vector.shape_cast %min3A_77 : vector<16xf32> to vector<16xf32>
    tpu.vector_store %arg10[%swap3A_78], %swap3A_81 {strides = array<i32>} : memref<256xf32, #tpu.memory_space<vmem>>, vector<16xf32>,
    %get3A_82 = arith.constant 64 : index
    %get3A_83 = tpu.vector_load %arg10[%get3A_82] {strides = array<i32>} : memref<256xf32, #tpu.memory_space<vmem>>, vector<16xf32>,
    %get3A_84 = vector.shape_cast %get3A_83 : vector<16xf32> to vector<16xf32>
    %jit3A_85 = arith.constant 0.000000e+00 : f32
    %jit3A_86 = arith.constant 5.000000e+00 : f32
    %max3A_87 = vector.broadcast %jit3A_85 : f32 to vector<16xf32>
    %max3A_88 = arith.maximumf %max3A_87, %get3A_84 : vector<16xf32>
    %min3A_89 = vector.broadcast %jit3A_86 : f32 to vector<16xf32>
    %min3A_90 = arith.minimumf %min3A_89, %max3A_88 : vector<16xf32>
    %swap3A_91 = arith.constant 64 : index
    %swap3A_92 = tpu.vector_load %arg10[%swap3A_91] {strides = array<i32>} : memref<256xf32, #tpu.memory_space<vmem>>, vector<16xf32>,
    %swap3A_93 = vector.shape_cast %swap3A_92 : vector<16xf32> to vector<16xf32>
    %swap3A_94 = vector.shape_cast %min3A_90 : vector<16xf32> to vector<16xf32>
    tpu.vector_store %arg10[%swap3A_91], %swap3A_94 {strides = array<i32>} : memref<256xf32, #tpu.memory_space<vmem>>, vector<16xf32>,
    %get3A_95 = arith.constant 80 : index
    %get3A_96 = tpu.vector_load %arg10[%get3A_95] {strides = array<i32>} : memref<256xf32, #tpu.memory_space<vmem>>, vector<16xf32>,
    %get3A_97 = vector.shape_cast %get3A_96 : vector<16xf32> to vector<16xf32>
    %jit3A_98 = arith.constant 0.000000e+00 : f32
    %jit3A_99 = arith.constant 5.000000e+00 : f32
    %max3A_100 = vector.broadcast %jit3A_98 : f32 to vector<16xf32>
    %max3A_101 = arith.maximumf %max3A_100, %get3A_97 : vector<16xf32>
    %min3A_102 = vector.broadcast %jit3A_99 : f32 to vector<16xf32>
    %min3A_103 = arith.minimumf %min3A_102, %max3A_101 : vector<16xf32>
    %swap3A_104 = arith.constant 80 : index
    %swap3A_105 = tpu.vector_load %arg10[%swap3A_104] {strides = array<i32>} : memref<256xf32, #tpu.memory_space<vmem>>, vector<16xf32>,
    %swap3A_106 = vector.shape_cast %swap3A_105 : vector<16xf32> to vector<16xf32>
    %swap3A_107 = vector.shape_cast %min3A_103 : vector<16xf32> to vector<16xf32>
    tpu.vector_store %arg10[%swap3A_104], %swap3A_107 {strides = array<i32>} : memref<256xf32, #tpu.memory_space<vmem>>, vector<16xf32>,
    %get3A_108 = arith.constant 96 : index
    %get3A_109 = tpu.vector_load %arg10[%get3A_108] {strides = array<i32>} : memref<256xf32, #tpu.memory_space<vmem>>, vector<16xf32>,
    %get3A_110 = vector.shape_cast %get3A_109 : vector<16xf32> to vector<16xf32>
    %jit3A_111 = arith.constant 0.000000e+00 : f32
    %jit3A_112 = arith.constant 5.000000e+00 : f32
    %max3A_113 = vector.broadcast %jit3A_111 : f32 to vector<16xf32>
    %max3A_114 = arith.maximumf %max3A_113, %get3A_110 : vector<16xf32>
    %min3A_115 = vector.broadcast %jit3A_112 : f32 to vector<16xf32>
    %min3A_116 = arith.minimumf %min3A_115, %max3A_114 : vector<16xf32>
    %swap3A_117 = arith.constant 96 : index
    %swap3A_118 = tpu.vector_load %arg10[%swap3A_117] {strides = array<i32>} : memref<256xf32, #tpu.memory_space<vmem>>, vector<16xf32>,
    %swap3A_119 = vector.shape_cast %swap3A_118 : vector<16xf32> to vector<16xf32>
    %swap3A_120 = vector.shape_cast %min3A_116 : vector<16xf32> to vector<16xf32>
    tpu.vector_store %arg10[%swap3A_117], %swap3A_120 {strides = array<i32>} : memref<256xf32, #tpu.memory_space<vmem>>, vector<16xf32>,
    %get3A_121 = arith.constant 112 : index
    %get3A_122 = tpu.vector_load %arg10[%get3A_121] {strides = array<i32>} : memref<256xf32, #tpu.memory_space<vmem>>, vector<16xf32>,
    %get3A_123 = vector.shape_cast %get3A_122 : vector<16xf32> to vector<16xf32>
    %jit3A_124 = arith.constant 0.000000e+00 : f32
    %jit3A_125 = arith.constant 5.000000e+00 : f32
    %max3A_126 = vector.broadcast %jit3A_124 : f32 to vector<16xf32>
    %max3A_127 = arith.maximumf %max3A_126, %get3A_123 : vector<16xf32>
    %min3A_128 = vector.broadcast %jit3A_125 : f32 to vector<16xf32>
    %min3A_129 = arith.minimumf %min3A_128, %max3A_127 : vector<16xf32>
    %swap3A_130 = arith.constant 112 : index
    %swap3A_131 = tpu.vector_load %arg10[%swap3A_130] {strides = array<i32>} : memref<256xf32, #tpu.memory_space<vmem>>, vector<16xf32>,
    %swap3A_132 = vector.shape_cast %swap3A_131 : vector<16xf32> to vector<16xf32>
    %swap3A_133 = vector.shape_cast %min3A_129 : vector<16xf32> to vector<16xf32>
    tpu.vector_store %arg10[%swap3A_130], %swap3A_133 {strides = array<i32>} : memref<256xf32, #tpu.memory_space<vmem>>, vector<16xf32>,
    %get3A_134 = arith.constant 128 : index
    %get3A_135 = tpu.vector_load %arg10[%get3A_134] {strides = array<i32>} : memref<256xf32, #tpu.memory_space<vmem>>, vector<16xf32>,
    %get3A_136 = vector.shape_cast %get3A_135 : vector<16xf32> to vector<16xf32>
    %jit3A_137 = arith.constant 0.000000e+00 : f32
    %jit3A_138 = arith.constant 5.000000e+00 : f32
    %max3A_139 = vector.broadcast %jit3A_137 : f32 to vector<16xf32>
    %max3A_140 = arith.maximumf %max3A_139, %get3A_136 : vector<16xf32>
    %min3A_141 = vector.broadcast %jit3A_138 : f32 to vector<16xf32>
    %min3A_142 = arith.minimumf %min3A_141, %max3A_140 : vector<16xf32>
    %swap3A_143 = arith.constant 128 : index
    %swap3A_144 = tpu.vector_load %arg10[%swap3A_143] {strides = array<i32>} : memref<256xf32, #tpu.memory_space<vmem>>, vector<16xf32>,
    %swap3A_145 = vector.shape_cast %swap3A_144 : vector<16xf32> to vector<16xf32>
    %swap3A_146 = vector.shape_cast %min3A_142 : vector<16xf32> to vector<16xf32>
    tpu.vector_store %arg10[%swap3A_143], %swap3A_146 {strides = array<i32>} : memref<256xf32, #tpu.memory_space<vmem>>, vector<16xf32>,
    %get3A_147 = arith.constant 144 : index
    %get3A_148 = tpu.vector_load %arg10[%get3A_147] {strides = array<i32>} : memref<256xf32, #tpu.memory_space<vmem>>, vector<16xf32>,
    %get3A_149 = vector.shape_cast %get3A_148 : vector<16xf32> to vector<16xf32>
    %jit3A_150 = arith.constant 0.000000e+00 : f32
    %jit3A_151 = arith.constant 5.000000e+00 : f32
    %max3A_152 = vector.broadcast %jit3A_150 : f32 to vector<16xf32>
    %max3A_153 = arith.maximumf %max3A_152, %get3A_149 : vector<16xf32>
    %min3A_154 = vector.broadcast %jit3A_151 : f32 to vector<16xf32>
    %min3A_155 = arith.minimumf %min3A_154, %max3A_153 : vector<16xf32>
    %swap3A_156 = arith.constant 144 : index
    %swap3A_157 = tpu.vector_load %arg10[%swap3A_156] {strides = array<i32>} : memref<256xf32, #tpu.memory_space<vmem>>, vector<16xf32>,
    %swap3A_158 = vector.shape_cast %swap3A_157 : vector<16xf32> to vector<16xf32>
    %swap3A_159 = vector.shape_cast %min3A_155 : vector<16xf32> to vector<16xf32>
    tpu.vector_store %arg10[%swap3A_156], %swap3A_159 {strides = array<i32>} : memref<256xf32, #tpu.memory_space<vmem>>, vector<16xf32>,
    %get3A_160 = arith.constant 160 : index
    %get3A_161 = tpu.vector_load %arg10[%get3A_160] {strides = array<i32>} : memref<256xf32, #tpu.memory_space<vmem>>, vector<16xf32>,
    %get3A_162 = vector.shape_cast %get3A_161 : vector<16xf32> to vector<16xf32>
    %jit3A_163 = arith.constant 0.000000e+00 : f32
    %jit3A_164 = arith.constant 5.000000e+00 : f32
    %max3A_165 = vector.broadcast %jit3A_163 : f32 to vector<16xf32>
    %max3A_166 = arith.maximumf %max3A_165, %get3A_162 : vector<16xf32>
    %min3A_167 = vector.broadcast %jit3A_164 : f32 to vector<16xf32>
    %min3A_168 = arith.minimumf %min3A_167, %max3A_166 : vector<16xf32>
    %swap3A_169 = arith.constant 160 : index
    %swap3A_170 = tpu.vector_load %arg10[%swap3A_169] {strides = array<i32>} : memref<256xf32, #tpu.memory_space<vmem>>, vector<16xf32>,
    %swap3A_171 = vector.shape_cast %swap3A_170 : vector<16xf32> to vector<16xf32>
    %swap3A_172 = vector.shape_cast %min3A_168 : vector<16xf32> to vector<16xf32>
    tpu.vector_store %arg10[%swap3A_169], %swap3A_172 {strides = array<i32>} : memref<256xf32, #tpu.memory_space<vmem>>, vector<16xf32>,
    %get3A_173 = arith.constant 176 : index
    %get3A_174 = tpu.vector_load %arg10[%get3A_173] {strides = array<i32>} : memref<256xf32, #tpu.memory_space<vmem>>, vector<16xf32>,
    %get3A_175 = vector.shape_cast %get3A_174 : vector<16xf32> to vector<16xf32>
    %jit3A_176 = arith.constant 0.000000e+00 : f32
    %jit3A_177 = arith.constant 5.000000e+00 : f32
    %max3A_178 = vector.broadcast %jit3A_176 : f32 to vector<16xf32>
    %max3A_179 = arith.maximumf %max3A_178, %get3A_175 : vector<16xf32>
    %min3A_180 = vector.broadcast %jit3A_177 : f32 to vector<16xf32>
    %min3A_181 = arith.minimumf %min3A_180, %max3A_179 : vector<16xf32>
    %swap3A_182 = arith.constant 176 : index
    %swap3A_183 = tpu.vector_load %arg10[%swap3A_182] {strides = array<i32>} : memref<256xf32, #tpu.memory_space<vmem>>, vector<16xf32>,
    %swap3A_184 = vector.shape_cast %swap3A_183 : vector<16xf32> to vector<16xf32>
    %swap3A_185 = vector.shape_cast %min3A_181 : vector<16xf32> to vector<16xf32>
    tpu.vector_store %arg10[%swap3A_182], %swap3A_185 {strides = array<i32>} : memref<256xf32, #tpu.memory_space<vmem>>, vector<16xf32>,
    %get3A_186 = arith.constant 192 : index
    %get3A_187 = tpu.vector_load %arg10[%get3A_186] {strides = array<i32>} : memref<256xf32, #tpu.memory_space<vmem>>, vector<16xf32>,
    %get3A_188 = vector.shape_cast %get3A_187 : vector<16xf32> to vector<16xf32>
    %jit3A_189 = arith.constant 0.000000e+00 : f32
    %jit3A_190 = arith.constant 5.000000e+00 : f32
    %max3A_191 = vector.broadcast %jit3A_189 : f32 to vector<16xf32>
    %max3A_192 = arith.maximumf %max3A_191, %get3A_188 : vector<16xf32>
    %min3A_193 = vector.broadcast %jit3A_190 : f32 to vector<16xf32>
    %min3A_194 = arith.minimumf %min3A_193, %max3A_192 : vector<16xf32>
    %swap3A_195 = arith.constant 192 : index
    %swap3A_196 = tpu.vector_load %arg10[%swap3A_195] {strides = array<i32>} : memref<256xf32, #tpu.memory_space<vmem>>, vector<16xf32>,
    %swap3A_197 = vector.shape_cast %swap3A_196 : vector<16xf32> to vector<16xf32>
    %swap3A_198 = vector.shape_cast %min3A_194 : vector<16xf32> to vector<16xf32>
    tpu.vector_store %arg10[%swap3A_195], %swap3A_198 {strides = array<i32>} : memref<256xf32, #tpu.memory_space<vmem>>, vector<16xf32>,
    %get3A_199 = arith.constant 208 : index
    %get3A_200 = tpu.vector_load %arg10[%get3A_199] {strides = array<i32>} : memref<256xf32, #tpu.memory_space<vmem>>, vector<16xf32>,
    %get3A_201 = vector.shape_cast %get3A_200 : vector<16xf32> to vector<16xf32>
    %jit3A_202 = arith.constant 0.000000e+00 : f32
    %jit3A_203 = arith.constant 5.000000e+00 : f32
    %max3A_204 = vector.broadcast %jit3A_202 : f32 to vector<16xf32>
    %max3A_205 = arith.maximumf %max3A_204, %get3A_201 : vector<16xf32>
    %min3A_206 = vector.broadcast %jit3A_203 : f32 to vector<16xf32>
    %min3A_207 = arith.minimumf %min3A_206, %max3A_205 : vector<16xf32>
    %swap3A_208 = arith.constant 208 : index
    %swap3A_209 = tpu.vector_load %arg10[%swap3A_208] {strides = array<i32>} : memref<256xf32, #tpu.memory_space<vmem>>, vector<16xf32>,
    %swap3A_210 = vector.shape_cast %swap3A_209 : vector<16xf32> to vector<16xf32>
    %swap3A_211 = vector.shape_cast %min3A_207 : vector<16xf32> to vector<16xf32>
    tpu.vector_store %arg10[%swap3A_208], %swap3A_211 {strides = array<i32>} : memref<256xf32, #tpu.memory_space<vmem>>, vector<16xf32>,
    %get3A_212 = arith.constant 224 : index
    %get3A_213 = tpu.vector_load %arg10[%get3A_212] {strides = array<i32>} : memref<256xf32, #tpu.memory_space<vmem>>, vector<16xf32>,
    %get3A_214 = vector.shape_cast %get3A_213 : vector<16xf32> to vector<16xf32>
    %jit3A_215 = arith.constant 0.000000e+00 : f32
    %jit3A_216 = arith.constant 5.000000e+00 : f32
    %max3A_217 = vector.broadcast %jit3A_215 : f32 to vector<16xf32>
    %max3A_218 = arith.maximumf %max3A_217, %get3A_214 : vector<16xf32>
    %min3A_219 = vector.broadcast %jit3A_216 : f32 to vector<16xf32>
    %min3A_220 = arith.minimumf %min3A_219, %max3A_218 : vector<16xf32>
    %swap3A_221 = arith.constant 224 : index
    %swap3A_222 = tpu.vector_load %arg10[%swap3A_221] {strides = array<i32>} : memref<256xf32, #tpu.memory_space<vmem>>, vector<16xf32>,
    %swap3A_223 = vector.shape_cast %swap3A_222 : vector<16xf32> to vector<16xf32>
    %swap3A_224 = vector.shape_cast %min3A_220 : vector<16xf32> to vector<16xf32>
    tpu.vector_store %arg10[%swap3A_221], %swap3A_224 {strides = array<i32>} : memref<256xf32, #tpu.memory_space<vmem>>, vector<16xf32>,
    %get3A_225 = arith.constant 240 : index
    %get3A_226 = tpu.vector_load %arg10[%get3A_225] {strides = array<i32>} : memref<256xf32, #tpu.memory_space<vmem>>, vector<16xf32>,
    %get3A_227 = vector.shape_cast %get3A_226 : vector<16xf32> to vector<16xf32>
    %jit3A_228 = arith.constant 0.000000e+00 : f32
    %jit3A_229 = arith.constant 5.000000e+00 : f32
    %max3A_230 = vector.broadcast %jit3A_228 : f32 to vector<16xf32>
    %max3A_231 = arith.maximumf %max3A_230, %get3A_227 : vector<16xf32>
    %min3A_232 = vector.broadcast %jit3A_229 : f32 to vector<16xf32>
    %min3A_233 = arith.minimumf %min3A_232, %max3A_231 : vector<16xf32>
    %swap3A_234 = arith.constant 240 : index
    %swap3A_235 = tpu.vector_load %arg10[%swap3A_234] {strides = array<i32>} : memref<256xf32, #tpu.memory_space<vmem>>, vector<16xf32>,
    %swap3A_236 = vector.shape_cast %swap3A_235 : vector<16xf32> to vector<16xf32>
    %swap3A_237 = vector.shape_cast %min3A_233 : vector<16xf32> to vector<16xf32>
    tpu.vector_store %arg10[%swap3A_234], %swap3A_237 {strides = array<i32>} : memref<256xf32, #tpu.memory_space<vmem>>, vector<16xf32>,
    "tpu.region"() ({
      %run_scoped3A = tpu.sem_alloc : memref<!tpu.dma_semaphore, #tpu.memory_space<semaphore_mem>>
      %dma_start3A = tpu.memref_slice %arg7[%mul3A_2] : memref<50000xf32, #tpu.memory_space<hbm>> -> memref<256xf32, #tpu.memory_space<hbm>>
      %dma_start3A_330 = tpu.memref_slice %arg7[%mul3A_2] : memref<50000xf32, #tpu.memory_space<hbm>> -> memref<256xf32, #tpu.memory_space<hbm>>
      tpu.enqueue_dma source(%arg10 : memref<256xf32, #tpu.memory_space<vmem>>) target(%dma_start3A_330 : memref<256xf32, #tpu.memory_space<hbm>>) target_semaphore(%run_scoped3A : memref<!tpu.dma_semaphore, #tpu.memory_space<semaphore_mem>>)
      %dma_wait3A = tpu.memref_slice %arg7[%mul3A_2] : memref<50000xf32, #tpu.memory_space<hbm>> -> memref<256xf32, #tpu.memory_space<hbm>>
      %dma_wait3A_331 = tpu.memref_slice %arg7[%mul3A_2] : memref<50000xf32, #tpu.memory_space<hbm>> -> memref<256xf32, #tpu.memory_space<hbm>>
      tpu.wait_dma2 semaphore(%run_scoped3A : memref<!tpu.dma_semaphore, #tpu.memory_space<semaphore_mem>>) src(%arg10 : memref<256xf32, #tpu.memory_space<vmem>>) dst(%dma_wait3A_331 : memref<256xf32, #tpu.memory_space<hbm>>)
      tpu.yield
    }) : () -> ()
    "tpu.region"() ({
      %run_scoped3A = tpu.sem_alloc : memref<!tpu.dma_semaphore, #tpu.memory_space<semaphore_mem>>
      %dma_start3A = arith.constant 0 : i32
      %dma_start3A_330 = arith.constant 0 : i32
      %dma_start3A_331 = tpu.memref_slice %arg4[%dma_start3A, %dma_start3A_330] : memref<50000x1024xf32, #tpu.memory_space<hbm>> -> memref<32x1024xf32, #tpu.memory_space<hbm>>
      %dma_start3A_332 = arith.constant 0 : i32
      %dma_start3A_333 = arith.constant 0 : i32
      %dma_start3A_334 = tpu.memref_slice %arg4[%dma_start3A_332, %dma_start3A_333] : memref<50000x1024xf32, #tpu.memory_space<hbm>> -> memref<32x1024xf32, #tpu.memory_space<hbm>>
      tpu.enqueue_dma source(%dma_start3A_334 : memref<32x1024xf32, #tpu.memory_space<hbm>>) target(%arg9 : memref<32x1024xf32, #tpu.memory_space<vmem>>) target_semaphore(%run_scoped3A : memref<!tpu.dma_semaphore, #tpu.memory_space<semaphore_mem>>)
      %dma_wait3A = arith.constant 0 : i32
      %dma_wait3A_335 = arith.constant 0 : i32
      %dma_wait3A_336 = tpu.memref_slice %arg4[%dma_wait3A, %dma_wait3A_335] : memref<50000x1024xf32, #tpu.memory_space<hbm>> -> memref<32x1024xf32, #tpu.memory_space<hbm>>
      %dma_wait3A_337 = arith.constant 0 : i32
      %dma_wait3A_338 = arith.constant 0 : i32
      %dma_wait3A_339 = tpu.memref_slice %arg4[%dma_wait3A_337, %dma_wait3A_338] : memref<50000x1024xf32, #tpu.memory_space<hbm>> -> memref<32x1024xf32, #tpu.memory_space<hbm>>
      tpu.wait_dma2 semaphore(%run_scoped3A : memref<!tpu.dma_semaphore, #tpu.memory_space<semaphore_mem>>) src(%dma_wait3A_339 : memref<32x1024xf32, #tpu.memory_space<hbm>>) dst(%arg9 : memref<32x1024xf32, #tpu.memory_space<vmem>>)
      tpu.yield
    }) : () -> ()
    "tpu.region"() ({
      %run_scoped3A = tpu.sem_alloc : memref<!tpu.dma_semaphore, #tpu.memory_space<semaphore_mem>>
      %dma_start3A = arith.constant 0 : i32
      %dma_start3A_330 = tpu.memref_slice %arg5[%dma_start3A] : memref<50000xf32, #tpu.memory_space<hbm>> -> memref<1384xf32, #tpu.memory_space<hbm>>
      %dma_start3A_331 = arith.constant 0 : i32
      %dma_start3A_332 = tpu.memref_slice %arg5[%dma_start3A_331] : memref<50000xf32, #tpu.memory_space<hbm>> -> memref<1384xf32, #tpu.memory_space<hbm>>
      tpu.enqueue_dma source(%dma_start3A_332 : memref<1384xf32, #tpu.memory_space<hbm>>) target(%arg11 : memref<1384xf32, #tpu.memory_space<vmem>>) target_semaphore(%run_scoped3A : memref<!tpu.dma_semaphore, #tpu.memory_space<semaphore_mem>>)
      %dma_wait3A = arith.constant 0 : i32
      %dma_wait3A_333 = tpu.memref_slice %arg5[%dma_wait3A] : memref<50000xf32, #tpu.memory_space<hbm>> -> memref<1384xf32, #tpu.memory_space<hbm>>
      %dma_wait3A_334 = arith.constant 0 : i32
      %dma_wait3A_335 = tpu.memref_slice %arg5[%dma_wait3A_334] : memref<50000xf32, #tpu.memory_space<hbm>> -> memref<1384xf32, #tpu.memory_space<hbm>>
      tpu.wait_dma2 semaphore(%run_scoped3A : memref<!tpu.dma_semaphore, #tpu.memory_space<semaphore_mem>>) src(%dma_wait3A_335 : memref<1384xf32, #tpu.memory_space<hbm>>) dst(%arg11 : memref<1384xf32, #tpu.memory_space<vmem>>)
      tpu.yield
    }) : () -> ()
    %mul3A_238 = arith.constant 1304 : i32
    %mul3A_239 = arith.muli %add3A, %mul3A_238 : i32
    %add3A_240 = arith.constant 8192 : i32
    %add3A_241 = arith.addi %add3A_240, %mul3A_239 : i32
    %add3A_242 = arith.constant 0 : i32
    %add3A_243 = arith.addi %add3A_241, %add3A_242 : i32
    "tpu.region"() ({
      %run_scoped3A = tpu.sem_alloc : memref<!tpu.dma_semaphore, #tpu.memory_space<semaphore_mem>>
      %dma_start3A = arith.constant 0 : i32
      %dma_start3A_330 = arith.constant 0 : i32
      %dma_start3A_331 = tpu.memref_slice %arg9[%dma_start3A, %dma_start3A_330] : memref<32x1024xf32, #tpu.memory_space<vmem>> -> memref<32x1024xf32, #tpu.memory_space<vmem>>
      %dma_start3A_332 = arith.constant 0 : i32
      %dma_start3A_333 = tpu.memref_slice %arg6[%add3A_243, %dma_start3A_332] : memref<50000x1024xf32, #tpu.memory_space<hbm>> -> memref<32x1024xf32, #tpu.memory_space<hbm>>
      %dma_start3A_334 = arith.constant 0 : i32
      %dma_start3A_335 = tpu.memref_slice %arg6[%add3A_243, %dma_start3A_334] : memref<50000x1024xf32, #tpu.memory_space<hbm>> -> memref<32x1024xf32, #tpu.memory_space<hbm>>
      %dma_start3A_336 = arith.constant 0 : i32
      %dma_start3A_337 = arith.constant 0 : i32
      %dma_start3A_338 = tpu.memref_slice %arg9[%dma_start3A_336, %dma_start3A_337] : memref<32x1024xf32, #tpu.memory_space<vmem>> -> memref<32x1024xf32, #tpu.memory_space<vmem>>
      tpu.enqueue_dma source(%dma_start3A_338 : memref<32x1024xf32, #tpu.memory_space<vmem>>) target(%dma_start3A_335 : memref<32x1024xf32, #tpu.memory_space<hbm>>) target_semaphore(%run_scoped3A : memref<!tpu.dma_semaphore, #tpu.memory_space<semaphore_mem>>)
      %dma_wait3A = arith.constant 0 : i32
      %dma_wait3A_339 = arith.constant 0 : i32
      %dma_wait3A_340 = tpu.memref_slice %arg9[%dma_wait3A, %dma_wait3A_339] : memref<32x1024xf32, #tpu.memory_space<vmem>> -> memref<32x1024xf32, #tpu.memory_space<vmem>>
      %dma_wait3A_341 = arith.constant 0 : i32
      %dma_wait3A_342 = tpu.memref_slice %arg6[%add3A_243, %dma_wait3A_341] : memref<50000x1024xf32, #tpu.memory_space<hbm>> -> memref<32x1024xf32, #tpu.memory_space<hbm>>
      %dma_wait3A_343 = arith.constant 0 : i32
      %dma_wait3A_344 = tpu.memref_slice %arg6[%add3A_243, %dma_wait3A_343] : memref<50000x1024xf32, #tpu.memory_space<hbm>> -> memref<32x1024xf32, #tpu.memory_space<hbm>>
      %dma_wait3A_345 = arith.constant 0 : i32
      %dma_wait3A_346 = arith.constant 0 : i32
      %dma_wait3A_347 = tpu.memref_slice %arg9[%dma_wait3A_345, %dma_wait3A_346] : memref<32x1024xf32, #tpu.memory_space<vmem>> -> memref<32x1024xf32, #tpu.memory_space<vmem>>
      tpu.wait_dma2 semaphore(%run_scoped3A : memref<!tpu.dma_semaphore, #tpu.memory_space<semaphore_mem>>) src(%dma_wait3A_347 : memref<32x1024xf32, #tpu.memory_space<vmem>>) dst(%dma_wait3A_344 : memref<32x1024xf32, #tpu.memory_space<hbm>>)
      tpu.yield
    }) : () -> ()
    %add3A_244 = arith.constant 32 : i32
    %add3A_245 = arith.addi %add3A_241, %add3A_244 : i32
    "tpu.region"() ({
      %run_scoped3A = tpu.sem_alloc : memref<!tpu.dma_semaphore, #tpu.memory_space<semaphore_mem>>
      %dma_start3A = arith.constant 0 : i32
      %dma_start3A_330 = arith.constant 0 : i32
      %dma_start3A_331 = tpu.memref_slice %arg9[%dma_start3A, %dma_start3A_330] : memref<32x1024xf32, #tpu.memory_space<vmem>> -> memref<32x1024xf32, #tpu.memory_space<vmem>>
      %dma_start3A_332 = arith.constant 0 : i32
      %dma_start3A_333 = tpu.memref_slice %arg6[%add3A_245, %dma_start3A_332] : memref<50000x1024xf32, #tpu.memory_space<hbm>> -> memref<32x1024xf32, #tpu.memory_space<hbm>>
      %dma_start3A_334 = arith.constant 0 : i32
      %dma_start3A_335 = tpu.memref_slice %arg6[%add3A_245, %dma_start3A_334] : memref<50000x1024xf32, #tpu.memory_space<hbm>> -> memref<32x1024xf32, #tpu.memory_space<hbm>>
      %dma_start3A_336 = arith.constant 0 : i32
      %dma_start3A_337 = arith.constant 0 : i32
      %dma_start3A_338 = tpu.memref_slice %arg9[%dma_start3A_336, %dma_start3A_337] : memref<32x1024xf32, #tpu.memory_space<vmem>> -> memref<32x1024xf32, #tpu.memory_space<vmem>>
      tpu.enqueue_dma source(%dma_start3A_338 : memref<32x1024xf32, #tpu.memory_space<vmem>>) target(%dma_start3A_335 : memref<32x1024xf32, #tpu.memory_space<hbm>>) target_semaphore(%run_scoped3A : memref<!tpu.dma_semaphore, #tpu.memory_space<semaphore_mem>>)
      %dma_wait3A = arith.constant 0 : i32
      %dma_wait3A_339 = arith.constant 0 : i32
      %dma_wait3A_340 = tpu.memref_slice %arg9[%dma_wait3A, %dma_wait3A_339] : memref<32x1024xf32, #tpu.memory_space<vmem>> -> memref<32x1024xf32, #tpu.memory_space<vmem>>
      %dma_wait3A_341 = arith.constant 0 : i32
      %dma_wait3A_342 = tpu.memref_slice %arg6[%add3A_245, %dma_wait3A_341] : memref<50000x1024xf32, #tpu.memory_space<hbm>> -> memref<32x1024xf32, #tpu.memory_space<hbm>>
      %dma_wait3A_343 = arith.constant 0 : i32
      %dma_wait3A_344 = tpu.memref_slice %arg6[%add3A_245, %dma_wait3A_343] : memref<50000x1024xf32, #tpu.memory_space<hbm>> -> memref<32x1024xf32, #tpu.memory_space<hbm>>
      %dma_wait3A_345 = arith.constant 0 : i32
      %dma_wait3A_346 = arith.constant 0 : i32
      %dma_wait3A_347 = tpu.memref_slice %arg9[%dma_wait3A_345, %dma_wait3A_346] : memref<32x1024xf32, #tpu.memory_space<vmem>> -> memref<32x1024xf32, #tpu.memory_space<vmem>>
      tpu.wait_dma2 semaphore(%run_scoped3A : memref<!tpu.dma_semaphore, #tpu.memory_space<semaphore_mem>>) src(%dma_wait3A_347 : memref<32x1024xf32, #tpu.memory_space<vmem>>) dst(%dma_wait3A_344 : memref<32x1024xf32, #tpu.memory_space<hbm>>)
      tpu.yield
    }) : () -> ()
    %add3A_246 = arith.constant 64 : i32
    %add3A_247 = arith.addi %add3A_241, %add3A_246 : i32
    "tpu.region"() ({
      %run_scoped3A = tpu.sem_alloc : memref<!tpu.dma_semaphore, #tpu.memory_space<semaphore_mem>>
      %dma_start3A = arith.constant 0 : i32
      %dma_start3A_330 = arith.constant 0 : i32
      %dma_start3A_331 = tpu.memref_slice %arg9[%dma_start3A, %dma_start3A_330] : memref<32x1024xf32, #tpu.memory_space<vmem>> -> memref<32x1024xf32, #tpu.memory_space<vmem>>
      %dma_start3A_332 = arith.constant 0 : i32
      %dma_start3A_333 = tpu.memref_slice %arg6[%add3A_247, %dma_start3A_332] : memref<50000x1024xf32, #tpu.memory_space<hbm>> -> memref<32x1024xf32, #tpu.memory_space<hbm>>
      %dma_start3A_334 = arith.constant 0 : i32
      %dma_start3A_335 = tpu.memref_slice %arg6[%add3A_247, %dma_start3A_334] : memref<50000x1024xf32, #tpu.memory_space<hbm>> -> memref<32x1024xf32, #tpu.memory_space<hbm>>
      %dma_start3A_336 = arith.constant 0 : i32
      %dma_start3A_337 = arith.constant 0 : i32
      %dma_start3A_338 = tpu.memref_slice %arg9[%dma_start3A_336, %dma_start3A_337] : memref<32x1024xf32, #tpu.memory_space<vmem>> -> memref<32x1024xf32, #tpu.memory_space<vmem>>
      tpu.enqueue_dma source(%dma_start3A_338 : memref<32x1024xf32, #tpu.memory_space<vmem>>) target(%dma_start3A_335 : memref<32x1024xf32, #tpu.memory_space<hbm>>) target_semaphore(%run_scoped3A : memref<!tpu.dma_semaphore, #tpu.memory_space<semaphore_mem>>)
      %dma_wait3A = arith.constant 0 : i32
      %dma_wait3A_339 = arith.constant 0 : i32
      %dma_wait3A_340 = tpu.memref_slice %arg9[%dma_wait3A, %dma_wait3A_339] : memref<32x1024xf32, #tpu.memory_space<vmem>> -> memref<32x1024xf32, #tpu.memory_space<vmem>>
      %dma_wait3A_341 = arith.constant 0 : i32
      %dma_wait3A_342 = tpu.memref_slice %arg6[%add3A_247, %dma_wait3A_341] : memref<50000x1024xf32, #tpu.memory_space<hbm>> -> memref<32x1024xf32, #tpu.memory_space<hbm>>
      %dma_wait3A_343 = arith.constant 0 : i32
      %dma_wait3A_344 = tpu.memref_slice %arg6[%add3A_247, %dma_wait3A_343] : memref<50000x1024xf32, #tpu.memory_space<hbm>> -> memref<32x1024xf32, #tpu.memory_space<hbm>>
      %dma_wait3A_345 = arith.constant 0 : i32
      %dma_wait3A_346 = arith.constant 0 : i32
      %dma_wait3A_347 = tpu.memref_slice %arg9[%dma_wait3A_345, %dma_wait3A_346] : memref<32x1024xf32, #tpu.memory_space<vmem>> -> memref<32x1024xf32, #tpu.memory_space<vmem>>
      tpu.wait_dma2 semaphore(%run_scoped3A : memref<!tpu.dma_semaphore, #tpu.memory_space<semaphore_mem>>) src(%dma_wait3A_347 : memref<32x1024xf32, #tpu.memory_space<vmem>>) dst(%dma_wait3A_344 : memref<32x1024xf32, #tpu.memory_space<hbm>>)
      tpu.yield
    }) : () -> ()
    %add3A_248 = arith.constant 96 : i32
    %add3A_249 = arith.addi %add3A_241, %add3A_248 : i32
    "tpu.region"() ({
      %run_scoped3A = tpu.sem_alloc : memref<!tpu.dma_semaphore, #tpu.memory_space<semaphore_mem>>
      %dma_start3A = arith.constant 0 : i32
      %dma_start3A_330 = arith.constant 0 : i32
      %dma_start3A_331 = tpu.memref_slice %arg9[%dma_start3A, %dma_start3A_330] : memref<32x1024xf32, #tpu.memory_space<vmem>> -> memref<32x1024xf32, #tpu.memory_space<vmem>>
      %dma_start3A_332 = arith.constant 0 : i32
      %dma_start3A_333 = tpu.memref_slice %arg6[%add3A_249, %dma_start3A_332] : memref<50000x1024xf32, #tpu.memory_space<hbm>> -> memref<32x1024xf32, #tpu.memory_space<hbm>>
      %dma_start3A_334 = arith.constant 0 : i32
      %dma_start3A_335 = tpu.memref_slice %arg6[%add3A_249, %dma_start3A_334] : memref<50000x1024xf32, #tpu.memory_space<hbm>> -> memref<32x1024xf32, #tpu.memory_space<hbm>>
      %dma_start3A_336 = arith.constant 0 : i32
      %dma_start3A_337 = arith.constant 0 : i32
      %dma_start3A_338 = tpu.memref_slice %arg9[%dma_start3A_336, %dma_start3A_337] : memref<32x1024xf32, #tpu.memory_space<vmem>> -> memref<32x1024xf32, #tpu.memory_space<vmem>>
      tpu.enqueue_dma source(%dma_start3A_338 : memref<32x1024xf32, #tpu.memory_space<vmem>>) target(%dma_start3A_335 : memref<32x1024xf32, #tpu.memory_space<hbm>>) target_semaphore(%run_scoped3A : memref<!tpu.dma_semaphore, #tpu.memory_space<semaphore_mem>>)
      %dma_wait3A = arith.constant 0 : i32
      %dma_wait3A_339 = arith.constant 0 : i32
      %dma_wait3A_340 = tpu.memref_slice %arg9[%dma_wait3A, %dma_wait3A_339] : memref<32x1024xf32, #tpu.memory_space<vmem>> -> memref<32x1024xf32, #tpu.memory_space<vmem>>
      %dma_wait3A_341 = arith.constant 0 : i32
      %dma_wait3A_342 = tpu.memref_slice %arg6[%add3A_249, %dma_wait3A_341] : memref<50000x1024xf32, #tpu.memory_space<hbm>> -> memref<32x1024xf32, #tpu.memory_space<hbm>>
      %dma_wait3A_343 = arith.constant 0 : i32
      %dma_wait3A_344 = tpu.memref_slice %arg6[%add3A_249, %dma_wait3A_343] : memref<50000x1024xf32, #tpu.memory_space<hbm>> -> memref<32x1024xf32, #tpu.memory_space<hbm>>
      %dma_wait3A_345 = arith.constant 0 : i32
      %dma_wait3A_346 = arith.constant 0 : i32
      %dma_wait3A_347 = tpu.memref_slice %arg9[%dma_wait3A_345, %dma_wait3A_346] : memref<32x1024xf32, #tpu.memory_space<vmem>> -> memref<32x1024xf32, #tpu.memory_space<vmem>>
      tpu.wait_dma2 semaphore(%run_scoped3A : memref<!tpu.dma_semaphore, #tpu.memory_space<semaphore_mem>>) src(%dma_wait3A_347 : memref<32x1024xf32, #tpu.memory_space<vmem>>) dst(%dma_wait3A_344 : memref<32x1024xf32, #tpu.memory_space<hbm>>)
      tpu.yield
    }) : () -> ()
    %add3A_250 = arith.constant 128 : i32
    %add3A_251 = arith.addi %add3A_241, %add3A_250 : i32
    "tpu.region"() ({
      %run_scoped3A = tpu.sem_alloc : memref<!tpu.dma_semaphore, #tpu.memory_space<semaphore_mem>>
      %dma_start3A = arith.constant 0 : i32
      %dma_start3A_330 = arith.constant 0 : i32
      %dma_start3A_331 = tpu.memref_slice %arg9[%dma_start3A, %dma_start3A_330] : memref<32x1024xf32, #tpu.memory_space<vmem>> -> memref<32x1024xf32, #tpu.memory_space<vmem>>
      %dma_start3A_332 = arith.constant 0 : i32
      %dma_start3A_333 = tpu.memref_slice %arg6[%add3A_251, %dma_start3A_332] : memref<50000x1024xf32, #tpu.memory_space<hbm>> -> memref<32x1024xf32, #tpu.memory_space<hbm>>
      %dma_start3A_334 = arith.constant 0 : i32
      %dma_start3A_335 = tpu.memref_slice %arg6[%add3A_251, %dma_start3A_334] : memref<50000x1024xf32, #tpu.memory_space<hbm>> -> memref<32x1024xf32, #tpu.memory_space<hbm>>
      %dma_start3A_336 = arith.constant 0 : i32
      %dma_start3A_337 = arith.constant 0 : i32
      %dma_start3A_338 = tpu.memref_slice %arg9[%dma_start3A_336, %dma_start3A_337] : memref<32x1024xf32, #tpu.memory_space<vmem>> -> memref<32x1024xf32, #tpu.memory_space<vmem>>
      tpu.enqueue_dma source(%dma_start3A_338 : memref<32x1024xf32, #tpu.memory_space<vmem>>) target(%dma_start3A_335 : memref<32x1024xf32, #tpu.memory_space<hbm>>) target_semaphore(%run_scoped3A : memref<!tpu.dma_semaphore, #tpu.memory_space<semaphore_mem>>)
      %dma_wait3A = arith.constant 0 : i32
      %dma_wait3A_339 = arith.constant 0 : i32
      %dma_wait3A_340 = tpu.memref_slice %arg9[%dma_wait3A, %dma_wait3A_339] : memref<32x1024xf32, #tpu.memory_space<vmem>> -> memref<32x1024xf32, #tpu.memory_space<vmem>>
      %dma_wait3A_341 = arith.constant 0 : i32
      %dma_wait3A_342 = tpu.memref_slice %arg6[%add3A_251, %dma_wait3A_341] : memref<50000x1024xf32, #tpu.memory_space<hbm>> -> memref<32x1024xf32, #tpu.memory_space<hbm>>
      %dma_wait3A_343 = arith.constant 0 : i32
      %dma_wait3A_344 = tpu.memref_slice %arg6[%add3A_251, %dma_wait3A_343] : memref<50000x1024xf32, #tpu.memory_space<hbm>> -> memref<32x1024xf32, #tpu.memory_space<hbm>>
      %dma_wait3A_345 = arith.constant 0 : i32
      %dma_wait3A_346 = arith.constant 0 : i32
      %dma_wait3A_347 = tpu.memref_slice %arg9[%dma_wait3A_345, %dma_wait3A_346] : memref<32x1024xf32, #tpu.memory_space<vmem>> -> memref<32x1024xf32, #tpu.memory_space<vmem>>
      tpu.wait_dma2 semaphore(%run_scoped3A : memref<!tpu.dma_semaphore, #tpu.memory_space<semaphore_mem>>) src(%dma_wait3A_347 : memref<32x1024xf32, #tpu.memory_space<vmem>>) dst(%dma_wait3A_344 : memref<32x1024xf32, #tpu.memory_space<hbm>>)
      tpu.yield
    }) : () -> ()
    %add3A_252 = arith.constant 160 : i32
    %add3A_253 = arith.addi %add3A_241, %add3A_252 : i32
    "tpu.region"() ({
      %run_scoped3A = tpu.sem_alloc : memref<!tpu.dma_semaphore, #tpu.memory_space<semaphore_mem>>
      %dma_start3A = arith.constant 0 : i32
      %dma_start3A_330 = arith.constant 0 : i32
      %dma_start3A_331 = tpu.memref_slice %arg9[%dma_start3A, %dma_start3A_330] : memref<32x1024xf32, #tpu.memory_space<vmem>> -> memref<32x1024xf32, #tpu.memory_space<vmem>>
      %dma_start3A_332 = arith.constant 0 : i32
      %dma_start3A_333 = tpu.memref_slice %arg6[%add3A_253, %dma_start3A_332] : memref<50000x1024xf32, #tpu.memory_space<hbm>> -> memref<32x1024xf32, #tpu.memory_space<hbm>>
      %dma_start3A_334 = arith.constant 0 : i32
      %dma_start3A_335 = tpu.memref_slice %arg6[%add3A_253, %dma_start3A_334] : memref<50000x1024xf32, #tpu.memory_space<hbm>> -> memref<32x1024xf32, #tpu.memory_space<hbm>>
      %dma_start3A_336 = arith.constant 0 : i32
      %dma_start3A_337 = arith.constant 0 : i32
      %dma_start3A_338 = tpu.memref_slice %arg9[%dma_start3A_336, %dma_start3A_337] : memref<32x1024xf32, #tpu.memory_space<vmem>> -> memref<32x1024xf32, #tpu.memory_space<vmem>>
      tpu.enqueue_dma source(%dma_start3A_338 : memref<32x1024xf32, #tpu.memory_space<vmem>>) target(%dma_start3A_335 : memref<32x1024xf32, #tpu.memory_space<hbm>>) target_semaphore(%run_scoped3A : memref<!tpu.dma_semaphore, #tpu.memory_space<semaphore_mem>>)
      %dma_wait3A = arith.constant 0 : i32
      %dma_wait3A_339 = arith.constant 0 : i32
      %dma_wait3A_340 = tpu.memref_slice %arg9[%dma_wait3A, %dma_wait3A_339] : memref<32x1024xf32, #tpu.memory_space<vmem>> -> memref<32x1024xf32, #tpu.memory_space<vmem>>
      %dma_wait3A_341 = arith.constant 0 : i32
      %dma_wait3A_342 = tpu.memref_slice %arg6[%add3A_253, %dma_wait3A_341] : memref<50000x1024xf32, #tpu.memory_space<hbm>> -> memref<32x1024xf32, #tpu.memory_space<hbm>>
      %dma_wait3A_343 = arith.constant 0 : i32
      %dma_wait3A_344 = tpu.memref_slice %arg6[%add3A_253, %dma_wait3A_343] : memref<50000x1024xf32, #tpu.memory_space<hbm>> -> memref<32x1024xf32, #tpu.memory_space<hbm>>
      %dma_wait3A_345 = arith.constant 0 : i32
      %dma_wait3A_346 = arith.constant 0 : i32
      %dma_wait3A_347 = tpu.memref_slice %arg9[%dma_wait3A_345, %dma_wait3A_346] : memref<32x1024xf32, #tpu.memory_space<vmem>> -> memref<32x1024xf32, #tpu.memory_space<vmem>>
      tpu.wait_dma2 semaphore(%run_scoped3A : memref<!tpu.dma_semaphore, #tpu.memory_space<semaphore_mem>>) src(%dma_wait3A_347 : memref<32x1024xf32, #tpu.memory_space<vmem>>) dst(%dma_wait3A_344 : memref<32x1024xf32, #tpu.memory_space<hbm>>)
      tpu.yield
    }) : () -> ()
    %add3A_254 = arith.constant 192 : i32
    %add3A_255 = arith.addi %add3A_241, %add3A_254 : i32
    "tpu.region"() ({
      %run_scoped3A = tpu.sem_alloc : memref<!tpu.dma_semaphore, #tpu.memory_space<semaphore_mem>>
      %dma_start3A = arith.constant 0 : i32
      %dma_start3A_330 = arith.constant 0 : i32
      %dma_start3A_331 = tpu.memref_slice %arg9[%dma_start3A, %dma_start3A_330] : memref<32x1024xf32, #tpu.memory_space<vmem>> -> memref<32x1024xf32, #tpu.memory_space<vmem>>
      %dma_start3A_332 = arith.constant 0 : i32
      %dma_start3A_333 = tpu.memref_slice %arg6[%add3A_255, %dma_start3A_332] : memref<50000x1024xf32, #tpu.memory_space<hbm>> -> memref<32x1024xf32, #tpu.memory_space<hbm>>
      %dma_start3A_334 = arith.constant 0 : i32
      %dma_start3A_335 = tpu.memref_slice %arg6[%add3A_255, %dma_start3A_334] : memref<50000x1024xf32, #tpu.memory_space<hbm>> -> memref<32x1024xf32, #tpu.memory_space<hbm>>
      %dma_start3A_336 = arith.constant 0 : i32
      %dma_start3A_337 = arith.constant 0 : i32
      %dma_start3A_338 = tpu.memref_slice %arg9[%dma_start3A_336, %dma_start3A_337] : memref<32x1024xf32, #tpu.memory_space<vmem>> -> memref<32x1024xf32, #tpu.memory_space<vmem>>
      tpu.enqueue_dma source(%dma_start3A_338 : memref<32x1024xf32, #tpu.memory_space<vmem>>) target(%dma_start3A_335 : memref<32x1024xf32, #tpu.memory_space<hbm>>) target_semaphore(%run_scoped3A : memref<!tpu.dma_semaphore, #tpu.memory_space<semaphore_mem>>)
      %dma_wait3A = arith.constant 0 : i32
      %dma_wait3A_339 = arith.constant 0 : i32
      %dma_wait3A_340 = tpu.memref_slice %arg9[%dma_wait3A, %dma_wait3A_339] : memref<32x1024xf32, #tpu.memory_space<vmem>> -> memref<32x1024xf32, #tpu.memory_space<vmem>>
      %dma_wait3A_341 = arith.constant 0 : i32
      %dma_wait3A_342 = tpu.memref_slice %arg6[%add3A_255, %dma_wait3A_341] : memref<50000x1024xf32, #tpu.memory_space<hbm>> -> memref<32x1024xf32, #tpu.memory_space<hbm>>
      %dma_wait3A_343 = arith.constant 0 : i32
      %dma_wait3A_344 = tpu.memref_slice %arg6[%add3A_255, %dma_wait3A_343] : memref<50000x1024xf32, #tpu.memory_space<hbm>> -> memref<32x1024xf32, #tpu.memory_space<hbm>>
      %dma_wait3A_345 = arith.constant 0 : i32
      %dma_wait3A_346 = arith.constant 0 : i32
      %dma_wait3A_347 = tpu.memref_slice %arg9[%dma_wait3A_345, %dma_wait3A_346] : memref<32x1024xf32, #tpu.memory_space<vmem>> -> memref<32x1024xf32, #tpu.memory_space<vmem>>
      tpu.wait_dma2 semaphore(%run_scoped3A : memref<!tpu.dma_semaphore, #tpu.memory_space<semaphore_mem>>) src(%dma_wait3A_347 : memref<32x1024xf32, #tpu.memory_space<vmem>>) dst(%dma_wait3A_344 : memref<32x1024xf32, #tpu.memory_space<hbm>>)
      tpu.yield
    }) : () -> ()
    %add3A_256 = arith.constant 224 : i32
    %add3A_257 = arith.addi %add3A_241, %add3A_256 : i32
    "tpu.region"() ({
      %run_scoped3A = tpu.sem_alloc : memref<!tpu.dma_semaphore, #tpu.memory_space<semaphore_mem>>
      %dma_start3A = arith.constant 0 : i32
      %dma_start3A_330 = arith.constant 0 : i32
      %dma_start3A_331 = tpu.memref_slice %arg9[%dma_start3A, %dma_start3A_330] : memref<32x1024xf32, #tpu.memory_space<vmem>> -> memref<32x1024xf32, #tpu.memory_space<vmem>>
      %dma_start3A_332 = arith.constant 0 : i32
      %dma_start3A_333 = tpu.memref_slice %arg6[%add3A_257, %dma_start3A_332] : memref<50000x1024xf32, #tpu.memory_space<hbm>> -> memref<32x1024xf32, #tpu.memory_space<hbm>>
      %dma_start3A_334 = arith.constant 0 : i32
      %dma_start3A_335 = tpu.memref_slice %arg6[%add3A_257, %dma_start3A_334] : memref<50000x1024xf32, #tpu.memory_space<hbm>> -> memref<32x1024xf32, #tpu.memory_space<hbm>>
      %dma_start3A_336 = arith.constant 0 : i32
      %dma_start3A_337 = arith.constant 0 : i32
      %dma_start3A_338 = tpu.memref_slice %arg9[%dma_start3A_336, %dma_start3A_337] : memref<32x1024xf32, #tpu.memory_space<vmem>> -> memref<32x1024xf32, #tpu.memory_space<vmem>>
      tpu.enqueue_dma source(%dma_start3A_338 : memref<32x1024xf32, #tpu.memory_space<vmem>>) target(%dma_start3A_335 : memref<32x1024xf32, #tpu.memory_space<hbm>>) target_semaphore(%run_scoped3A : memref<!tpu.dma_semaphore, #tpu.memory_space<semaphore_mem>>)
      %dma_wait3A = arith.constant 0 : i32
      %dma_wait3A_339 = arith.constant 0 : i32
      %dma_wait3A_340 = tpu.memref_slice %arg9[%dma_wait3A, %dma_wait3A_339] : memref<32x1024xf32, #tpu.memory_space<vmem>> -> memref<32x1024xf32, #tpu.memory_space<vmem>>
      %dma_wait3A_341 = arith.constant 0 : i32
      %dma_wait3A_342 = tpu.memref_slice %arg6[%add3A_257, %dma_wait3A_341] : memref<50000x1024xf32, #tpu.memory_space<hbm>> -> memref<32x1024xf32, #tpu.memory_space<hbm>>
      %dma_wait3A_343 = arith.constant 0 : i32
      %dma_wait3A_344 = tpu.memref_slice %arg6[%add3A_257, %dma_wait3A_343] : memref<50000x1024xf32, #tpu.memory_space<hbm>> -> memref<32x1024xf32, #tpu.memory_space<hbm>>
      %dma_wait3A_345 = arith.constant 0 : i32
      %dma_wait3A_346 = arith.constant 0 : i32
      %dma_wait3A_347 = tpu.memref_slice %arg9[%dma_wait3A_345, %dma_wait3A_346] : memref<32x1024xf32, #tpu.memory_space<vmem>> -> memref<32x1024xf32, #tpu.memory_space<vmem>>
      tpu.wait_dma2 semaphore(%run_scoped3A : memref<!tpu.dma_semaphore, #tpu.memory_space<semaphore_mem>>) src(%dma_wait3A_347 : memref<32x1024xf32, #tpu.memory_space<vmem>>) dst(%dma_wait3A_344 : memref<32x1024xf32, #tpu.memory_space<hbm>>)
      tpu.yield
    }) : () -> ()
    %add3A_258 = arith.constant 256 : i32
    %add3A_259 = arith.addi %add3A_241, %add3A_258 : i32
    "tpu.region"() ({
      %run_scoped3A = tpu.sem_alloc : memref<!tpu.dma_semaphore, #tpu.memory_space<semaphore_mem>>
      %dma_start3A = arith.constant 0 : i32
      %dma_start3A_330 = arith.constant 0 : i32
      %dma_start3A_331 = tpu.memref_slice %arg9[%dma_start3A, %dma_start3A_330] : memref<32x1024xf32, #tpu.memory_space<vmem>> -> memref<32x1024xf32, #tpu.memory_space<vmem>>
      %dma_start3A_332 = arith.constant 0 : i32
      %dma_start3A_333 = tpu.memref_slice %arg6[%add3A_259, %dma_start3A_332] : memref<50000x1024xf32, #tpu.memory_space<hbm>> -> memref<32x1024xf32, #tpu.memory_space<hbm>>
      %dma_start3A_334 = arith.constant 0 : i32
      %dma_start3A_335 = tpu.memref_slice %arg6[%add3A_259, %dma_start3A_334] : memref<50000x1024xf32, #tpu.memory_space<hbm>> -> memref<32x1024xf32, #tpu.memory_space<hbm>>
      %dma_start3A_336 = arith.constant 0 : i32
      %dma_start3A_337 = arith.constant 0 : i32
      %dma_start3A_338 = tpu.memref_slice %arg9[%dma_start3A_336, %dma_start3A_337] : memref<32x1024xf32, #tpu.memory_space<vmem>> -> memref<32x1024xf32, #tpu.memory_space<vmem>>
      tpu.enqueue_dma source(%dma_start3A_338 : memref<32x1024xf32, #tpu.memory_space<vmem>>) target(%dma_start3A_335 : memref<32x1024xf32, #tpu.memory_space<hbm>>) target_semaphore(%run_scoped3A : memref<!tpu.dma_semaphore, #tpu.memory_space<semaphore_mem>>)
      %dma_wait3A = arith.constant 0 : i32
      %dma_wait3A_339 = arith.constant 0 : i32
      %dma_wait3A_340 = tpu.memref_slice %arg9[%dma_wait3A, %dma_wait3A_339] : memref<32x1024xf32, #tpu.memory_space<vmem>> -> memref<32x1024xf32, #tpu.memory_space<vmem>>
      %dma_wait3A_341 = arith.constant 0 : i32
      %dma_wait3A_342 = tpu.memref_slice %arg6[%add3A_259, %dma_wait3A_341] : memref<50000x1024xf32, #tpu.memory_space<hbm>> -> memref<32x1024xf32, #tpu.memory_space<hbm>>
      %dma_wait3A_343 = arith.constant 0 : i32
      %dma_wait3A_344 = tpu.memref_slice %arg6[%add3A_259, %dma_wait3A_343] : memref<50000x1024xf32, #tpu.memory_space<hbm>> -> memref<32x1024xf32, #tpu.memory_space<hbm>>
      %dma_wait3A_345 = arith.constant 0 : i32
      %dma_wait3A_346 = arith.constant 0 : i32
      %dma_wait3A_347 = tpu.memref_slice %arg9[%dma_wait3A_345, %dma_wait3A_346] : memref<32x1024xf32, #tpu.memory_space<vmem>> -> memref<32x1024xf32, #tpu.memory_space<vmem>>
      tpu.wait_dma2 semaphore(%run_scoped3A : memref<!tpu.dma_semaphore, #tpu.memory_space<semaphore_mem>>) src(%dma_wait3A_347 : memref<32x1024xf32, #tpu.memory_space<vmem>>) dst(%dma_wait3A_344 : memref<32x1024xf32, #tpu.memory_space<hbm>>)
      tpu.yield
    }) : () -> ()
    %add3A_260 = arith.constant 288 : i32
    %add3A_261 = arith.addi %add3A_241, %add3A_260 : i32
    "tpu.region"() ({
      %run_scoped3A = tpu.sem_alloc : memref<!tpu.dma_semaphore, #tpu.memory_space<semaphore_mem>>
      %dma_start3A = arith.constant 0 : i32
      %dma_start3A_330 = arith.constant 0 : i32
      %dma_start3A_331 = tpu.memref_slice %arg9[%dma_start3A, %dma_start3A_330] : memref<32x1024xf32, #tpu.memory_space<vmem>> -> memref<32x1024xf32, #tpu.memory_space<vmem>>
      %dma_start3A_332 = arith.constant 0 : i32
      %dma_start3A_333 = tpu.memref_slice %arg6[%add3A_261, %dma_start3A_332] : memref<50000x1024xf32, #tpu.memory_space<hbm>> -> memref<32x1024xf32, #tpu.memory_space<hbm>>
      %dma_start3A_334 = arith.constant 0 : i32
      %dma_start3A_335 = tpu.memref_slice %arg6[%add3A_261, %dma_start3A_334] : memref<50000x1024xf32, #tpu.memory_space<hbm>> -> memref<32x1024xf32, #tpu.memory_space<hbm>>
      %dma_start3A_336 = arith.constant 0 : i32
      %dma_start3A_337 = arith.constant 0 : i32
      %dma_start3A_338 = tpu.memref_slice %arg9[%dma_start3A_336, %dma_start3A_337] : memref<32x1024xf32, #tpu.memory_space<vmem>> -> memref<32x1024xf32, #tpu.memory_space<vmem>>
      tpu.enqueue_dma source(%dma_start3A_338 : memref<32x1024xf32, #tpu.memory_space<vmem>>) target(%dma_start3A_335 : memref<32x1024xf32, #tpu.memory_space<hbm>>) target_semaphore(%run_scoped3A : memref<!tpu.dma_semaphore, #tpu.memory_space<semaphore_mem>>)
      %dma_wait3A = arith.constant 0 : i32
      %dma_wait3A_339 = arith.constant 0 : i32
      %dma_wait3A_340 = tpu.memref_slice %arg9[%dma_wait3A, %dma_wait3A_339] : memref<32x1024xf32, #tpu.memory_space<vmem>> -> memref<32x1024xf32, #tpu.memory_space<vmem>>
      %dma_wait3A_341 = arith.constant 0 : i32
      %dma_wait3A_342 = tpu.memref_slice %arg6[%add3A_261, %dma_wait3A_341] : memref<50000x1024xf32, #tpu.memory_space<hbm>> -> memref<32x1024xf32, #tpu.memory_space<hbm>>
      %dma_wait3A_343 = arith.constant 0 : i32
      %dma_wait3A_344 = tpu.memref_slice %arg6[%add3A_261, %dma_wait3A_343] : memref<50000x1024xf32, #tpu.memory_space<hbm>> -> memref<32x1024xf32, #tpu.memory_space<hbm>>
      %dma_wait3A_345 = arith.constant 0 : i32
      %dma_wait3A_346 = arith.constant 0 : i32
      %dma_wait3A_347 = tpu.memref_slice %arg9[%dma_wait3A_345, %dma_wait3A_346] : memref<32x1024xf32, #tpu.memory_space<vmem>> -> memref<32x1024xf32, #tpu.memory_space<vmem>>
      tpu.wait_dma2 semaphore(%run_scoped3A : memref<!tpu.dma_semaphore, #tpu.memory_space<semaphore_mem>>) src(%dma_wait3A_347 : memref<32x1024xf32, #tpu.memory_space<vmem>>) dst(%dma_wait3A_344 : memref<32x1024xf32, #tpu.memory_space<hbm>>)
      tpu.yield
    }) : () -> ()
    %add3A_262 = arith.constant 320 : i32
    %add3A_263 = arith.addi %add3A_241, %add3A_262 : i32
    "tpu.region"() ({
      %run_scoped3A = tpu.sem_alloc : memref<!tpu.dma_semaphore, #tpu.memory_space<semaphore_mem>>
      %dma_start3A = arith.constant 0 : i32
      %dma_start3A_330 = arith.constant 0 : i32
      %dma_start3A_331 = tpu.memref_slice %arg9[%dma_start3A, %dma_start3A_330] : memref<32x1024xf32, #tpu.memory_space<vmem>> -> memref<32x1024xf32, #tpu.memory_space<vmem>>
      %dma_start3A_332 = arith.constant 0 : i32
      %dma_start3A_333 = tpu.memref_slice %arg6[%add3A_263, %dma_start3A_332] : memref<50000x1024xf32, #tpu.memory_space<hbm>> -> memref<32x1024xf32, #tpu.memory_space<hbm>>
      %dma_start3A_334 = arith.constant 0 : i32
      %dma_start3A_335 = tpu.memref_slice %arg6[%add3A_263, %dma_start3A_334] : memref<50000x1024xf32, #tpu.memory_space<hbm>> -> memref<32x1024xf32, #tpu.memory_space<hbm>>
      %dma_start3A_336 = arith.constant 0 : i32
      %dma_start3A_337 = arith.constant 0 : i32
      %dma_start3A_338 = tpu.memref_slice %arg9[%dma_start3A_336, %dma_start3A_337] : memref<32x1024xf32, #tpu.memory_space<vmem>> -> memref<32x1024xf32, #tpu.memory_space<vmem>>
      tpu.enqueue_dma source(%dma_start3A_338 : memref<32x1024xf32, #tpu.memory_space<vmem>>) target(%dma_start3A_335 : memref<32x1024xf32, #tpu.memory_space<hbm>>) target_semaphore(%run_scoped3A : memref<!tpu.dma_semaphore, #tpu.memory_space<semaphore_mem>>)
      %dma_wait3A = arith.constant 0 : i32
      %dma_wait3A_339 = arith.constant 0 : i32
      %dma_wait3A_340 = tpu.memref_slice %arg9[%dma_wait3A, %dma_wait3A_339] : memref<32x1024xf32, #tpu.memory_space<vmem>> -> memref<32x1024xf32, #tpu.memory_space<vmem>>
      %dma_wait3A_341 = arith.constant 0 : i32
      %dma_wait3A_342 = tpu.memref_slice %arg6[%add3A_263, %dma_wait3A_341] : memref<50000x1024xf32, #tpu.memory_space<hbm>> -> memref<32x1024xf32, #tpu.memory_space<hbm>>
      %dma_wait3A_343 = arith.constant 0 : i32
      %dma_wait3A_344 = tpu.memref_slice %arg6[%add3A_263, %dma_wait3A_343] : memref<50000x1024xf32, #tpu.memory_space<hbm>> -> memref<32x1024xf32, #tpu.memory_space<hbm>>
      %dma_wait3A_345 = arith.constant 0 : i32
      %dma_wait3A_346 = arith.constant 0 : i32
      %dma_wait3A_347 = tpu.memref_slice %arg9[%dma_wait3A_345, %dma_wait3A_346] : memref<32x1024xf32, #tpu.memory_space<vmem>> -> memref<32x1024xf32, #tpu.memory_space<vmem>>
      tpu.wait_dma2 semaphore(%run_scoped3A : memref<!tpu.dma_semaphore, #tpu.memory_space<semaphore_mem>>) src(%dma_wait3A_347 : memref<32x1024xf32, #tpu.memory_space<vmem>>) dst(%dma_wait3A_344 : memref<32x1024xf32, #tpu.memory_space<hbm>>)
      tpu.yield
    }) : () -> ()
    %add3A_264 = arith.constant 352 : i32
    %add3A_265 = arith.addi %add3A_241, %add3A_264 : i32
    "tpu.region"() ({
      %run_scoped3A = tpu.sem_alloc : memref<!tpu.dma_semaphore, #tpu.memory_space<semaphore_mem>>
      %dma_start3A = arith.constant 0 : i32
      %dma_start3A_330 = arith.constant 0 : i32
      %dma_start3A_331 = tpu.memref_slice %arg9[%dma_start3A, %dma_start3A_330] : memref<32x1024xf32, #tpu.memory_space<vmem>> -> memref<32x1024xf32, #tpu.memory_space<vmem>>
      %dma_start3A_332 = arith.constant 0 : i32
      %dma_start3A_333 = tpu.memref_slice %arg6[%add3A_265, %dma_start3A_332] : memref<50000x1024xf32, #tpu.memory_space<hbm>> -> memref<32x1024xf32, #tpu.memory_space<hbm>>
      %dma_start3A_334 = arith.constant 0 : i32
      %dma_start3A_335 = tpu.memref_slice %arg6[%add3A_265, %dma_start3A_334] : memref<50000x1024xf32, #tpu.memory_space<hbm>> -> memref<32x1024xf32, #tpu.memory_space<hbm>>
      %dma_start3A_336 = arith.constant 0 : i32
      %dma_start3A_337 = arith.constant 0 : i32
      %dma_start3A_338 = tpu.memref_slice %arg9[%dma_start3A_336, %dma_start3A_337] : memref<32x1024xf32, #tpu.memory_space<vmem>> -> memref<32x1024xf32, #tpu.memory_space<vmem>>
      tpu.enqueue_dma source(%dma_start3A_338 : memref<32x1024xf32, #tpu.memory_space<vmem>>) target(%dma_start3A_335 : memref<32x1024xf32, #tpu.memory_space<hbm>>) target_semaphore(%run_scoped3A : memref<!tpu.dma_semaphore, #tpu.memory_space<semaphore_mem>>)
      %dma_wait3A = arith.constant 0 : i32
      %dma_wait3A_339 = arith.constant 0 : i32
      %dma_wait3A_340 = tpu.memref_slice %arg9[%dma_wait3A, %dma_wait3A_339] : memref<32x1024xf32, #tpu.memory_space<vmem>> -> memref<32x1024xf32, #tpu.memory_space<vmem>>
      %dma_wait3A_341 = arith.constant 0 : i32
      %dma_wait3A_342 = tpu.memref_slice %arg6[%add3A_265, %dma_wait3A_341] : memref<50000x1024xf32, #tpu.memory_space<hbm>> -> memref<32x1024xf32, #tpu.memory_space<hbm>>
      %dma_wait3A_343 = arith.constant 0 : i32
      %dma_wait3A_344 = tpu.memref_slice %arg6[%add3A_265, %dma_wait3A_343] : memref<50000x1024xf32, #tpu.memory_space<hbm>> -> memref<32x1024xf32, #tpu.memory_space<hbm>>
      %dma_wait3A_345 = arith.constant 0 : i32
      %dma_wait3A_346 = arith.constant 0 : i32
      %dma_wait3A_347 = tpu.memref_slice %arg9[%dma_wait3A_345, %dma_wait3A_346] : memref<32x1024xf32, #tpu.memory_space<vmem>> -> memref<32x1024xf32, #tpu.memory_space<vmem>>
      tpu.wait_dma2 semaphore(%run_scoped3A : memref<!tpu.dma_semaphore, #tpu.memory_space<semaphore_mem>>) src(%dma_wait3A_347 : memref<32x1024xf32, #tpu.memory_space<vmem>>) dst(%dma_wait3A_344 : memref<32x1024xf32, #tpu.memory_space<hbm>>)
      tpu.yield
    }) : () -> ()
    %add3A_266 = arith.constant 384 : i32
    %add3A_267 = arith.addi %add3A_241, %add3A_266 : i32
    "tpu.region"() ({
      %run_scoped3A = tpu.sem_alloc : memref<!tpu.dma_semaphore, #tpu.memory_space<semaphore_mem>>
      %dma_start3A = arith.constant 0 : i32
      %dma_start3A_330 = arith.constant 0 : i32
      %dma_start3A_331 = tpu.memref_slice %arg9[%dma_start3A, %dma_start3A_330] : memref<32x1024xf32, #tpu.memory_space<vmem>> -> memref<32x1024xf32, #tpu.memory_space<vmem>>
      %dma_start3A_332 = arith.constant 0 : i32
      %dma_start3A_333 = tpu.memref_slice %arg6[%add3A_267, %dma_start3A_332] : memref<50000x1024xf32, #tpu.memory_space<hbm>> -> memref<32x1024xf32, #tpu.memory_space<hbm>>
      %dma_start3A_334 = arith.constant 0 : i32
      %dma_start3A_335 = tpu.memref_slice %arg6[%add3A_267, %dma_start3A_334] : memref<50000x1024xf32, #tpu.memory_space<hbm>> -> memref<32x1024xf32, #tpu.memory_space<hbm>>
      %dma_start3A_336 = arith.constant 0 : i32
      %dma_start3A_337 = arith.constant 0 : i32
      %dma_start3A_338 = tpu.memref_slice %arg9[%dma_start3A_336, %dma_start3A_337] : memref<32x1024xf32, #tpu.memory_space<vmem>> -> memref<32x1024xf32, #tpu.memory_space<vmem>>
      tpu.enqueue_dma source(%dma_start3A_338 : memref<32x1024xf32, #tpu.memory_space<vmem>>) target(%dma_start3A_335 : memref<32x1024xf32, #tpu.memory_space<hbm>>) target_semaphore(%run_scoped3A : memref<!tpu.dma_semaphore, #tpu.memory_space<semaphore_mem>>)
      %dma_wait3A = arith.constant 0 : i32
      %dma_wait3A_339 = arith.constant 0 : i32
      %dma_wait3A_340 = tpu.memref_slice %arg9[%dma_wait3A, %dma_wait3A_339] : memref<32x1024xf32, #tpu.memory_space<vmem>> -> memref<32x1024xf32, #tpu.memory_space<vmem>>
      %dma_wait3A_341 = arith.constant 0 : i32
      %dma_wait3A_342 = tpu.memref_slice %arg6[%add3A_267, %dma_wait3A_341] : memref<50000x1024xf32, #tpu.memory_space<hbm>> -> memref<32x1024xf32, #tpu.memory_space<hbm>>
      %dma_wait3A_343 = arith.constant 0 : i32
      %dma_wait3A_344 = tpu.memref_slice %arg6[%add3A_267, %dma_wait3A_343] : memref<50000x1024xf32, #tpu.memory_space<hbm>> -> memref<32x1024xf32, #tpu.memory_space<hbm>>
      %dma_wait3A_345 = arith.constant 0 : i32
      %dma_wait3A_346 = arith.constant 0 : i32
      %dma_wait3A_347 = tpu.memref_slice %arg9[%dma_wait3A_345, %dma_wait3A_346] : memref<32x1024xf32, #tpu.memory_space<vmem>> -> memref<32x1024xf32, #tpu.memory_space<vmem>>
      tpu.wait_dma2 semaphore(%run_scoped3A : memref<!tpu.dma_semaphore, #tpu.memory_space<semaphore_mem>>) src(%dma_wait3A_347 : memref<32x1024xf32, #tpu.memory_space<vmem>>) dst(%dma_wait3A_344 : memref<32x1024xf32, #tpu.memory_space<hbm>>)
      tpu.yield
    }) : () -> ()
    %add3A_268 = arith.constant 416 : i32
    %add3A_269 = arith.addi %add3A_241, %add3A_268 : i32
    "tpu.region"() ({
      %run_scoped3A = tpu.sem_alloc : memref<!tpu.dma_semaphore, #tpu.memory_space<semaphore_mem>>
      %dma_start3A = arith.constant 0 : i32
      %dma_start3A_330 = arith.constant 0 : i32
      %dma_start3A_331 = tpu.memref_slice %arg9[%dma_start3A, %dma_start3A_330] : memref<32x1024xf32, #tpu.memory_space<vmem>> -> memref<32x1024xf32, #tpu.memory_space<vmem>>
      %dma_start3A_332 = arith.constant 0 : i32
      %dma_start3A_333 = tpu.memref_slice %arg6[%add3A_269, %dma_start3A_332] : memref<50000x1024xf32, #tpu.memory_space<hbm>> -> memref<32x1024xf32, #tpu.memory_space<hbm>>
      %dma_start3A_334 = arith.constant 0 : i32
      %dma_start3A_335 = tpu.memref_slice %arg6[%add3A_269, %dma_start3A_334] : memref<50000x1024xf32, #tpu.memory_space<hbm>> -> memref<32x1024xf32, #tpu.memory_space<hbm>>
      %dma_start3A_336 = arith.constant 0 : i32
      %dma_start3A_337 = arith.constant 0 : i32
      %dma_start3A_338 = tpu.memref_slice %arg9[%dma_start3A_336, %dma_start3A_337] : memref<32x1024xf32, #tpu.memory_space<vmem>> -> memref<32x1024xf32, #tpu.memory_space<vmem>>
      tpu.enqueue_dma source(%dma_start3A_338 : memref<32x1024xf32, #tpu.memory_space<vmem>>) target(%dma_start3A_335 : memref<32x1024xf32, #tpu.memory_space<hbm>>) target_semaphore(%run_scoped3A : memref<!tpu.dma_semaphore, #tpu.memory_space<semaphore_mem>>)
      %dma_wait3A = arith.constant 0 : i32
      %dma_wait3A_339 = arith.constant 0 : i32
      %dma_wait3A_340 = tpu.memref_slice %arg9[%dma_wait3A, %dma_wait3A_339] : memref<32x1024xf32, #tpu.memory_space<vmem>> -> memref<32x1024xf32, #tpu.memory_space<vmem>>
      %dma_wait3A_341 = arith.constant 0 : i32
      %dma_wait3A_342 = tpu.memref_slice %arg6[%add3A_269, %dma_wait3A_341] : memref<50000x1024xf32, #tpu.memory_space<hbm>> -> memref<32x1024xf32, #tpu.memory_space<hbm>>
      %dma_wait3A_343 = arith.constant 0 : i32
      %dma_wait3A_344 = tpu.memref_slice %arg6[%add3A_269, %dma_wait3A_343] : memref<50000x1024xf32, #tpu.memory_space<hbm>> -> memref<32x1024xf32, #tpu.memory_space<hbm>>
      %dma_wait3A_345 = arith.constant 0 : i32
      %dma_wait3A_346 = arith.constant 0 : i32
      %dma_wait3A_347 = tpu.memref_slice %arg9[%dma_wait3A_345, %dma_wait3A_346] : memref<32x1024xf32, #tpu.memory_space<vmem>> -> memref<32x1024xf32, #tpu.memory_space<vmem>>
      tpu.wait_dma2 semaphore(%run_scoped3A : memref<!tpu.dma_semaphore, #tpu.memory_space<semaphore_mem>>) src(%dma_wait3A_347 : memref<32x1024xf32, #tpu.memory_space<vmem>>) dst(%dma_wait3A_344 : memref<32x1024xf32, #tpu.memory_space<hbm>>)
      tpu.yield
    }) : () -> ()
    %add3A_270 = arith.constant 448 : i32
    %add3A_271 = arith.addi %add3A_241, %add3A_270 : i32
    "tpu.region"() ({
      %run_scoped3A = tpu.sem_alloc : memref<!tpu.dma_semaphore, #tpu.memory_space<semaphore_mem>>
      %dma_start3A = arith.constant 0 : i32
      %dma_start3A_330 = arith.constant 0 : i32
      %dma_start3A_331 = tpu.memref_slice %arg9[%dma_start3A, %dma_start3A_330] : memref<32x1024xf32, #tpu.memory_space<vmem>> -> memref<32x1024xf32, #tpu.memory_space<vmem>>
      %dma_start3A_332 = arith.constant 0 : i32
      %dma_start3A_333 = tpu.memref_slice %arg6[%add3A_271, %dma_start3A_332] : memref<50000x1024xf32, #tpu.memory_space<hbm>> -> memref<32x1024xf32, #tpu.memory_space<hbm>>
      %dma_start3A_334 = arith.constant 0 : i32
      %dma_start3A_335 = tpu.memref_slice %arg6[%add3A_271, %dma_start3A_334] : memref<50000x1024xf32, #tpu.memory_space<hbm>> -> memref<32x1024xf32, #tpu.memory_space<hbm>>
      %dma_start3A_336 = arith.constant 0 : i32
      %dma_start3A_337 = arith.constant 0 : i32
      %dma_start3A_338 = tpu.memref_slice %arg9[%dma_start3A_336, %dma_start3A_337] : memref<32x1024xf32, #tpu.memory_space<vmem>> -> memref<32x1024xf32, #tpu.memory_space<vmem>>
      tpu.enqueue_dma source(%dma_start3A_338 : memref<32x1024xf32, #tpu.memory_space<vmem>>) target(%dma_start3A_335 : memref<32x1024xf32, #tpu.memory_space<hbm>>) target_semaphore(%run_scoped3A : memref<!tpu.dma_semaphore, #tpu.memory_space<semaphore_mem>>)
      %dma_wait3A = arith.constant 0 : i32
      %dma_wait3A_339 = arith.constant 0 : i32
      %dma_wait3A_340 = tpu.memref_slice %arg9[%dma_wait3A, %dma_wait3A_339] : memref<32x1024xf32, #tpu.memory_space<vmem>> -> memref<32x1024xf32, #tpu.memory_space<vmem>>
      %dma_wait3A_341 = arith.constant 0 : i32
      %dma_wait3A_342 = tpu.memref_slice %arg6[%add3A_271, %dma_wait3A_341] : memref<50000x1024xf32, #tpu.memory_space<hbm>> -> memref<32x1024xf32, #tpu.memory_space<hbm>>
      %dma_wait3A_343 = arith.constant 0 : i32
      %dma_wait3A_344 = tpu.memref_slice %arg6[%add3A_271, %dma_wait3A_343] : memref<50000x1024xf32, #tpu.memory_space<hbm>> -> memref<32x1024xf32, #tpu.memory_space<hbm>>
      %dma_wait3A_345 = arith.constant 0 : i32
      %dma_wait3A_346 = arith.constant 0 : i32
      %dma_wait3A_347 = tpu.memref_slice %arg9[%dma_wait3A_345, %dma_wait3A_346] : memref<32x1024xf32, #tpu.memory_space<vmem>> -> memref<32x1024xf32, #tpu.memory_space<vmem>>
      tpu.wait_dma2 semaphore(%run_scoped3A : memref<!tpu.dma_semaphore, #tpu.memory_space<semaphore_mem>>) src(%dma_wait3A_347 : memref<32x1024xf32, #tpu.memory_space<vmem>>) dst(%dma_wait3A_344 : memref<32x1024xf32, #tpu.memory_space<hbm>>)
      tpu.yield
    }) : () -> ()
    %add3A_272 = arith.constant 480 : i32
    %add3A_273 = arith.addi %add3A_241, %add3A_272 : i32
    "tpu.region"() ({
      %run_scoped3A = tpu.sem_alloc : memref<!tpu.dma_semaphore, #tpu.memory_space<semaphore_mem>>
      %dma_start3A = arith.constant 0 : i32
      %dma_start3A_330 = arith.constant 0 : i32
      %dma_start3A_331 = tpu.memref_slice %arg9[%dma_start3A, %dma_start3A_330] : memref<32x1024xf32, #tpu.memory_space<vmem>> -> memref<32x1024xf32, #tpu.memory_space<vmem>>
      %dma_start3A_332 = arith.constant 0 : i32
      %dma_start3A_333 = tpu.memref_slice %arg6[%add3A_273, %dma_start3A_332] : memref<50000x1024xf32, #tpu.memory_space<hbm>> -> memref<32x1024xf32, #tpu.memory_space<hbm>>
      %dma_start3A_334 = arith.constant 0 : i32
      %dma_start3A_335 = tpu.memref_slice %arg6[%add3A_273, %dma_start3A_334] : memref<50000x1024xf32, #tpu.memory_space<hbm>> -> memref<32x1024xf32, #tpu.memory_space<hbm>>
      %dma_start3A_336 = arith.constant 0 : i32
      %dma_start3A_337 = arith.constant 0 : i32
      %dma_start3A_338 = tpu.memref_slice %arg9[%dma_start3A_336, %dma_start3A_337] : memref<32x1024xf32, #tpu.memory_space<vmem>> -> memref<32x1024xf32, #tpu.memory_space<vmem>>
      tpu.enqueue_dma source(%dma_start3A_338 : memref<32x1024xf32, #tpu.memory_space<vmem>>) target(%dma_start3A_335 : memref<32x1024xf32, #tpu.memory_space<hbm>>) target_semaphore(%run_scoped3A : memref<!tpu.dma_semaphore, #tpu.memory_space<semaphore_mem>>)
      %dma_wait3A = arith.constant 0 : i32
      %dma_wait3A_339 = arith.constant 0 : i32
      %dma_wait3A_340 = tpu.memref_slice %arg9[%dma_wait3A, %dma_wait3A_339] : memref<32x1024xf32, #tpu.memory_space<vmem>> -> memref<32x1024xf32, #tpu.memory_space<vmem>>
      %dma_wait3A_341 = arith.constant 0 : i32
      %dma_wait3A_342 = tpu.memref_slice %arg6[%add3A_273, %dma_wait3A_341] : memref<50000x1024xf32, #tpu.memory_space<hbm>> -> memref<32x1024xf32, #tpu.memory_space<hbm>>
      %dma_wait3A_343 = arith.constant 0 : i32
      %dma_wait3A_344 = tpu.memref_slice %arg6[%add3A_273, %dma_wait3A_343] : memref<50000x1024xf32, #tpu.memory_space<hbm>> -> memref<32x1024xf32, #tpu.memory_space<hbm>>
      %dma_wait3A_345 = arith.constant 0 : i32
      %dma_wait3A_346 = arith.constant 0 : i32
      %dma_wait3A_347 = tpu.memref_slice %arg9[%dma_wait3A_345, %dma_wait3A_346] : memref<32x1024xf32, #tpu.memory_space<vmem>> -> memref<32x1024xf32, #tpu.memory_space<vmem>>
      tpu.wait_dma2 semaphore(%run_scoped3A : memref<!tpu.dma_semaphore, #tpu.memory_space<semaphore_mem>>) src(%dma_wait3A_347 : memref<32x1024xf32, #tpu.memory_space<vmem>>) dst(%dma_wait3A_344 : memref<32x1024xf32, #tpu.memory_space<hbm>>)
      tpu.yield
    }) : () -> ()
    %add3A_274 = arith.constant 512 : i32
    %add3A_275 = arith.addi %add3A_241, %add3A_274 : i32
    "tpu.region"() ({
      %run_scoped3A = tpu.sem_alloc : memref<!tpu.dma_semaphore, #tpu.memory_space<semaphore_mem>>
      %dma_start3A = arith.constant 0 : i32
      %dma_start3A_330 = arith.constant 0 : i32
      %dma_start3A_331 = tpu.memref_slice %arg9[%dma_start3A, %dma_start3A_330] : memref<32x1024xf32, #tpu.memory_space<vmem>> -> memref<32x1024xf32, #tpu.memory_space<vmem>>
      %dma_start3A_332 = arith.constant 0 : i32
      %dma_start3A_333 = tpu.memref_slice %arg6[%add3A_275, %dma_start3A_332] : memref<50000x1024xf32, #tpu.memory_space<hbm>> -> memref<32x1024xf32, #tpu.memory_space<hbm>>
      %dma_start3A_334 = arith.constant 0 : i32
      %dma_start3A_335 = tpu.memref_slice %arg6[%add3A_275, %dma_start3A_334] : memref<50000x1024xf32, #tpu.memory_space<hbm>> -> memref<32x1024xf32, #tpu.memory_space<hbm>>
      %dma_start3A_336 = arith.constant 0 : i32
      %dma_start3A_337 = arith.constant 0 : i32
      %dma_start3A_338 = tpu.memref_slice %arg9[%dma_start3A_336, %dma_start3A_337] : memref<32x1024xf32, #tpu.memory_space<vmem>> -> memref<32x1024xf32, #tpu.memory_space<vmem>>
      tpu.enqueue_dma source(%dma_start3A_338 : memref<32x1024xf32, #tpu.memory_space<vmem>>) target(%dma_start3A_335 : memref<32x1024xf32, #tpu.memory_space<hbm>>) target_semaphore(%run_scoped3A : memref<!tpu.dma_semaphore, #tpu.memory_space<semaphore_mem>>)
      %dma_wait3A = arith.constant 0 : i32
      %dma_wait3A_339 = arith.constant 0 : i32
      %dma_wait3A_340 = tpu.memref_slice %arg9[%dma_wait3A, %dma_wait3A_339] : memref<32x1024xf32, #tpu.memory_space<vmem>> -> memref<32x1024xf32, #tpu.memory_space<vmem>>
      %dma_wait3A_341 = arith.constant 0 : i32
      %dma_wait3A_342 = tpu.memref_slice %arg6[%add3A_275, %dma_wait3A_341] : memref<50000x1024xf32, #tpu.memory_space<hbm>> -> memref<32x1024xf32, #tpu.memory_space<hbm>>
      %dma_wait3A_343 = arith.constant 0 : i32
      %dma_wait3A_344 = tpu.memref_slice %arg6[%add3A_275, %dma_wait3A_343] : memref<50000x1024xf32, #tpu.memory_space<hbm>> -> memref<32x1024xf32, #tpu.memory_space<hbm>>
      %dma_wait3A_345 = arith.constant 0 : i32
      %dma_wait3A_346 = arith.constant 0 : i32
      %dma_wait3A_347 = tpu.memref_slice %arg9[%dma_wait3A_345, %dma_wait3A_346] : memref<32x1024xf32, #tpu.memory_space<vmem>> -> memref<32x1024xf32, #tpu.memory_space<vmem>>
      tpu.wait_dma2 semaphore(%run_scoped3A : memref<!tpu.dma_semaphore, #tpu.memory_space<semaphore_mem>>) src(%dma_wait3A_347 : memref<32x1024xf32, #tpu.memory_space<vmem>>) dst(%dma_wait3A_344 : memref<32x1024xf32, #tpu.memory_space<hbm>>)
      tpu.yield
    }) : () -> ()
    %add3A_276 = arith.constant 544 : i32
    %add3A_277 = arith.addi %add3A_241, %add3A_276 : i32
    "tpu.region"() ({
      %run_scoped3A = tpu.sem_alloc : memref<!tpu.dma_semaphore, #tpu.memory_space<semaphore_mem>>
      %dma_start3A = arith.constant 0 : i32
      %dma_start3A_330 = arith.constant 0 : i32
      %dma_start3A_331 = tpu.memref_slice %arg9[%dma_start3A, %dma_start3A_330] : memref<32x1024xf32, #tpu.memory_space<vmem>> -> memref<32x1024xf32, #tpu.memory_space<vmem>>
      %dma_start3A_332 = arith.constant 0 : i32
      %dma_start3A_333 = tpu.memref_slice %arg6[%add3A_277, %dma_start3A_332] : memref<50000x1024xf32, #tpu.memory_space<hbm>> -> memref<32x1024xf32, #tpu.memory_space<hbm>>
      %dma_start3A_334 = arith.constant 0 : i32
      %dma_start3A_335 = tpu.memref_slice %arg6[%add3A_277, %dma_start3A_334] : memref<50000x1024xf32, #tpu.memory_space<hbm>> -> memref<32x1024xf32, #tpu.memory_space<hbm>>
      %dma_start3A_336 = arith.constant 0 : i32
      %dma_start3A_337 = arith.constant 0 : i32
      %dma_start3A_338 = tpu.memref_slice %arg9[%dma_start3A_336, %dma_start3A_337] : memref<32x1024xf32, #tpu.memory_space<vmem>> -> memref<32x1024xf32, #tpu.memory_space<vmem>>
      tpu.enqueue_dma source(%dma_start3A_338 : memref<32x1024xf32, #tpu.memory_space<vmem>>) target(%dma_start3A_335 : memref<32x1024xf32, #tpu.memory_space<hbm>>) target_semaphore(%run_scoped3A : memref<!tpu.dma_semaphore, #tpu.memory_space<semaphore_mem>>)
      %dma_wait3A = arith.constant 0 : i32
      %dma_wait3A_339 = arith.constant 0 : i32
      %dma_wait3A_340 = tpu.memref_slice %arg9[%dma_wait3A, %dma_wait3A_339] : memref<32x1024xf32, #tpu.memory_space<vmem>> -> memref<32x1024xf32, #tpu.memory_space<vmem>>
      %dma_wait3A_341 = arith.constant 0 : i32
      %dma_wait3A_342 = tpu.memref_slice %arg6[%add3A_277, %dma_wait3A_341] : memref<50000x1024xf32, #tpu.memory_space<hbm>> -> memref<32x1024xf32, #tpu.memory_space<hbm>>
      %dma_wait3A_343 = arith.constant 0 : i32
      %dma_wait3A_344 = tpu.memref_slice %arg6[%add3A_277, %dma_wait3A_343] : memref<50000x1024xf32, #tpu.memory_space<hbm>> -> memref<32x1024xf32, #tpu.memory_space<hbm>>
      %dma_wait3A_345 = arith.constant 0 : i32
      %dma_wait3A_346 = arith.constant 0 : i32
      %dma_wait3A_347 = tpu.memref_slice %arg9[%dma_wait3A_345, %dma_wait3A_346] : memref<32x1024xf32, #tpu.memory_space<vmem>> -> memref<32x1024xf32, #tpu.memory_space<vmem>>
      tpu.wait_dma2 semaphore(%run_scoped3A : memref<!tpu.dma_semaphore, #tpu.memory_space<semaphore_mem>>) src(%dma_wait3A_347 : memref<32x1024xf32, #tpu.memory_space<vmem>>) dst(%dma_wait3A_344 : memref<32x1024xf32, #tpu.memory_space<hbm>>)
      tpu.yield
    }) : () -> ()
    %add3A_278 = arith.constant 576 : i32
    %add3A_279 = arith.addi %add3A_241, %add3A_278 : i32
    "tpu.region"() ({
      %run_scoped3A = tpu.sem_alloc : memref<!tpu.dma_semaphore, #tpu.memory_space<semaphore_mem>>
      %dma_start3A = arith.constant 0 : i32
      %dma_start3A_330 = arith.constant 0 : i32
      %dma_start3A_331 = tpu.memref_slice %arg9[%dma_start3A, %dma_start3A_330] : memref<32x1024xf32, #tpu.memory_space<vmem>> -> memref<32x1024xf32, #tpu.memory_space<vmem>>
      %dma_start3A_332 = arith.constant 0 : i32
      %dma_start3A_333 = tpu.memref_slice %arg6[%add3A_279, %dma_start3A_332] : memref<50000x1024xf32, #tpu.memory_space<hbm>> -> memref<32x1024xf32, #tpu.memory_space<hbm>>
      %dma_start3A_334 = arith.constant 0 : i32
      %dma_start3A_335 = tpu.memref_slice %arg6[%add3A_279, %dma_start3A_334] : memref<50000x1024xf32, #tpu.memory_space<hbm>> -> memref<32x1024xf32, #tpu.memory_space<hbm>>
      %dma_start3A_336 = arith.constant 0 : i32
      %dma_start3A_337 = arith.constant 0 : i32
      %dma_start3A_338 = tpu.memref_slice %arg9[%dma_start3A_336, %dma_start3A_337] : memref<32x1024xf32, #tpu.memory_space<vmem>> -> memref<32x1024xf32, #tpu.memory_space<vmem>>
      tpu.enqueue_dma source(%dma_start3A_338 : memref<32x1024xf32, #tpu.memory_space<vmem>>) target(%dma_start3A_335 : memref<32x1024xf32, #tpu.memory_space<hbm>>) target_semaphore(%run_scoped3A : memref<!tpu.dma_semaphore, #tpu.memory_space<semaphore_mem>>)
      %dma_wait3A = arith.constant 0 : i32
      %dma_wait3A_339 = arith.constant 0 : i32
      %dma_wait3A_340 = tpu.memref_slice %arg9[%dma_wait3A, %dma_wait3A_339] : memref<32x1024xf32, #tpu.memory_space<vmem>> -> memref<32x1024xf32, #tpu.memory_space<vmem>>
      %dma_wait3A_341 = arith.constant 0 : i32
      %dma_wait3A_342 = tpu.memref_slice %arg6[%add3A_279, %dma_wait3A_341] : memref<50000x1024xf32, #tpu.memory_space<hbm>> -> memref<32x1024xf32, #tpu.memory_space<hbm>>
      %dma_wait3A_343 = arith.constant 0 : i32
      %dma_wait3A_344 = tpu.memref_slice %arg6[%add3A_279, %dma_wait3A_343] : memref<50000x1024xf32, #tpu.memory_space<hbm>> -> memref<32x1024xf32, #tpu.memory_space<hbm>>
      %dma_wait3A_345 = arith.constant 0 : i32
      %dma_wait3A_346 = arith.constant 0 : i32
      %dma_wait3A_347 = tpu.memref_slice %arg9[%dma_wait3A_345, %dma_wait3A_346] : memref<32x1024xf32, #tpu.memory_space<vmem>> -> memref<32x1024xf32, #tpu.memory_space<vmem>>
      tpu.wait_dma2 semaphore(%run_scoped3A : memref<!tpu.dma_semaphore, #tpu.memory_space<semaphore_mem>>) src(%dma_wait3A_347 : memref<32x1024xf32, #tpu.memory_space<vmem>>) dst(%dma_wait3A_344 : memref<32x1024xf32, #tpu.memory_space<hbm>>)
      tpu.yield
    }) : () -> ()
    %add3A_280 = arith.constant 608 : i32
    %add3A_281 = arith.addi %add3A_241, %add3A_280 : i32
    "tpu.region"() ({
      %run_scoped3A = tpu.sem_alloc : memref<!tpu.dma_semaphore, #tpu.memory_space<semaphore_mem>>
      %dma_start3A = arith.constant 0 : i32
      %dma_start3A_330 = arith.constant 0 : i32
      %dma_start3A_331 = tpu.memref_slice %arg9[%dma_start3A, %dma_start3A_330] : memref<32x1024xf32, #tpu.memory_space<vmem>> -> memref<32x1024xf32, #tpu.memory_space<vmem>>
      %dma_start3A_332 = arith.constant 0 : i32
      %dma_start3A_333 = tpu.memref_slice %arg6[%add3A_281, %dma_start3A_332] : memref<50000x1024xf32, #tpu.memory_space<hbm>> -> memref<32x1024xf32, #tpu.memory_space<hbm>>
      %dma_start3A_334 = arith.constant 0 : i32
      %dma_start3A_335 = tpu.memref_slice %arg6[%add3A_281, %dma_start3A_334] : memref<50000x1024xf32, #tpu.memory_space<hbm>> -> memref<32x1024xf32, #tpu.memory_space<hbm>>
      %dma_start3A_336 = arith.constant 0 : i32
      %dma_start3A_337 = arith.constant 0 : i32
      %dma_start3A_338 = tpu.memref_slice %arg9[%dma_start3A_336, %dma_start3A_337] : memref<32x1024xf32, #tpu.memory_space<vmem>> -> memref<32x1024xf32, #tpu.memory_space<vmem>>
      tpu.enqueue_dma source(%dma_start3A_338 : memref<32x1024xf32, #tpu.memory_space<vmem>>) target(%dma_start3A_335 : memref<32x1024xf32, #tpu.memory_space<hbm>>) target_semaphore(%run_scoped3A : memref<!tpu.dma_semaphore, #tpu.memory_space<semaphore_mem>>)
      %dma_wait3A = arith.constant 0 : i32
      %dma_wait3A_339 = arith.constant 0 : i32
      %dma_wait3A_340 = tpu.memref_slice %arg9[%dma_wait3A, %dma_wait3A_339] : memref<32x1024xf32, #tpu.memory_space<vmem>> -> memref<32x1024xf32, #tpu.memory_space<vmem>>
      %dma_wait3A_341 = arith.constant 0 : i32
      %dma_wait3A_342 = tpu.memref_slice %arg6[%add3A_281, %dma_wait3A_341] : memref<50000x1024xf32, #tpu.memory_space<hbm>> -> memref<32x1024xf32, #tpu.memory_space<hbm>>
      %dma_wait3A_343 = arith.constant 0 : i32
      %dma_wait3A_344 = tpu.memref_slice %arg6[%add3A_281, %dma_wait3A_343] : memref<50000x1024xf32, #tpu.memory_space<hbm>> -> memref<32x1024xf32, #tpu.memory_space<hbm>>
      %dma_wait3A_345 = arith.constant 0 : i32
      %dma_wait3A_346 = arith.constant 0 : i32
      %dma_wait3A_347 = tpu.memref_slice %arg9[%dma_wait3A_345, %dma_wait3A_346] : memref<32x1024xf32, #tpu.memory_space<vmem>> -> memref<32x1024xf32, #tpu.memory_space<vmem>>
      tpu.wait_dma2 semaphore(%run_scoped3A : memref<!tpu.dma_semaphore, #tpu.memory_space<semaphore_mem>>) src(%dma_wait3A_347 : memref<32x1024xf32, #tpu.memory_space<vmem>>) dst(%dma_wait3A_344 : memref<32x1024xf32, #tpu.memory_space<hbm>>)
      tpu.yield
    }) : () -> ()
    %add3A_282 = arith.constant 640 : i32
    %add3A_283 = arith.addi %add3A_241, %add3A_282 : i32
    "tpu.region"() ({
      %run_scoped3A = tpu.sem_alloc : memref<!tpu.dma_semaphore, #tpu.memory_space<semaphore_mem>>
      %dma_start3A = arith.constant 0 : i32
      %dma_start3A_330 = arith.constant 0 : i32
      %dma_start3A_331 = tpu.memref_slice %arg9[%dma_start3A, %dma_start3A_330] : memref<32x1024xf32, #tpu.memory_space<vmem>> -> memref<32x1024xf32, #tpu.memory_space<vmem>>
      %dma_start3A_332 = arith.constant 0 : i32
      %dma_start3A_333 = tpu.memref_slice %arg6[%add3A_283, %dma_start3A_332] : memref<50000x1024xf32, #tpu.memory_space<hbm>> -> memref<32x1024xf32, #tpu.memory_space<hbm>>
      %dma_start3A_334 = arith.constant 0 : i32
      %dma_start3A_335 = tpu.memref_slice %arg6[%add3A_283, %dma_start3A_334] : memref<50000x1024xf32, #tpu.memory_space<hbm>> -> memref<32x1024xf32, #tpu.memory_space<hbm>>
      %dma_start3A_336 = arith.constant 0 : i32
      %dma_start3A_337 = arith.constant 0 : i32
      %dma_start3A_338 = tpu.memref_slice %arg9[%dma_start3A_336, %dma_start3A_337] : memref<32x1024xf32, #tpu.memory_space<vmem>> -> memref<32x1024xf32, #tpu.memory_space<vmem>>
      tpu.enqueue_dma source(%dma_start3A_338 : memref<32x1024xf32, #tpu.memory_space<vmem>>) target(%dma_start3A_335 : memref<32x1024xf32, #tpu.memory_space<hbm>>) target_semaphore(%run_scoped3A : memref<!tpu.dma_semaphore, #tpu.memory_space<semaphore_mem>>)
      %dma_wait3A = arith.constant 0 : i32
      %dma_wait3A_339 = arith.constant 0 : i32
      %dma_wait3A_340 = tpu.memref_slice %arg9[%dma_wait3A, %dma_wait3A_339] : memref<32x1024xf32, #tpu.memory_space<vmem>> -> memref<32x1024xf32, #tpu.memory_space<vmem>>
      %dma_wait3A_341 = arith.constant 0 : i32
      %dma_wait3A_342 = tpu.memref_slice %arg6[%add3A_283, %dma_wait3A_341] : memref<50000x1024xf32, #tpu.memory_space<hbm>> -> memref<32x1024xf32, #tpu.memory_space<hbm>>
      %dma_wait3A_343 = arith.constant 0 : i32
      %dma_wait3A_344 = tpu.memref_slice %arg6[%add3A_283, %dma_wait3A_343] : memref<50000x1024xf32, #tpu.memory_space<hbm>> -> memref<32x1024xf32, #tpu.memory_space<hbm>>
      %dma_wait3A_345 = arith.constant 0 : i32
      %dma_wait3A_346 = arith.constant 0 : i32
      %dma_wait3A_347 = tpu.memref_slice %arg9[%dma_wait3A_345, %dma_wait3A_346] : memref<32x1024xf32, #tpu.memory_space<vmem>> -> memref<32x1024xf32, #tpu.memory_space<vmem>>
      tpu.wait_dma2 semaphore(%run_scoped3A : memref<!tpu.dma_semaphore, #tpu.memory_space<semaphore_mem>>) src(%dma_wait3A_347 : memref<32x1024xf32, #tpu.memory_space<vmem>>) dst(%dma_wait3A_344 : memref<32x1024xf32, #tpu.memory_space<hbm>>)
      tpu.yield
    }) : () -> ()
    %add3A_284 = arith.constant 672 : i32
    %add3A_285 = arith.addi %add3A_241, %add3A_284 : i32
    "tpu.region"() ({
      %run_scoped3A = tpu.sem_alloc : memref<!tpu.dma_semaphore, #tpu.memory_space<semaphore_mem>>
      %dma_start3A = arith.constant 0 : i32
      %dma_start3A_330 = arith.constant 0 : i32
      %dma_start3A_331 = tpu.memref_slice %arg9[%dma_start3A, %dma_start3A_330] : memref<32x1024xf32, #tpu.memory_space<vmem>> -> memref<32x1024xf32, #tpu.memory_space<vmem>>
      %dma_start3A_332 = arith.constant 0 : i32
      %dma_start3A_333 = tpu.memref_slice %arg6[%add3A_285, %dma_start3A_332] : memref<50000x1024xf32, #tpu.memory_space<hbm>> -> memref<32x1024xf32, #tpu.memory_space<hbm>>
      %dma_start3A_334 = arith.constant 0 : i32
      %dma_start3A_335 = tpu.memref_slice %arg6[%add3A_285, %dma_start3A_334] : memref<50000x1024xf32, #tpu.memory_space<hbm>> -> memref<32x1024xf32, #tpu.memory_space<hbm>>
      %dma_start3A_336 = arith.constant 0 : i32
      %dma_start3A_337 = arith.constant 0 : i32
      %dma_start3A_338 = tpu.memref_slice %arg9[%dma_start3A_336, %dma_start3A_337] : memref<32x1024xf32, #tpu.memory_space<vmem>> -> memref<32x1024xf32, #tpu.memory_space<vmem>>
      tpu.enqueue_dma source(%dma_start3A_338 : memref<32x1024xf32, #tpu.memory_space<vmem>>) target(%dma_start3A_335 : memref<32x1024xf32, #tpu.memory_space<hbm>>) target_semaphore(%run_scoped3A : memref<!tpu.dma_semaphore, #tpu.memory_space<semaphore_mem>>)
      %dma_wait3A = arith.constant 0 : i32
      %dma_wait3A_339 = arith.constant 0 : i32
      %dma_wait3A_340 = tpu.memref_slice %arg9[%dma_wait3A, %dma_wait3A_339] : memref<32x1024xf32, #tpu.memory_space<vmem>> -> memref<32x1024xf32, #tpu.memory_space<vmem>>
      %dma_wait3A_341 = arith.constant 0 : i32
      %dma_wait3A_342 = tpu.memref_slice %arg6[%add3A_285, %dma_wait3A_341] : memref<50000x1024xf32, #tpu.memory_space<hbm>> -> memref<32x1024xf32, #tpu.memory_space<hbm>>
      %dma_wait3A_343 = arith.constant 0 : i32
      %dma_wait3A_344 = tpu.memref_slice %arg6[%add3A_285, %dma_wait3A_343] : memref<50000x1024xf32, #tpu.memory_space<hbm>> -> memref<32x1024xf32, #tpu.memory_space<hbm>>
      %dma_wait3A_345 = arith.constant 0 : i32
      %dma_wait3A_346 = arith.constant 0 : i32
      %dma_wait3A_347 = tpu.memref_slice %arg9[%dma_wait3A_345, %dma_wait3A_346] : memref<32x1024xf32, #tpu.memory_space<vmem>> -> memref<32x1024xf32, #tpu.memory_space<vmem>>
      tpu.wait_dma2 semaphore(%run_scoped3A : memref<!tpu.dma_semaphore, #tpu.memory_space<semaphore_mem>>) src(%dma_wait3A_347 : memref<32x1024xf32, #tpu.memory_space<vmem>>) dst(%dma_wait3A_344 : memref<32x1024xf32, #tpu.memory_space<hbm>>)
      tpu.yield
    }) : () -> ()
    %add3A_286 = arith.constant 704 : i32
    %add3A_287 = arith.addi %add3A_241, %add3A_286 : i32
    "tpu.region"() ({
      %run_scoped3A = tpu.sem_alloc : memref<!tpu.dma_semaphore, #tpu.memory_space<semaphore_mem>>
      %dma_start3A = arith.constant 0 : i32
      %dma_start3A_330 = arith.constant 0 : i32
      %dma_start3A_331 = tpu.memref_slice %arg9[%dma_start3A, %dma_start3A_330] : memref<32x1024xf32, #tpu.memory_space<vmem>> -> memref<32x1024xf32, #tpu.memory_space<vmem>>
      %dma_start3A_332 = arith.constant 0 : i32
      %dma_start3A_333 = tpu.memref_slice %arg6[%add3A_287, %dma_start3A_332] : memref<50000x1024xf32, #tpu.memory_space<hbm>> -> memref<32x1024xf32, #tpu.memory_space<hbm>>
      %dma_start3A_334 = arith.constant 0 : i32
      %dma_start3A_335 = tpu.memref_slice %arg6[%add3A_287, %dma_start3A_334] : memref<50000x1024xf32, #tpu.memory_space<hbm>> -> memref<32x1024xf32, #tpu.memory_space<hbm>>
      %dma_start3A_336 = arith.constant 0 : i32
      %dma_start3A_337 = arith.constant 0 : i32
      %dma_start3A_338 = tpu.memref_slice %arg9[%dma_start3A_336, %dma_start3A_337] : memref<32x1024xf32, #tpu.memory_space<vmem>> -> memref<32x1024xf32, #tpu.memory_space<vmem>>
      tpu.enqueue_dma source(%dma_start3A_338 : memref<32x1024xf32, #tpu.memory_space<vmem>>) target(%dma_start3A_335 : memref<32x1024xf32, #tpu.memory_space<hbm>>) target_semaphore(%run_scoped3A : memref<!tpu.dma_semaphore, #tpu.memory_space<semaphore_mem>>)
      %dma_wait3A = arith.constant 0 : i32
      %dma_wait3A_339 = arith.constant 0 : i32
      %dma_wait3A_340 = tpu.memref_slice %arg9[%dma_wait3A, %dma_wait3A_339] : memref<32x1024xf32, #tpu.memory_space<vmem>> -> memref<32x1024xf32, #tpu.memory_space<vmem>>
      %dma_wait3A_341 = arith.constant 0 : i32
      %dma_wait3A_342 = tpu.memref_slice %arg6[%add3A_287, %dma_wait3A_341] : memref<50000x1024xf32, #tpu.memory_space<hbm>> -> memref<32x1024xf32, #tpu.memory_space<hbm>>
      %dma_wait3A_343 = arith.constant 0 : i32
      %dma_wait3A_344 = tpu.memref_slice %arg6[%add3A_287, %dma_wait3A_343] : memref<50000x1024xf32, #tpu.memory_space<hbm>> -> memref<32x1024xf32, #tpu.memory_space<hbm>>
      %dma_wait3A_345 = arith.constant 0 : i32
      %dma_wait3A_346 = arith.constant 0 : i32
      %dma_wait3A_347 = tpu.memref_slice %arg9[%dma_wait3A_345, %dma_wait3A_346] : memref<32x1024xf32, #tpu.memory_space<vmem>> -> memref<32x1024xf32, #tpu.memory_space<vmem>>
      tpu.wait_dma2 semaphore(%run_scoped3A : memref<!tpu.dma_semaphore, #tpu.memory_space<semaphore_mem>>) src(%dma_wait3A_347 : memref<32x1024xf32, #tpu.memory_space<vmem>>) dst(%dma_wait3A_344 : memref<32x1024xf32, #tpu.memory_space<hbm>>)
      tpu.yield
    }) : () -> ()
    %add3A_288 = arith.constant 736 : i32
    %add3A_289 = arith.addi %add3A_241, %add3A_288 : i32
    "tpu.region"() ({
      %run_scoped3A = tpu.sem_alloc : memref<!tpu.dma_semaphore, #tpu.memory_space<semaphore_mem>>
      %dma_start3A = arith.constant 0 : i32
      %dma_start3A_330 = arith.constant 0 : i32
      %dma_start3A_331 = tpu.memref_slice %arg9[%dma_start3A, %dma_start3A_330] : memref<32x1024xf32, #tpu.memory_space<vmem>> -> memref<32x1024xf32, #tpu.memory_space<vmem>>
      %dma_start3A_332 = arith.constant 0 : i32
      %dma_start3A_333 = tpu.memref_slice %arg6[%add3A_289, %dma_start3A_332] : memref<50000x1024xf32, #tpu.memory_space<hbm>> -> memref<32x1024xf32, #tpu.memory_space<hbm>>
      %dma_start3A_334 = arith.constant 0 : i32
      %dma_start3A_335 = tpu.memref_slice %arg6[%add3A_289, %dma_start3A_334] : memref<50000x1024xf32, #tpu.memory_space<hbm>> -> memref<32x1024xf32, #tpu.memory_space<hbm>>
      %dma_start3A_336 = arith.constant 0 : i32
      %dma_start3A_337 = arith.constant 0 : i32
      %dma_start3A_338 = tpu.memref_slice %arg9[%dma_start3A_336, %dma_start3A_337] : memref<32x1024xf32, #tpu.memory_space<vmem>> -> memref<32x1024xf32, #tpu.memory_space<vmem>>
      tpu.enqueue_dma source(%dma_start3A_338 : memref<32x1024xf32, #tpu.memory_space<vmem>>) target(%dma_start3A_335 : memref<32x1024xf32, #tpu.memory_space<hbm>>) target_semaphore(%run_scoped3A : memref<!tpu.dma_semaphore, #tpu.memory_space<semaphore_mem>>)
      %dma_wait3A = arith.constant 0 : i32
      %dma_wait3A_339 = arith.constant 0 : i32
      %dma_wait3A_340 = tpu.memref_slice %arg9[%dma_wait3A, %dma_wait3A_339] : memref<32x1024xf32, #tpu.memory_space<vmem>> -> memref<32x1024xf32, #tpu.memory_space<vmem>>
      %dma_wait3A_341 = arith.constant 0 : i32
      %dma_wait3A_342 = tpu.memref_slice %arg6[%add3A_289, %dma_wait3A_341] : memref<50000x1024xf32, #tpu.memory_space<hbm>> -> memref<32x1024xf32, #tpu.memory_space<hbm>>
      %dma_wait3A_343 = arith.constant 0 : i32
      %dma_wait3A_344 = tpu.memref_slice %arg6[%add3A_289, %dma_wait3A_343] : memref<50000x1024xf32, #tpu.memory_space<hbm>> -> memref<32x1024xf32, #tpu.memory_space<hbm>>
      %dma_wait3A_345 = arith.constant 0 : i32
      %dma_wait3A_346 = arith.constant 0 : i32
      %dma_wait3A_347 = tpu.memref_slice %arg9[%dma_wait3A_345, %dma_wait3A_346] : memref<32x1024xf32, #tpu.memory_space<vmem>> -> memref<32x1024xf32, #tpu.memory_space<vmem>>
      tpu.wait_dma2 semaphore(%run_scoped3A : memref<!tpu.dma_semaphore, #tpu.memory_space<semaphore_mem>>) src(%dma_wait3A_347 : memref<32x1024xf32, #tpu.memory_space<vmem>>) dst(%dma_wait3A_344 : memref<32x1024xf32, #tpu.memory_space<hbm>>)
      tpu.yield
    }) : () -> ()
    %add3A_290 = arith.constant 768 : i32
    %add3A_291 = arith.addi %add3A_241, %add3A_290 : i32
    "tpu.region"() ({
      %run_scoped3A = tpu.sem_alloc : memref<!tpu.dma_semaphore, #tpu.memory_space<semaphore_mem>>
      %dma_start3A = arith.constant 0 : i32
      %dma_start3A_330 = arith.constant 0 : i32
      %dma_start3A_331 = tpu.memref_slice %arg9[%dma_start3A, %dma_start3A_330] : memref<32x1024xf32, #tpu.memory_space<vmem>> -> memref<32x1024xf32, #tpu.memory_space<vmem>>
      %dma_start3A_332 = arith.constant 0 : i32
      %dma_start3A_333 = tpu.memref_slice %arg6[%add3A_291, %dma_start3A_332] : memref<50000x1024xf32, #tpu.memory_space<hbm>> -> memref<32x1024xf32, #tpu.memory_space<hbm>>
      %dma_start3A_334 = arith.constant 0 : i32
      %dma_start3A_335 = tpu.memref_slice %arg6[%add3A_291, %dma_start3A_334] : memref<50000x1024xf32, #tpu.memory_space<hbm>> -> memref<32x1024xf32, #tpu.memory_space<hbm>>
      %dma_start3A_336 = arith.constant 0 : i32
      %dma_start3A_337 = arith.constant 0 : i32
      %dma_start3A_338 = tpu.memref_slice %arg9[%dma_start3A_336, %dma_start3A_337] : memref<32x1024xf32, #tpu.memory_space<vmem>> -> memref<32x1024xf32, #tpu.memory_space<vmem>>
      tpu.enqueue_dma source(%dma_start3A_338 : memref<32x1024xf32, #tpu.memory_space<vmem>>) target(%dma_start3A_335 : memref<32x1024xf32, #tpu.memory_space<hbm>>) target_semaphore(%run_scoped3A : memref<!tpu.dma_semaphore, #tpu.memory_space<semaphore_mem>>)
      %dma_wait3A = arith.constant 0 : i32
      %dma_wait3A_339 = arith.constant 0 : i32
      %dma_wait3A_340 = tpu.memref_slice %arg9[%dma_wait3A, %dma_wait3A_339] : memref<32x1024xf32, #tpu.memory_space<vmem>> -> memref<32x1024xf32, #tpu.memory_space<vmem>>
      %dma_wait3A_341 = arith.constant 0 : i32
      %dma_wait3A_342 = tpu.memref_slice %arg6[%add3A_291, %dma_wait3A_341] : memref<50000x1024xf32, #tpu.memory_space<hbm>> -> memref<32x1024xf32, #tpu.memory_space<hbm>>
      %dma_wait3A_343 = arith.constant 0 : i32
      %dma_wait3A_344 = tpu.memref_slice %arg6[%add3A_291, %dma_wait3A_343] : memref<50000x1024xf32, #tpu.memory_space<hbm>> -> memref<32x1024xf32, #tpu.memory_space<hbm>>
      %dma_wait3A_345 = arith.constant 0 : i32
      %dma_wait3A_346 = arith.constant 0 : i32
      %dma_wait3A_347 = tpu.memref_slice %arg9[%dma_wait3A_345, %dma_wait3A_346] : memref<32x1024xf32, #tpu.memory_space<vmem>> -> memref<32x1024xf32, #tpu.memory_space<vmem>>
      tpu.wait_dma2 semaphore(%run_scoped3A : memref<!tpu.dma_semaphore, #tpu.memory_space<semaphore_mem>>) src(%dma_wait3A_347 : memref<32x1024xf32, #tpu.memory_space<vmem>>) dst(%dma_wait3A_344 : memref<32x1024xf32, #tpu.memory_space<hbm>>)
      tpu.yield
    }) : () -> ()
    %add3A_292 = arith.constant 800 : i32
    %add3A_293 = arith.addi %add3A_241, %add3A_292 : i32
    "tpu.region"() ({
      %run_scoped3A = tpu.sem_alloc : memref<!tpu.dma_semaphore, #tpu.memory_space<semaphore_mem>>
      %dma_start3A = arith.constant 0 : i32
      %dma_start3A_330 = arith.constant 0 : i32
      %dma_start3A_331 = tpu.memref_slice %arg9[%dma_start3A, %dma_start3A_330] : memref<32x1024xf32, #tpu.memory_space<vmem>> -> memref<32x1024xf32, #tpu.memory_space<vmem>>
      %dma_start3A_332 = arith.constant 0 : i32
      %dma_start3A_333 = tpu.memref_slice %arg6[%add3A_293, %dma_start3A_332] : memref<50000x1024xf32, #tpu.memory_space<hbm>> -> memref<32x1024xf32, #tpu.memory_space<hbm>>
      %dma_start3A_334 = arith.constant 0 : i32
      %dma_start3A_335 = tpu.memref_slice %arg6[%add3A_293, %dma_start3A_334] : memref<50000x1024xf32, #tpu.memory_space<hbm>> -> memref<32x1024xf32, #tpu.memory_space<hbm>>
      %dma_start3A_336 = arith.constant 0 : i32
      %dma_start3A_337 = arith.constant 0 : i32
      %dma_start3A_338 = tpu.memref_slice %arg9[%dma_start3A_336, %dma_start3A_337] : memref<32x1024xf32, #tpu.memory_space<vmem>> -> memref<32x1024xf32, #tpu.memory_space<vmem>>
      tpu.enqueue_dma source(%dma_start3A_338 : memref<32x1024xf32, #tpu.memory_space<vmem>>) target(%dma_start3A_335 : memref<32x1024xf32, #tpu.memory_space<hbm>>) target_semaphore(%run_scoped3A : memref<!tpu.dma_semaphore, #tpu.memory_space<semaphore_mem>>)
      %dma_wait3A = arith.constant 0 : i32
      %dma_wait3A_339 = arith.constant 0 : i32
      %dma_wait3A_340 = tpu.memref_slice %arg9[%dma_wait3A, %dma_wait3A_339] : memref<32x1024xf32, #tpu.memory_space<vmem>> -> memref<32x1024xf32, #tpu.memory_space<vmem>>
      %dma_wait3A_341 = arith.constant 0 : i32
      %dma_wait3A_342 = tpu.memref_slice %arg6[%add3A_293, %dma_wait3A_341] : memref<50000x1024xf32, #tpu.memory_space<hbm>> -> memref<32x1024xf32, #tpu.memory_space<hbm>>
      %dma_wait3A_343 = arith.constant 0 : i32
      %dma_wait3A_344 = tpu.memref_slice %arg6[%add3A_293, %dma_wait3A_343] : memref<50000x1024xf32, #tpu.memory_space<hbm>> -> memref<32x1024xf32, #tpu.memory_space<hbm>>
      %dma_wait3A_345 = arith.constant 0 : i32
      %dma_wait3A_346 = arith.constant 0 : i32
      %dma_wait3A_347 = tpu.memref_slice %arg9[%dma_wait3A_345, %dma_wait3A_346] : memref<32x1024xf32, #tpu.memory_space<vmem>> -> memref<32x1024xf32, #tpu.memory_space<vmem>>
      tpu.wait_dma2 semaphore(%run_scoped3A : memref<!tpu.dma_semaphore, #tpu.memory_space<semaphore_mem>>) src(%dma_wait3A_347 : memref<32x1024xf32, #tpu.memory_space<vmem>>) dst(%dma_wait3A_344 : memref<32x1024xf32, #tpu.memory_space<hbm>>)
      tpu.yield
    }) : () -> ()
    %add3A_294 = arith.constant 832 : i32
    %add3A_295 = arith.addi %add3A_241, %add3A_294 : i32
    "tpu.region"() ({
      %run_scoped3A = tpu.sem_alloc : memref<!tpu.dma_semaphore, #tpu.memory_space<semaphore_mem>>
      %dma_start3A = arith.constant 0 : i32
      %dma_start3A_330 = arith.constant 0 : i32
      %dma_start3A_331 = tpu.memref_slice %arg9[%dma_start3A, %dma_start3A_330] : memref<32x1024xf32, #tpu.memory_space<vmem>> -> memref<32x1024xf32, #tpu.memory_space<vmem>>
      %dma_start3A_332 = arith.constant 0 : i32
      %dma_start3A_333 = tpu.memref_slice %arg6[%add3A_295, %dma_start3A_332] : memref<50000x1024xf32, #tpu.memory_space<hbm>> -> memref<32x1024xf32, #tpu.memory_space<hbm>>
      %dma_start3A_334 = arith.constant 0 : i32
      %dma_start3A_335 = tpu.memref_slice %arg6[%add3A_295, %dma_start3A_334] : memref<50000x1024xf32, #tpu.memory_space<hbm>> -> memref<32x1024xf32, #tpu.memory_space<hbm>>
      %dma_start3A_336 = arith.constant 0 : i32
      %dma_start3A_337 = arith.constant 0 : i32
      %dma_start3A_338 = tpu.memref_slice %arg9[%dma_start3A_336, %dma_start3A_337] : memref<32x1024xf32, #tpu.memory_space<vmem>> -> memref<32x1024xf32, #tpu.memory_space<vmem>>
      tpu.enqueue_dma source(%dma_start3A_338 : memref<32x1024xf32, #tpu.memory_space<vmem>>) target(%dma_start3A_335 : memref<32x1024xf32, #tpu.memory_space<hbm>>) target_semaphore(%run_scoped3A : memref<!tpu.dma_semaphore, #tpu.memory_space<semaphore_mem>>)
      %dma_wait3A = arith.constant 0 : i32
      %dma_wait3A_339 = arith.constant 0 : i32
      %dma_wait3A_340 = tpu.memref_slice %arg9[%dma_wait3A, %dma_wait3A_339] : memref<32x1024xf32, #tpu.memory_space<vmem>> -> memref<32x1024xf32, #tpu.memory_space<vmem>>
      %dma_wait3A_341 = arith.constant 0 : i32
      %dma_wait3A_342 = tpu.memref_slice %arg6[%add3A_295, %dma_wait3A_341] : memref<50000x1024xf32, #tpu.memory_space<hbm>> -> memref<32x1024xf32, #tpu.memory_space<hbm>>
      %dma_wait3A_343 = arith.constant 0 : i32
      %dma_wait3A_344 = tpu.memref_slice %arg6[%add3A_295, %dma_wait3A_343] : memref<50000x1024xf32, #tpu.memory_space<hbm>> -> memref<32x1024xf32, #tpu.memory_space<hbm>>
      %dma_wait3A_345 = arith.constant 0 : i32
      %dma_wait3A_346 = arith.constant 0 : i32
      %dma_wait3A_347 = tpu.memref_slice %arg9[%dma_wait3A_345, %dma_wait3A_346] : memref<32x1024xf32, #tpu.memory_space<vmem>> -> memref<32x1024xf32, #tpu.memory_space<vmem>>
      tpu.wait_dma2 semaphore(%run_scoped3A : memref<!tpu.dma_semaphore, #tpu.memory_space<semaphore_mem>>) src(%dma_wait3A_347 : memref<32x1024xf32, #tpu.memory_space<vmem>>) dst(%dma_wait3A_344 : memref<32x1024xf32, #tpu.memory_space<hbm>>)
      tpu.yield
    }) : () -> ()
    %add3A_296 = arith.constant 864 : i32
    %add3A_297 = arith.addi %add3A_241, %add3A_296 : i32
    "tpu.region"() ({
      %run_scoped3A = tpu.sem_alloc : memref<!tpu.dma_semaphore, #tpu.memory_space<semaphore_mem>>
      %dma_start3A = arith.constant 0 : i32
      %dma_start3A_330 = arith.constant 0 : i32
      %dma_start3A_331 = tpu.memref_slice %arg9[%dma_start3A, %dma_start3A_330] : memref<32x1024xf32, #tpu.memory_space<vmem>> -> memref<32x1024xf32, #tpu.memory_space<vmem>>
      %dma_start3A_332 = arith.constant 0 : i32
      %dma_start3A_333 = tpu.memref_slice %arg6[%add3A_297, %dma_start3A_332] : memref<50000x1024xf32, #tpu.memory_space<hbm>> -> memref<32x1024xf32, #tpu.memory_space<hbm>>
      %dma_start3A_334 = arith.constant 0 : i32
      %dma_start3A_335 = tpu.memref_slice %arg6[%add3A_297, %dma_start3A_334] : memref<50000x1024xf32, #tpu.memory_space<hbm>> -> memref<32x1024xf32, #tpu.memory_space<hbm>>
      %dma_start3A_336 = arith.constant 0 : i32
      %dma_start3A_337 = arith.constant 0 : i32
      %dma_start3A_338 = tpu.memref_slice %arg9[%dma_start3A_336, %dma_start3A_337] : memref<32x1024xf32, #tpu.memory_space<vmem>> -> memref<32x1024xf32, #tpu.memory_space<vmem>>
      tpu.enqueue_dma source(%dma_start3A_338 : memref<32x1024xf32, #tpu.memory_space<vmem>>) target(%dma_start3A_335 : memref<32x1024xf32, #tpu.memory_space<hbm>>) target_semaphore(%run_scoped3A : memref<!tpu.dma_semaphore, #tpu.memory_space<semaphore_mem>>)
      %dma_wait3A = arith.constant 0 : i32
      %dma_wait3A_339 = arith.constant 0 : i32
      %dma_wait3A_340 = tpu.memref_slice %arg9[%dma_wait3A, %dma_wait3A_339] : memref<32x1024xf32, #tpu.memory_space<vmem>> -> memref<32x1024xf32, #tpu.memory_space<vmem>>
      %dma_wait3A_341 = arith.constant 0 : i32
      %dma_wait3A_342 = tpu.memref_slice %arg6[%add3A_297, %dma_wait3A_341] : memref<50000x1024xf32, #tpu.memory_space<hbm>> -> memref<32x1024xf32, #tpu.memory_space<hbm>>
      %dma_wait3A_343 = arith.constant 0 : i32
      %dma_wait3A_344 = tpu.memref_slice %arg6[%add3A_297, %dma_wait3A_343] : memref<50000x1024xf32, #tpu.memory_space<hbm>> -> memref<32x1024xf32, #tpu.memory_space<hbm>>
      %dma_wait3A_345 = arith.constant 0 : i32
      %dma_wait3A_346 = arith.constant 0 : i32
      %dma_wait3A_347 = tpu.memref_slice %arg9[%dma_wait3A_345, %dma_wait3A_346] : memref<32x1024xf32, #tpu.memory_space<vmem>> -> memref<32x1024xf32, #tpu.memory_space<vmem>>
      tpu.wait_dma2 semaphore(%run_scoped3A : memref<!tpu.dma_semaphore, #tpu.memory_space<semaphore_mem>>) src(%dma_wait3A_347 : memref<32x1024xf32, #tpu.memory_space<vmem>>) dst(%dma_wait3A_344 : memref<32x1024xf32, #tpu.memory_space<hbm>>)
      tpu.yield
    }) : () -> ()
    %add3A_298 = arith.constant 896 : i32
    %add3A_299 = arith.addi %add3A_241, %add3A_298 : i32
    "tpu.region"() ({
      %run_scoped3A = tpu.sem_alloc : memref<!tpu.dma_semaphore, #tpu.memory_space<semaphore_mem>>
      %dma_start3A = arith.constant 0 : i32
      %dma_start3A_330 = arith.constant 0 : i32
      %dma_start3A_331 = tpu.memref_slice %arg9[%dma_start3A, %dma_start3A_330] : memref<32x1024xf32, #tpu.memory_space<vmem>> -> memref<32x1024xf32, #tpu.memory_space<vmem>>
      %dma_start3A_332 = arith.constant 0 : i32
      %dma_start3A_333 = tpu.memref_slice %arg6[%add3A_299, %dma_start3A_332] : memref<50000x1024xf32, #tpu.memory_space<hbm>> -> memref<32x1024xf32, #tpu.memory_space<hbm>>
      %dma_start3A_334 = arith.constant 0 : i32
      %dma_start3A_335 = tpu.memref_slice %arg6[%add3A_299, %dma_start3A_334] : memref<50000x1024xf32, #tpu.memory_space<hbm>> -> memref<32x1024xf32, #tpu.memory_space<hbm>>
      %dma_start3A_336 = arith.constant 0 : i32
      %dma_start3A_337 = arith.constant 0 : i32
      %dma_start3A_338 = tpu.memref_slice %arg9[%dma_start3A_336, %dma_start3A_337] : memref<32x1024xf32, #tpu.memory_space<vmem>> -> memref<32x1024xf32, #tpu.memory_space<vmem>>
      tpu.enqueue_dma source(%dma_start3A_338 : memref<32x1024xf32, #tpu.memory_space<vmem>>) target(%dma_start3A_335 : memref<32x1024xf32, #tpu.memory_space<hbm>>) target_semaphore(%run_scoped3A : memref<!tpu.dma_semaphore, #tpu.memory_space<semaphore_mem>>)
      %dma_wait3A = arith.constant 0 : i32
      %dma_wait3A_339 = arith.constant 0 : i32
      %dma_wait3A_340 = tpu.memref_slice %arg9[%dma_wait3A, %dma_wait3A_339] : memref<32x1024xf32, #tpu.memory_space<vmem>> -> memref<32x1024xf32, #tpu.memory_space<vmem>>
      %dma_wait3A_341 = arith.constant 0 : i32
      %dma_wait3A_342 = tpu.memref_slice %arg6[%add3A_299, %dma_wait3A_341] : memref<50000x1024xf32, #tpu.memory_space<hbm>> -> memref<32x1024xf32, #tpu.memory_space<hbm>>
      %dma_wait3A_343 = arith.constant 0 : i32
      %dma_wait3A_344 = tpu.memref_slice %arg6[%add3A_299, %dma_wait3A_343] : memref<50000x1024xf32, #tpu.memory_space<hbm>> -> memref<32x1024xf32, #tpu.memory_space<hbm>>
      %dma_wait3A_345 = arith.constant 0 : i32
      %dma_wait3A_346 = arith.constant 0 : i32
      %dma_wait3A_347 = tpu.memref_slice %arg9[%dma_wait3A_345, %dma_wait3A_346] : memref<32x1024xf32, #tpu.memory_space<vmem>> -> memref<32x1024xf32, #tpu.memory_space<vmem>>
      tpu.wait_dma2 semaphore(%run_scoped3A : memref<!tpu.dma_semaphore, #tpu.memory_space<semaphore_mem>>) src(%dma_wait3A_347 : memref<32x1024xf32, #tpu.memory_space<vmem>>) dst(%dma_wait3A_344 : memref<32x1024xf32, #tpu.memory_space<hbm>>)
      tpu.yield
    }) : () -> ()
    %add3A_300 = arith.constant 928 : i32
    %add3A_301 = arith.addi %add3A_241, %add3A_300 : i32
    "tpu.region"() ({
      %run_scoped3A = tpu.sem_alloc : memref<!tpu.dma_semaphore, #tpu.memory_space<semaphore_mem>>
      %dma_start3A = arith.constant 0 : i32
      %dma_start3A_330 = arith.constant 0 : i32
      %dma_start3A_331 = tpu.memref_slice %arg9[%dma_start3A, %dma_start3A_330] : memref<32x1024xf32, #tpu.memory_space<vmem>> -> memref<32x1024xf32, #tpu.memory_space<vmem>>
      %dma_start3A_332 = arith.constant 0 : i32
      %dma_start3A_333 = tpu.memref_slice %arg6[%add3A_301, %dma_start3A_332] : memref<50000x1024xf32, #tpu.memory_space<hbm>> -> memref<32x1024xf32, #tpu.memory_space<hbm>>
      %dma_start3A_334 = arith.constant 0 : i32
      %dma_start3A_335 = tpu.memref_slice %arg6[%add3A_301, %dma_start3A_334] : memref<50000x1024xf32, #tpu.memory_space<hbm>> -> memref<32x1024xf32, #tpu.memory_space<hbm>>
      %dma_start3A_336 = arith.constant 0 : i32
      %dma_start3A_337 = arith.constant 0 : i32
      %dma_start3A_338 = tpu.memref_slice %arg9[%dma_start3A_336, %dma_start3A_337] : memref<32x1024xf32, #tpu.memory_space<vmem>> -> memref<32x1024xf32, #tpu.memory_space<vmem>>
      tpu.enqueue_dma source(%dma_start3A_338 : memref<32x1024xf32, #tpu.memory_space<vmem>>) target(%dma_start3A_335 : memref<32x1024xf32, #tpu.memory_space<hbm>>) target_semaphore(%run_scoped3A : memref<!tpu.dma_semaphore, #tpu.memory_space<semaphore_mem>>)
      %dma_wait3A = arith.constant 0 : i32
      %dma_wait3A_339 = arith.constant 0 : i32
      %dma_wait3A_340 = tpu.memref_slice %arg9[%dma_wait3A, %dma_wait3A_339] : memref<32x1024xf32, #tpu.memory_space<vmem>> -> memref<32x1024xf32, #tpu.memory_space<vmem>>
      %dma_wait3A_341 = arith.constant 0 : i32
      %dma_wait3A_342 = tpu.memref_slice %arg6[%add3A_301, %dma_wait3A_341] : memref<50000x1024xf32, #tpu.memory_space<hbm>> -> memref<32x1024xf32, #tpu.memory_space<hbm>>
      %dma_wait3A_343 = arith.constant 0 : i32
      %dma_wait3A_344 = tpu.memref_slice %arg6[%add3A_301, %dma_wait3A_343] : memref<50000x1024xf32, #tpu.memory_space<hbm>> -> memref<32x1024xf32, #tpu.memory_space<hbm>>
      %dma_wait3A_345 = arith.constant 0 : i32
      %dma_wait3A_346 = arith.constant 0 : i32
      %dma_wait3A_347 = tpu.memref_slice %arg9[%dma_wait3A_345, %dma_wait3A_346] : memref<32x1024xf32, #tpu.memory_space<vmem>> -> memref<32x1024xf32, #tpu.memory_space<vmem>>
      tpu.wait_dma2 semaphore(%run_scoped3A : memref<!tpu.dma_semaphore, #tpu.memory_space<semaphore_mem>>) src(%dma_wait3A_347 : memref<32x1024xf32, #tpu.memory_space<vmem>>) dst(%dma_wait3A_344 : memref<32x1024xf32, #tpu.memory_space<hbm>>)
      tpu.yield
    }) : () -> ()
    %add3A_302 = arith.constant 960 : i32
    %add3A_303 = arith.addi %add3A_241, %add3A_302 : i32
    "tpu.region"() ({
      %run_scoped3A = tpu.sem_alloc : memref<!tpu.dma_semaphore, #tpu.memory_space<semaphore_mem>>
      %dma_start3A = arith.constant 0 : i32
      %dma_start3A_330 = arith.constant 0 : i32
      %dma_start3A_331 = tpu.memref_slice %arg9[%dma_start3A, %dma_start3A_330] : memref<32x1024xf32, #tpu.memory_space<vmem>> -> memref<32x1024xf32, #tpu.memory_space<vmem>>
      %dma_start3A_332 = arith.constant 0 : i32
      %dma_start3A_333 = tpu.memref_slice %arg6[%add3A_303, %dma_start3A_332] : memref<50000x1024xf32, #tpu.memory_space<hbm>> -> memref<32x1024xf32, #tpu.memory_space<hbm>>
      %dma_start3A_334 = arith.constant 0 : i32
      %dma_start3A_335 = tpu.memref_slice %arg6[%add3A_303, %dma_start3A_334] : memref<50000x1024xf32, #tpu.memory_space<hbm>> -> memref<32x1024xf32, #tpu.memory_space<hbm>>
      %dma_start3A_336 = arith.constant 0 : i32
      %dma_start3A_337 = arith.constant 0 : i32
      %dma_start3A_338 = tpu.memref_slice %arg9[%dma_start3A_336, %dma_start3A_337] : memref<32x1024xf32, #tpu.memory_space<vmem>> -> memref<32x1024xf32, #tpu.memory_space<vmem>>
      tpu.enqueue_dma source(%dma_start3A_338 : memref<32x1024xf32, #tpu.memory_space<vmem>>) target(%dma_start3A_335 : memref<32x1024xf32, #tpu.memory_space<hbm>>) target_semaphore(%run_scoped3A : memref<!tpu.dma_semaphore, #tpu.memory_space<semaphore_mem>>)
      %dma_wait3A = arith.constant 0 : i32
      %dma_wait3A_339 = arith.constant 0 : i32
      %dma_wait3A_340 = tpu.memref_slice %arg9[%dma_wait3A, %dma_wait3A_339] : memref<32x1024xf32, #tpu.memory_space<vmem>> -> memref<32x1024xf32, #tpu.memory_space<vmem>>
      %dma_wait3A_341 = arith.constant 0 : i32
      %dma_wait3A_342 = tpu.memref_slice %arg6[%add3A_303, %dma_wait3A_341] : memref<50000x1024xf32, #tpu.memory_space<hbm>> -> memref<32x1024xf32, #tpu.memory_space<hbm>>
      %dma_wait3A_343 = arith.constant 0 : i32
      %dma_wait3A_344 = tpu.memref_slice %arg6[%add3A_303, %dma_wait3A_343] : memref<50000x1024xf32, #tpu.memory_space<hbm>> -> memref<32x1024xf32, #tpu.memory_space<hbm>>
      %dma_wait3A_345 = arith.constant 0 : i32
      %dma_wait3A_346 = arith.constant 0 : i32
      %dma_wait3A_347 = tpu.memref_slice %arg9[%dma_wait3A_345, %dma_wait3A_346] : memref<32x1024xf32, #tpu.memory_space<vmem>> -> memref<32x1024xf32, #tpu.memory_space<vmem>>
      tpu.wait_dma2 semaphore(%run_scoped3A : memref<!tpu.dma_semaphore, #tpu.memory_space<semaphore_mem>>) src(%dma_wait3A_347 : memref<32x1024xf32, #tpu.memory_space<vmem>>) dst(%dma_wait3A_344 : memref<32x1024xf32, #tpu.memory_space<hbm>>)
      tpu.yield
    }) : () -> ()
    %add3A_304 = arith.constant 992 : i32
    %add3A_305 = arith.addi %add3A_241, %add3A_304 : i32
    "tpu.region"() ({
      %run_scoped3A = tpu.sem_alloc : memref<!tpu.dma_semaphore, #tpu.memory_space<semaphore_mem>>
      %dma_start3A = arith.constant 0 : i32
      %dma_start3A_330 = arith.constant 0 : i32
      %dma_start3A_331 = tpu.memref_slice %arg9[%dma_start3A, %dma_start3A_330] : memref<32x1024xf32, #tpu.memory_space<vmem>> -> memref<32x1024xf32, #tpu.memory_space<vmem>>
      %dma_start3A_332 = arith.constant 0 : i32
      %dma_start3A_333 = tpu.memref_slice %arg6[%add3A_305, %dma_start3A_332] : memref<50000x1024xf32, #tpu.memory_space<hbm>> -> memref<32x1024xf32, #tpu.memory_space<hbm>>
      %dma_start3A_334 = arith.constant 0 : i32
      %dma_start3A_335 = tpu.memref_slice %arg6[%add3A_305, %dma_start3A_334] : memref<50000x1024xf32, #tpu.memory_space<hbm>> -> memref<32x1024xf32, #tpu.memory_space<hbm>>
      %dma_start3A_336 = arith.constant 0 : i32
      %dma_start3A_337 = arith.constant 0 : i32
      %dma_start3A_338 = tpu.memref_slice %arg9[%dma_start3A_336, %dma_start3A_337] : memref<32x1024xf32, #tpu.memory_space<vmem>> -> memref<32x1024xf32, #tpu.memory_space<vmem>>
      tpu.enqueue_dma source(%dma_start3A_338 : memref<32x1024xf32, #tpu.memory_space<vmem>>) target(%dma_start3A_335 : memref<32x1024xf32, #tpu.memory_space<hbm>>) target_semaphore(%run_scoped3A : memref<!tpu.dma_semaphore, #tpu.memory_space<semaphore_mem>>)
      %dma_wait3A = arith.constant 0 : i32
      %dma_wait3A_339 = arith.constant 0 : i32
      %dma_wait3A_340 = tpu.memref_slice %arg9[%dma_wait3A, %dma_wait3A_339] : memref<32x1024xf32, #tpu.memory_space<vmem>> -> memref<32x1024xf32, #tpu.memory_space<vmem>>
      %dma_wait3A_341 = arith.constant 0 : i32
      %dma_wait3A_342 = tpu.memref_slice %arg6[%add3A_305, %dma_wait3A_341] : memref<50000x1024xf32, #tpu.memory_space<hbm>> -> memref<32x1024xf32, #tpu.memory_space<hbm>>
      %dma_wait3A_343 = arith.constant 0 : i32
      %dma_wait3A_344 = tpu.memref_slice %arg6[%add3A_305, %dma_wait3A_343] : memref<50000x1024xf32, #tpu.memory_space<hbm>> -> memref<32x1024xf32, #tpu.memory_space<hbm>>
      %dma_wait3A_345 = arith.constant 0 : i32
      %dma_wait3A_346 = arith.constant 0 : i32
      %dma_wait3A_347 = tpu.memref_slice %arg9[%dma_wait3A_345, %dma_wait3A_346] : memref<32x1024xf32, #tpu.memory_space<vmem>> -> memref<32x1024xf32, #tpu.memory_space<vmem>>
      tpu.wait_dma2 semaphore(%run_scoped3A : memref<!tpu.dma_semaphore, #tpu.memory_space<semaphore_mem>>) src(%dma_wait3A_347 : memref<32x1024xf32, #tpu.memory_space<vmem>>) dst(%dma_wait3A_344 : memref<32x1024xf32, #tpu.memory_space<hbm>>)
      tpu.yield
    }) : () -> ()
    %add3A_306 = arith.constant 1024 : i32
    %add3A_307 = arith.addi %add3A_241, %add3A_306 : i32
    "tpu.region"() ({
      %run_scoped3A = tpu.sem_alloc : memref<!tpu.dma_semaphore, #tpu.memory_space<semaphore_mem>>
      %dma_start3A = arith.constant 0 : i32
      %dma_start3A_330 = arith.constant 0 : i32
      %dma_start3A_331 = tpu.memref_slice %arg9[%dma_start3A, %dma_start3A_330] : memref<32x1024xf32, #tpu.memory_space<vmem>> -> memref<32x1024xf32, #tpu.memory_space<vmem>>
      %dma_start3A_332 = arith.constant 0 : i32
      %dma_start3A_333 = tpu.memref_slice %arg6[%add3A_307, %dma_start3A_332] : memref<50000x1024xf32, #tpu.memory_space<hbm>> -> memref<32x1024xf32, #tpu.memory_space<hbm>>
      %dma_start3A_334 = arith.constant 0 : i32
      %dma_start3A_335 = tpu.memref_slice %arg6[%add3A_307, %dma_start3A_334] : memref<50000x1024xf32, #tpu.memory_space<hbm>> -> memref<32x1024xf32, #tpu.memory_space<hbm>>
      %dma_start3A_336 = arith.constant 0 : i32
      %dma_start3A_337 = arith.constant 0 : i32
      %dma_start3A_338 = tpu.memref_slice %arg9[%dma_start3A_336, %dma_start3A_337] : memref<32x1024xf32, #tpu.memory_space<vmem>> -> memref<32x1024xf32, #tpu.memory_space<vmem>>
      tpu.enqueue_dma source(%dma_start3A_338 : memref<32x1024xf32, #tpu.memory_space<vmem>>) target(%dma_start3A_335 : memref<32x1024xf32, #tpu.memory_space<hbm>>) target_semaphore(%run_scoped3A : memref<!tpu.dma_semaphore, #tpu.memory_space<semaphore_mem>>)
      %dma_wait3A = arith.constant 0 : i32
      %dma_wait3A_339 = arith.constant 0 : i32
      %dma_wait3A_340 = tpu.memref_slice %arg9[%dma_wait3A, %dma_wait3A_339] : memref<32x1024xf32, #tpu.memory_space<vmem>> -> memref<32x1024xf32, #tpu.memory_space<vmem>>
      %dma_wait3A_341 = arith.constant 0 : i32
      %dma_wait3A_342 = tpu.memref_slice %arg6[%add3A_307, %dma_wait3A_341] : memref<50000x1024xf32, #tpu.memory_space<hbm>> -> memref<32x1024xf32, #tpu.memory_space<hbm>>
      %dma_wait3A_343 = arith.constant 0 : i32
      %dma_wait3A_344 = tpu.memref_slice %arg6[%add3A_307, %dma_wait3A_343] : memref<50000x1024xf32, #tpu.memory_space<hbm>> -> memref<32x1024xf32, #tpu.memory_space<hbm>>
      %dma_wait3A_345 = arith.constant 0 : i32
      %dma_wait3A_346 = arith.constant 0 : i32
      %dma_wait3A_347 = tpu.memref_slice %arg9[%dma_wait3A_345, %dma_wait3A_346] : memref<32x1024xf32, #tpu.memory_space<vmem>> -> memref<32x1024xf32, #tpu.memory_space<vmem>>
      tpu.wait_dma2 semaphore(%run_scoped3A : memref<!tpu.dma_semaphore, #tpu.memory_space<semaphore_mem>>) src(%dma_wait3A_347 : memref<32x1024xf32, #tpu.memory_space<vmem>>) dst(%dma_wait3A_344 : memref<32x1024xf32, #tpu.memory_space<hbm>>)
      tpu.yield
    }) : () -> ()
    %add3A_308 = arith.constant 1056 : i32
    %add3A_309 = arith.addi %add3A_241, %add3A_308 : i32
    "tpu.region"() ({
      %run_scoped3A = tpu.sem_alloc : memref<!tpu.dma_semaphore, #tpu.memory_space<semaphore_mem>>
      %dma_start3A = arith.constant 0 : i32
      %dma_start3A_330 = arith.constant 0 : i32
      %dma_start3A_331 = tpu.memref_slice %arg9[%dma_start3A, %dma_start3A_330] : memref<32x1024xf32, #tpu.memory_space<vmem>> -> memref<32x1024xf32, #tpu.memory_space<vmem>>
      %dma_start3A_332 = arith.constant 0 : i32
      %dma_start3A_333 = tpu.memref_slice %arg6[%add3A_309, %dma_start3A_332] : memref<50000x1024xf32, #tpu.memory_space<hbm>> -> memref<32x1024xf32, #tpu.memory_space<hbm>>
      %dma_start3A_334 = arith.constant 0 : i32
      %dma_start3A_335 = tpu.memref_slice %arg6[%add3A_309, %dma_start3A_334] : memref<50000x1024xf32, #tpu.memory_space<hbm>> -> memref<32x1024xf32, #tpu.memory_space<hbm>>
      %dma_start3A_336 = arith.constant 0 : i32
      %dma_start3A_337 = arith.constant 0 : i32
      %dma_start3A_338 = tpu.memref_slice %arg9[%dma_start3A_336, %dma_start3A_337] : memref<32x1024xf32, #tpu.memory_space<vmem>> -> memref<32x1024xf32, #tpu.memory_space<vmem>>
      tpu.enqueue_dma source(%dma_start3A_338 : memref<32x1024xf32, #tpu.memory_space<vmem>>) target(%dma_start3A_335 : memref<32x1024xf32, #tpu.memory_space<hbm>>) target_semaphore(%run_scoped3A : memref<!tpu.dma_semaphore, #tpu.memory_space<semaphore_mem>>)
      %dma_wait3A = arith.constant 0 : i32
      %dma_wait3A_339 = arith.constant 0 : i32
      %dma_wait3A_340 = tpu.memref_slice %arg9[%dma_wait3A, %dma_wait3A_339] : memref<32x1024xf32, #tpu.memory_space<vmem>> -> memref<32x1024xf32, #tpu.memory_space<vmem>>
      %dma_wait3A_341 = arith.constant 0 : i32
      %dma_wait3A_342 = tpu.memref_slice %arg6[%add3A_309, %dma_wait3A_341] : memref<50000x1024xf32, #tpu.memory_space<hbm>> -> memref<32x1024xf32, #tpu.memory_space<hbm>>
      %dma_wait3A_343 = arith.constant 0 : i32
      %dma_wait3A_344 = tpu.memref_slice %arg6[%add3A_309, %dma_wait3A_343] : memref<50000x1024xf32, #tpu.memory_space<hbm>> -> memref<32x1024xf32, #tpu.memory_space<hbm>>
      %dma_wait3A_345 = arith.constant 0 : i32
      %dma_wait3A_346 = arith.constant 0 : i32
      %dma_wait3A_347 = tpu.memref_slice %arg9[%dma_wait3A_345, %dma_wait3A_346] : memref<32x1024xf32, #tpu.memory_space<vmem>> -> memref<32x1024xf32, #tpu.memory_space<vmem>>
      tpu.wait_dma2 semaphore(%run_scoped3A : memref<!tpu.dma_semaphore, #tpu.memory_space<semaphore_mem>>) src(%dma_wait3A_347 : memref<32x1024xf32, #tpu.memory_space<vmem>>) dst(%dma_wait3A_344 : memref<32x1024xf32, #tpu.memory_space<hbm>>)
      tpu.yield
    }) : () -> ()
    %add3A_310 = arith.constant 1088 : i32
    %add3A_311 = arith.addi %add3A_241, %add3A_310 : i32
    "tpu.region"() ({
      %run_scoped3A = tpu.sem_alloc : memref<!tpu.dma_semaphore, #tpu.memory_space<semaphore_mem>>
      %dma_start3A = arith.constant 0 : i32
      %dma_start3A_330 = arith.constant 0 : i32
      %dma_start3A_331 = tpu.memref_slice %arg9[%dma_start3A, %dma_start3A_330] : memref<32x1024xf32, #tpu.memory_space<vmem>> -> memref<32x1024xf32, #tpu.memory_space<vmem>>
      %dma_start3A_332 = arith.constant 0 : i32
      %dma_start3A_333 = tpu.memref_slice %arg6[%add3A_311, %dma_start3A_332] : memref<50000x1024xf32, #tpu.memory_space<hbm>> -> memref<32x1024xf32, #tpu.memory_space<hbm>>
      %dma_start3A_334 = arith.constant 0 : i32
      %dma_start3A_335 = tpu.memref_slice %arg6[%add3A_311, %dma_start3A_334] : memref<50000x1024xf32, #tpu.memory_space<hbm>> -> memref<32x1024xf32, #tpu.memory_space<hbm>>
      %dma_start3A_336 = arith.constant 0 : i32
      %dma_start3A_337 = arith.constant 0 : i32
      %dma_start3A_338 = tpu.memref_slice %arg9[%dma_start3A_336, %dma_start3A_337] : memref<32x1024xf32, #tpu.memory_space<vmem>> -> memref<32x1024xf32, #tpu.memory_space<vmem>>
      tpu.enqueue_dma source(%dma_start3A_338 : memref<32x1024xf32, #tpu.memory_space<vmem>>) target(%dma_start3A_335 : memref<32x1024xf32, #tpu.memory_space<hbm>>) target_semaphore(%run_scoped3A : memref<!tpu.dma_semaphore, #tpu.memory_space<semaphore_mem>>)
      %dma_wait3A = arith.constant 0 : i32
      %dma_wait3A_339 = arith.constant 0 : i32
      %dma_wait3A_340 = tpu.memref_slice %arg9[%dma_wait3A, %dma_wait3A_339] : memref<32x1024xf32, #tpu.memory_space<vmem>> -> memref<32x1024xf32, #tpu.memory_space<vmem>>
      %dma_wait3A_341 = arith.constant 0 : i32
      %dma_wait3A_342 = tpu.memref_slice %arg6[%add3A_311, %dma_wait3A_341] : memref<50000x1024xf32, #tpu.memory_space<hbm>> -> memref<32x1024xf32, #tpu.memory_space<hbm>>
      %dma_wait3A_343 = arith.constant 0 : i32
      %dma_wait3A_344 = tpu.memref_slice %arg6[%add3A_311, %dma_wait3A_343] : memref<50000x1024xf32, #tpu.memory_space<hbm>> -> memref<32x1024xf32, #tpu.memory_space<hbm>>
      %dma_wait3A_345 = arith.constant 0 : i32
      %dma_wait3A_346 = arith.constant 0 : i32
      %dma_wait3A_347 = tpu.memref_slice %arg9[%dma_wait3A_345, %dma_wait3A_346] : memref<32x1024xf32, #tpu.memory_space<vmem>> -> memref<32x1024xf32, #tpu.memory_space<vmem>>
      tpu.wait_dma2 semaphore(%run_scoped3A : memref<!tpu.dma_semaphore, #tpu.memory_space<semaphore_mem>>) src(%dma_wait3A_347 : memref<32x1024xf32, #tpu.memory_space<vmem>>) dst(%dma_wait3A_344 : memref<32x1024xf32, #tpu.memory_space<hbm>>)
      tpu.yield
    }) : () -> ()
    %add3A_312 = arith.constant 1120 : i32
    %add3A_313 = arith.addi %add3A_241, %add3A_312 : i32
    "tpu.region"() ({
      %run_scoped3A = tpu.sem_alloc : memref<!tpu.dma_semaphore, #tpu.memory_space<semaphore_mem>>
      %dma_start3A = arith.constant 0 : i32
      %dma_start3A_330 = arith.constant 0 : i32
      %dma_start3A_331 = tpu.memref_slice %arg9[%dma_start3A, %dma_start3A_330] : memref<32x1024xf32, #tpu.memory_space<vmem>> -> memref<32x1024xf32, #tpu.memory_space<vmem>>
      %dma_start3A_332 = arith.constant 0 : i32
      %dma_start3A_333 = tpu.memref_slice %arg6[%add3A_313, %dma_start3A_332] : memref<50000x1024xf32, #tpu.memory_space<hbm>> -> memref<32x1024xf32, #tpu.memory_space<hbm>>
      %dma_start3A_334 = arith.constant 0 : i32
      %dma_start3A_335 = tpu.memref_slice %arg6[%add3A_313, %dma_start3A_334] : memref<50000x1024xf32, #tpu.memory_space<hbm>> -> memref<32x1024xf32, #tpu.memory_space<hbm>>
      %dma_start3A_336 = arith.constant 0 : i32
      %dma_start3A_337 = arith.constant 0 : i32
      %dma_start3A_338 = tpu.memref_slice %arg9[%dma_start3A_336, %dma_start3A_337] : memref<32x1024xf32, #tpu.memory_space<vmem>> -> memref<32x1024xf32, #tpu.memory_space<vmem>>
      tpu.enqueue_dma source(%dma_start3A_338 : memref<32x1024xf32, #tpu.memory_space<vmem>>) target(%dma_start3A_335 : memref<32x1024xf32, #tpu.memory_space<hbm>>) target_semaphore(%run_scoped3A : memref<!tpu.dma_semaphore, #tpu.memory_space<semaphore_mem>>)
      %dma_wait3A = arith.constant 0 : i32
      %dma_wait3A_339 = arith.constant 0 : i32
      %dma_wait3A_340 = tpu.memref_slice %arg9[%dma_wait3A, %dma_wait3A_339] : memref<32x1024xf32, #tpu.memory_space<vmem>> -> memref<32x1024xf32, #tpu.memory_space<vmem>>
      %dma_wait3A_341 = arith.constant 0 : i32
      %dma_wait3A_342 = tpu.memref_slice %arg6[%add3A_313, %dma_wait3A_341] : memref<50000x1024xf32, #tpu.memory_space<hbm>> -> memref<32x1024xf32, #tpu.memory_space<hbm>>
      %dma_wait3A_343 = arith.constant 0 : i32
      %dma_wait3A_344 = tpu.memref_slice %arg6[%add3A_313, %dma_wait3A_343] : memref<50000x1024xf32, #tpu.memory_space<hbm>> -> memref<32x1024xf32, #tpu.memory_space<hbm>>
      %dma_wait3A_345 = arith.constant 0 : i32
      %dma_wait3A_346 = arith.constant 0 : i32
      %dma_wait3A_347 = tpu.memref_slice %arg9[%dma_wait3A_345, %dma_wait3A_346] : memref<32x1024xf32, #tpu.memory_space<vmem>> -> memref<32x1024xf32, #tpu.memory_space<vmem>>
      tpu.wait_dma2 semaphore(%run_scoped3A : memref<!tpu.dma_semaphore, #tpu.memory_space<semaphore_mem>>) src(%dma_wait3A_347 : memref<32x1024xf32, #tpu.memory_space<vmem>>) dst(%dma_wait3A_344 : memref<32x1024xf32, #tpu.memory_space<hbm>>)
      tpu.yield
    }) : () -> ()
    %add3A_314 = arith.constant 1152 : i32
    %add3A_315 = arith.addi %add3A_241, %add3A_314 : i32
    "tpu.region"() ({
      %run_scoped3A = tpu.sem_alloc : memref<!tpu.dma_semaphore, #tpu.memory_space<semaphore_mem>>
      %dma_start3A = arith.constant 0 : i32
      %dma_start3A_330 = arith.constant 0 : i32
      %dma_start3A_331 = tpu.memref_slice %arg9[%dma_start3A, %dma_start3A_330] : memref<32x1024xf32, #tpu.memory_space<vmem>> -> memref<32x1024xf32, #tpu.memory_space<vmem>>
      %dma_start3A_332 = arith.constant 0 : i32
      %dma_start3A_333 = tpu.memref_slice %arg6[%add3A_315, %dma_start3A_332] : memref<50000x1024xf32, #tpu.memory_space<hbm>> -> memref<32x1024xf32, #tpu.memory_space<hbm>>
      %dma_start3A_334 = arith.constant 0 : i32
      %dma_start3A_335 = tpu.memref_slice %arg6[%add3A_315, %dma_start3A_334] : memref<50000x1024xf32, #tpu.memory_space<hbm>> -> memref<32x1024xf32, #tpu.memory_space<hbm>>
      %dma_start3A_336 = arith.constant 0 : i32
      %dma_start3A_337 = arith.constant 0 : i32
      %dma_start3A_338 = tpu.memref_slice %arg9[%dma_start3A_336, %dma_start3A_337] : memref<32x1024xf32, #tpu.memory_space<vmem>> -> memref<32x1024xf32, #tpu.memory_space<vmem>>
      tpu.enqueue_dma source(%dma_start3A_338 : memref<32x1024xf32, #tpu.memory_space<vmem>>) target(%dma_start3A_335 : memref<32x1024xf32, #tpu.memory_space<hbm>>) target_semaphore(%run_scoped3A : memref<!tpu.dma_semaphore, #tpu.memory_space<semaphore_mem>>)
      %dma_wait3A = arith.constant 0 : i32
      %dma_wait3A_339 = arith.constant 0 : i32
      %dma_wait3A_340 = tpu.memref_slice %arg9[%dma_wait3A, %dma_wait3A_339] : memref<32x1024xf32, #tpu.memory_space<vmem>> -> memref<32x1024xf32, #tpu.memory_space<vmem>>
      %dma_wait3A_341 = arith.constant 0 : i32
      %dma_wait3A_342 = tpu.memref_slice %arg6[%add3A_315, %dma_wait3A_341] : memref<50000x1024xf32, #tpu.memory_space<hbm>> -> memref<32x1024xf32, #tpu.memory_space<hbm>>
      %dma_wait3A_343 = arith.constant 0 : i32
      %dma_wait3A_344 = tpu.memref_slice %arg6[%add3A_315, %dma_wait3A_343] : memref<50000x1024xf32, #tpu.memory_space<hbm>> -> memref<32x1024xf32, #tpu.memory_space<hbm>>
      %dma_wait3A_345 = arith.constant 0 : i32
      %dma_wait3A_346 = arith.constant 0 : i32
      %dma_wait3A_347 = tpu.memref_slice %arg9[%dma_wait3A_345, %dma_wait3A_346] : memref<32x1024xf32, #tpu.memory_space<vmem>> -> memref<32x1024xf32, #tpu.memory_space<vmem>>
      tpu.wait_dma2 semaphore(%run_scoped3A : memref<!tpu.dma_semaphore, #tpu.memory_space<semaphore_mem>>) src(%dma_wait3A_347 : memref<32x1024xf32, #tpu.memory_space<vmem>>) dst(%dma_wait3A_344 : memref<32x1024xf32, #tpu.memory_space<hbm>>)
      tpu.yield
    }) : () -> ()
    %add3A_316 = arith.constant 1184 : i32
    %add3A_317 = arith.addi %add3A_241, %add3A_316 : i32
    "tpu.region"() ({
      %run_scoped3A = tpu.sem_alloc : memref<!tpu.dma_semaphore, #tpu.memory_space<semaphore_mem>>
      %dma_start3A = arith.constant 0 : i32
      %dma_start3A_330 = arith.constant 0 : i32
      %dma_start3A_331 = tpu.memref_slice %arg9[%dma_start3A, %dma_start3A_330] : memref<32x1024xf32, #tpu.memory_space<vmem>> -> memref<32x1024xf32, #tpu.memory_space<vmem>>
      %dma_start3A_332 = arith.constant 0 : i32
      %dma_start3A_333 = tpu.memref_slice %arg6[%add3A_317, %dma_start3A_332] : memref<50000x1024xf32, #tpu.memory_space<hbm>> -> memref<32x1024xf32, #tpu.memory_space<hbm>>
      %dma_start3A_334 = arith.constant 0 : i32
      %dma_start3A_335 = tpu.memref_slice %arg6[%add3A_317, %dma_start3A_334] : memref<50000x1024xf32, #tpu.memory_space<hbm>> -> memref<32x1024xf32, #tpu.memory_space<hbm>>
      %dma_start3A_336 = arith.constant 0 : i32
      %dma_start3A_337 = arith.constant 0 : i32
      %dma_start3A_338 = tpu.memref_slice %arg9[%dma_start3A_336, %dma_start3A_337] : memref<32x1024xf32, #tpu.memory_space<vmem>> -> memref<32x1024xf32, #tpu.memory_space<vmem>>
      tpu.enqueue_dma source(%dma_start3A_338 : memref<32x1024xf32, #tpu.memory_space<vmem>>) target(%dma_start3A_335 : memref<32x1024xf32, #tpu.memory_space<hbm>>) target_semaphore(%run_scoped3A : memref<!tpu.dma_semaphore, #tpu.memory_space<semaphore_mem>>)
      %dma_wait3A = arith.constant 0 : i32
      %dma_wait3A_339 = arith.constant 0 : i32
      %dma_wait3A_340 = tpu.memref_slice %arg9[%dma_wait3A, %dma_wait3A_339] : memref<32x1024xf32, #tpu.memory_space<vmem>> -> memref<32x1024xf32, #tpu.memory_space<vmem>>
      %dma_wait3A_341 = arith.constant 0 : i32
      %dma_wait3A_342 = tpu.memref_slice %arg6[%add3A_317, %dma_wait3A_341] : memref<50000x1024xf32, #tpu.memory_space<hbm>> -> memref<32x1024xf32, #tpu.memory_space<hbm>>
      %dma_wait3A_343 = arith.constant 0 : i32
      %dma_wait3A_344 = tpu.memref_slice %arg6[%add3A_317, %dma_wait3A_343] : memref<50000x1024xf32, #tpu.memory_space<hbm>> -> memref<32x1024xf32, #tpu.memory_space<hbm>>
      %dma_wait3A_345 = arith.constant 0 : i32
      %dma_wait3A_346 = arith.constant 0 : i32
      %dma_wait3A_347 = tpu.memref_slice %arg9[%dma_wait3A_345, %dma_wait3A_346] : memref<32x1024xf32, #tpu.memory_space<vmem>> -> memref<32x1024xf32, #tpu.memory_space<vmem>>
      tpu.wait_dma2 semaphore(%run_scoped3A : memref<!tpu.dma_semaphore, #tpu.memory_space<semaphore_mem>>) src(%dma_wait3A_347 : memref<32x1024xf32, #tpu.memory_space<vmem>>) dst(%dma_wait3A_344 : memref<32x1024xf32, #tpu.memory_space<hbm>>)
      tpu.yield
    }) : () -> ()
    %add3A_318 = arith.constant 1216 : i32
    %add3A_319 = arith.addi %add3A_241, %add3A_318 : i32
    "tpu.region"() ({
      %run_scoped3A = tpu.sem_alloc : memref<!tpu.dma_semaphore, #tpu.memory_space<semaphore_mem>>
      %dma_start3A = arith.constant 0 : i32
      %dma_start3A_330 = arith.constant 0 : i32
      %dma_start3A_331 = tpu.memref_slice %arg9[%dma_start3A, %dma_start3A_330] : memref<32x1024xf32, #tpu.memory_space<vmem>> -> memref<32x1024xf32, #tpu.memory_space<vmem>>
      %dma_start3A_332 = arith.constant 0 : i32
      %dma_start3A_333 = tpu.memref_slice %arg6[%add3A_319, %dma_start3A_332] : memref<50000x1024xf32, #tpu.memory_space<hbm>> -> memref<32x1024xf32, #tpu.memory_space<hbm>>
      %dma_start3A_334 = arith.constant 0 : i32
      %dma_start3A_335 = tpu.memref_slice %arg6[%add3A_319, %dma_start3A_334] : memref<50000x1024xf32, #tpu.memory_space<hbm>> -> memref<32x1024xf32, #tpu.memory_space<hbm>>
      %dma_start3A_336 = arith.constant 0 : i32
      %dma_start3A_337 = arith.constant 0 : i32
      %dma_start3A_338 = tpu.memref_slice %arg9[%dma_start3A_336, %dma_start3A_337] : memref<32x1024xf32, #tpu.memory_space<vmem>> -> memref<32x1024xf32, #tpu.memory_space<vmem>>
      tpu.enqueue_dma source(%dma_start3A_338 : memref<32x1024xf32, #tpu.memory_space<vmem>>) target(%dma_start3A_335 : memref<32x1024xf32, #tpu.memory_space<hbm>>) target_semaphore(%run_scoped3A : memref<!tpu.dma_semaphore, #tpu.memory_space<semaphore_mem>>)
      %dma_wait3A = arith.constant 0 : i32
      %dma_wait3A_339 = arith.constant 0 : i32
      %dma_wait3A_340 = tpu.memref_slice %arg9[%dma_wait3A, %dma_wait3A_339] : memref<32x1024xf32, #tpu.memory_space<vmem>> -> memref<32x1024xf32, #tpu.memory_space<vmem>>
      %dma_wait3A_341 = arith.constant 0 : i32
      %dma_wait3A_342 = tpu.memref_slice %arg6[%add3A_319, %dma_wait3A_341] : memref<50000x1024xf32, #tpu.memory_space<hbm>> -> memref<32x1024xf32, #tpu.memory_space<hbm>>
      %dma_wait3A_343 = arith.constant 0 : i32
      %dma_wait3A_344 = tpu.memref_slice %arg6[%add3A_319, %dma_wait3A_343] : memref<50000x1024xf32, #tpu.memory_space<hbm>> -> memref<32x1024xf32, #tpu.memory_space<hbm>>
      %dma_wait3A_345 = arith.constant 0 : i32
      %dma_wait3A_346 = arith.constant 0 : i32
      %dma_wait3A_347 = tpu.memref_slice %arg9[%dma_wait3A_345, %dma_wait3A_346] : memref<32x1024xf32, #tpu.memory_space<vmem>> -> memref<32x1024xf32, #tpu.memory_space<vmem>>
      tpu.wait_dma2 semaphore(%run_scoped3A : memref<!tpu.dma_semaphore, #tpu.memory_space<semaphore_mem>>) src(%dma_wait3A_347 : memref<32x1024xf32, #tpu.memory_space<vmem>>) dst(%dma_wait3A_344 : memref<32x1024xf32, #tpu.memory_space<hbm>>)
      tpu.yield
    }) : () -> ()
    %add3A_320 = arith.constant 1248 : i32
    %add3A_321 = arith.addi %add3A_241, %add3A_320 : i32
    "tpu.region"() ({
      %run_scoped3A = tpu.sem_alloc : memref<!tpu.dma_semaphore, #tpu.memory_space<semaphore_mem>>
      %dma_start3A = arith.constant 0 : i32
      %dma_start3A_330 = arith.constant 0 : i32
      %dma_start3A_331 = tpu.memref_slice %arg9[%dma_start3A, %dma_start3A_330] : memref<32x1024xf32, #tpu.memory_space<vmem>> -> memref<32x1024xf32, #tpu.memory_space<vmem>>
      %dma_start3A_332 = arith.constant 0 : i32
      %dma_start3A_333 = tpu.memref_slice %arg6[%add3A_321, %dma_start3A_332] : memref<50000x1024xf32, #tpu.memory_space<hbm>> -> memref<32x1024xf32, #tpu.memory_space<hbm>>
      %dma_start3A_334 = arith.constant 0 : i32
      %dma_start3A_335 = tpu.memref_slice %arg6[%add3A_321, %dma_start3A_334] : memref<50000x1024xf32, #tpu.memory_space<hbm>> -> memref<32x1024xf32, #tpu.memory_space<hbm>>
      %dma_start3A_336 = arith.constant 0 : i32
      %dma_start3A_337 = arith.constant 0 : i32
      %dma_start3A_338 = tpu.memref_slice %arg9[%dma_start3A_336, %dma_start3A_337] : memref<32x1024xf32, #tpu.memory_space<vmem>> -> memref<32x1024xf32, #tpu.memory_space<vmem>>
      tpu.enqueue_dma source(%dma_start3A_338 : memref<32x1024xf32, #tpu.memory_space<vmem>>) target(%dma_start3A_335 : memref<32x1024xf32, #tpu.memory_space<hbm>>) target_semaphore(%run_scoped3A : memref<!tpu.dma_semaphore, #tpu.memory_space<semaphore_mem>>)
      %dma_wait3A = arith.constant 0 : i32
      %dma_wait3A_339 = arith.constant 0 : i32
      %dma_wait3A_340 = tpu.memref_slice %arg9[%dma_wait3A, %dma_wait3A_339] : memref<32x1024xf32, #tpu.memory_space<vmem>> -> memref<32x1024xf32, #tpu.memory_space<vmem>>
      %dma_wait3A_341 = arith.constant 0 : i32
      %dma_wait3A_342 = tpu.memref_slice %arg6[%add3A_321, %dma_wait3A_341] : memref<50000x1024xf32, #tpu.memory_space<hbm>> -> memref<32x1024xf32, #tpu.memory_space<hbm>>
      %dma_wait3A_343 = arith.constant 0 : i32
      %dma_wait3A_344 = tpu.memref_slice %arg6[%add3A_321, %dma_wait3A_343] : memref<50000x1024xf32, #tpu.memory_space<hbm>> -> memref<32x1024xf32, #tpu.memory_space<hbm>>
      %dma_wait3A_345 = arith.constant 0 : i32
      %dma_wait3A_346 = arith.constant 0 : i32
      %dma_wait3A_347 = tpu.memref_slice %arg9[%dma_wait3A_345, %dma_wait3A_346] : memref<32x1024xf32, #tpu.memory_space<vmem>> -> memref<32x1024xf32, #tpu.memory_space<vmem>>
      tpu.wait_dma2 semaphore(%run_scoped3A : memref<!tpu.dma_semaphore, #tpu.memory_space<semaphore_mem>>) src(%dma_wait3A_347 : memref<32x1024xf32, #tpu.memory_space<vmem>>) dst(%dma_wait3A_344 : memref<32x1024xf32, #tpu.memory_space<hbm>>)
      tpu.yield
    }) : () -> ()
    %add3A_322 = arith.constant 1280 : i32
    %add3A_323 = arith.addi %add3A_241, %add3A_322 : i32
    "tpu.region"() ({
      %run_scoped3A = tpu.sem_alloc : memref<!tpu.dma_semaphore, #tpu.memory_space<semaphore_mem>>
      %dma_start3A = arith.constant 0 : i32
      %dma_start3A_330 = arith.constant 0 : i32
      %dma_start3A_331 = tpu.memref_slice %arg9[%dma_start3A, %dma_start3A_330] : memref<32x1024xf32, #tpu.memory_space<vmem>> -> memref<32x1024xf32, #tpu.memory_space<vmem>>
      %dma_start3A_332 = arith.constant 0 : i32
      %dma_start3A_333 = tpu.memref_slice %arg6[%add3A_323, %dma_start3A_332] : memref<50000x1024xf32, #tpu.memory_space<hbm>> -> memref<32x1024xf32, #tpu.memory_space<hbm>>
      %dma_start3A_334 = arith.constant 0 : i32
      %dma_start3A_335 = tpu.memref_slice %arg6[%add3A_323, %dma_start3A_334] : memref<50000x1024xf32, #tpu.memory_space<hbm>> -> memref<32x1024xf32, #tpu.memory_space<hbm>>
      %dma_start3A_336 = arith.constant 0 : i32
      %dma_start3A_337 = arith.constant 0 : i32
      %dma_start3A_338 = tpu.memref_slice %arg9[%dma_start3A_336, %dma_start3A_337] : memref<32x1024xf32, #tpu.memory_space<vmem>> -> memref<32x1024xf32, #tpu.memory_space<vmem>>
      tpu.enqueue_dma source(%dma_start3A_338 : memref<32x1024xf32, #tpu.memory_space<vmem>>) target(%dma_start3A_335 : memref<32x1024xf32, #tpu.memory_space<hbm>>) target_semaphore(%run_scoped3A : memref<!tpu.dma_semaphore, #tpu.memory_space<semaphore_mem>>)
      %dma_wait3A = arith.constant 0 : i32
      %dma_wait3A_339 = arith.constant 0 : i32
      %dma_wait3A_340 = tpu.memref_slice %arg9[%dma_wait3A, %dma_wait3A_339] : memref<32x1024xf32, #tpu.memory_space<vmem>> -> memref<32x1024xf32, #tpu.memory_space<vmem>>
      %dma_wait3A_341 = arith.constant 0 : i32
      %dma_wait3A_342 = tpu.memref_slice %arg6[%add3A_323, %dma_wait3A_341] : memref<50000x1024xf32, #tpu.memory_space<hbm>> -> memref<32x1024xf32, #tpu.memory_space<hbm>>
      %dma_wait3A_343 = arith.constant 0 : i32
      %dma_wait3A_344 = tpu.memref_slice %arg6[%add3A_323, %dma_wait3A_343] : memref<50000x1024xf32, #tpu.memory_space<hbm>> -> memref<32x1024xf32, #tpu.memory_space<hbm>>
      %dma_wait3A_345 = arith.constant 0 : i32
      %dma_wait3A_346 = arith.constant 0 : i32
      %dma_wait3A_347 = tpu.memref_slice %arg9[%dma_wait3A_345, %dma_wait3A_346] : memref<32x1024xf32, #tpu.memory_space<vmem>> -> memref<32x1024xf32, #tpu.memory_space<vmem>>
      tpu.wait_dma2 semaphore(%run_scoped3A : memref<!tpu.dma_semaphore, #tpu.memory_space<semaphore_mem>>) src(%dma_wait3A_347 : memref<32x1024xf32, #tpu.memory_space<vmem>>) dst(%dma_wait3A_344 : memref<32x1024xf32, #tpu.memory_space<hbm>>)
      tpu.yield
    }) : () -> ()
    %add3A_324 = arith.constant 1312 : i32
    %add3A_325 = arith.addi %add3A_241, %add3A_324 : i32
    "tpu.region"() ({
      %run_scoped3A = tpu.sem_alloc : memref<!tpu.dma_semaphore, #tpu.memory_space<semaphore_mem>>
      %dma_start3A = arith.constant 0 : i32
      %dma_start3A_330 = arith.constant 0 : i32
      %dma_start3A_331 = tpu.memref_slice %arg9[%dma_start3A, %dma_start3A_330] : memref<32x1024xf32, #tpu.memory_space<vmem>> -> memref<32x1024xf32, #tpu.memory_space<vmem>>
      %dma_start3A_332 = arith.constant 0 : i32
      %dma_start3A_333 = tpu.memref_slice %arg6[%add3A_325, %dma_start3A_332] : memref<50000x1024xf32, #tpu.memory_space<hbm>> -> memref<32x1024xf32, #tpu.memory_space<hbm>>
      %dma_start3A_334 = arith.constant 0 : i32
      %dma_start3A_335 = tpu.memref_slice %arg6[%add3A_325, %dma_start3A_334] : memref<50000x1024xf32, #tpu.memory_space<hbm>> -> memref<32x1024xf32, #tpu.memory_space<hbm>>
      %dma_start3A_336 = arith.constant 0 : i32
      %dma_start3A_337 = arith.constant 0 : i32
      %dma_start3A_338 = tpu.memref_slice %arg9[%dma_start3A_336, %dma_start3A_337] : memref<32x1024xf32, #tpu.memory_space<vmem>> -> memref<32x1024xf32, #tpu.memory_space<vmem>>
      tpu.enqueue_dma source(%dma_start3A_338 : memref<32x1024xf32, #tpu.memory_space<vmem>>) target(%dma_start3A_335 : memref<32x1024xf32, #tpu.memory_space<hbm>>) target_semaphore(%run_scoped3A : memref<!tpu.dma_semaphore, #tpu.memory_space<semaphore_mem>>)
      %dma_wait3A = arith.constant 0 : i32
      %dma_wait3A_339 = arith.constant 0 : i32
      %dma_wait3A_340 = tpu.memref_slice %arg9[%dma_wait3A, %dma_wait3A_339] : memref<32x1024xf32, #tpu.memory_space<vmem>> -> memref<32x1024xf32, #tpu.memory_space<vmem>>
      %dma_wait3A_341 = arith.constant 0 : i32
      %dma_wait3A_342 = tpu.memref_slice %arg6[%add3A_325, %dma_wait3A_341] : memref<50000x1024xf32, #tpu.memory_space<hbm>> -> memref<32x1024xf32, #tpu.memory_space<hbm>>
      %dma_wait3A_343 = arith.constant 0 : i32
      %dma_wait3A_344 = tpu.memref_slice %arg6[%add3A_325, %dma_wait3A_343] : memref<50000x1024xf32, #tpu.memory_space<hbm>> -> memref<32x1024xf32, #tpu.memory_space<hbm>>
      %dma_wait3A_345 = arith.constant 0 : i32
      %dma_wait3A_346 = arith.constant 0 : i32
      %dma_wait3A_347 = tpu.memref_slice %arg9[%dma_wait3A_345, %dma_wait3A_346] : memref<32x1024xf32, #tpu.memory_space<vmem>> -> memref<32x1024xf32, #tpu.memory_space<vmem>>
      tpu.wait_dma2 semaphore(%run_scoped3A : memref<!tpu.dma_semaphore, #tpu.memory_space<semaphore_mem>>) src(%dma_wait3A_347 : memref<32x1024xf32, #tpu.memory_space<vmem>>) dst(%dma_wait3A_344 : memref<32x1024xf32, #tpu.memory_space<hbm>>)
      tpu.yield
    }) : () -> ()
    %add3A_326 = arith.constant 1344 : i32
    %add3A_327 = arith.addi %add3A_241, %add3A_326 : i32
    "tpu.region"() ({
      %run_scoped3A = tpu.sem_alloc : memref<!tpu.dma_semaphore, #tpu.memory_space<semaphore_mem>>
      %dma_start3A = arith.constant 0 : i32
      %dma_start3A_330 = arith.constant 0 : i32
      %dma_start3A_331 = tpu.memref_slice %arg9[%dma_start3A, %dma_start3A_330] : memref<32x1024xf32, #tpu.memory_space<vmem>> -> memref<32x1024xf32, #tpu.memory_space<vmem>>
      %dma_start3A_332 = arith.constant 0 : i32
      %dma_start3A_333 = tpu.memref_slice %arg6[%add3A_327, %dma_start3A_332] : memref<50000x1024xf32, #tpu.memory_space<hbm>> -> memref<32x1024xf32, #tpu.memory_space<hbm>>
      %dma_start3A_334 = arith.constant 0 : i32
      %dma_start3A_335 = tpu.memref_slice %arg6[%add3A_327, %dma_start3A_334] : memref<50000x1024xf32, #tpu.memory_space<hbm>> -> memref<32x1024xf32, #tpu.memory_space<hbm>>
      %dma_start3A_336 = arith.constant 0 : i32
      %dma_start3A_337 = arith.constant 0 : i32
      %dma_start3A_338 = tpu.memref_slice %arg9[%dma_start3A_336, %dma_start3A_337] : memref<32x1024xf32, #tpu.memory_space<vmem>> -> memref<32x1024xf32, #tpu.memory_space<vmem>>
      tpu.enqueue_dma source(%dma_start3A_338 : memref<32x1024xf32, #tpu.memory_space<vmem>>) target(%dma_start3A_335 : memref<32x1024xf32, #tpu.memory_space<hbm>>) target_semaphore(%run_scoped3A : memref<!tpu.dma_semaphore, #tpu.memory_space<semaphore_mem>>)
      %dma_wait3A = arith.constant 0 : i32
      %dma_wait3A_339 = arith.constant 0 : i32
      %dma_wait3A_340 = tpu.memref_slice %arg9[%dma_wait3A, %dma_wait3A_339] : memref<32x1024xf32, #tpu.memory_space<vmem>> -> memref<32x1024xf32, #tpu.memory_space<vmem>>
      %dma_wait3A_341 = arith.constant 0 : i32
      %dma_wait3A_342 = tpu.memref_slice %arg6[%add3A_327, %dma_wait3A_341] : memref<50000x1024xf32, #tpu.memory_space<hbm>> -> memref<32x1024xf32, #tpu.memory_space<hbm>>
      %dma_wait3A_343 = arith.constant 0 : i32
      %dma_wait3A_344 = tpu.memref_slice %arg6[%add3A_327, %dma_wait3A_343] : memref<50000x1024xf32, #tpu.memory_space<hbm>> -> memref<32x1024xf32, #tpu.memory_space<hbm>>
      %dma_wait3A_345 = arith.constant 0 : i32
      %dma_wait3A_346 = arith.constant 0 : i32
      %dma_wait3A_347 = tpu.memref_slice %arg9[%dma_wait3A_345, %dma_wait3A_346] : memref<32x1024xf32, #tpu.memory_space<vmem>> -> memref<32x1024xf32, #tpu.memory_space<vmem>>
      tpu.wait_dma2 semaphore(%run_scoped3A : memref<!tpu.dma_semaphore, #tpu.memory_space<semaphore_mem>>) src(%dma_wait3A_347 : memref<32x1024xf32, #tpu.memory_space<vmem>>) dst(%dma_wait3A_344 : memref<32x1024xf32, #tpu.memory_space<hbm>>)
      tpu.yield
    }) : () -> ()
    %add3A_328 = arith.constant 1376 : i32
    %add3A_329 = arith.addi %add3A_241, %add3A_328 : i32
    "tpu.region"() ({
      %run_scoped3A = tpu.sem_alloc : memref<!tpu.dma_semaphore, #tpu.memory_space<semaphore_mem>>
      %dma_start3A = arith.constant 0 : i32
      %dma_start3A_330 = arith.constant 0 : i32
      %dma_start3A_331 = tpu.memref_slice %arg9[%dma_start3A, %dma_start3A_330] : memref<32x1024xf32, #tpu.memory_space<vmem>> -> memref<8x1024xf32, #tpu.memory_space<vmem>>
      %dma_start3A_332 = arith.constant 0 : i32
      %dma_start3A_333 = tpu.memref_slice %arg6[%add3A_329, %dma_start3A_332] : memref<50000x1024xf32, #tpu.memory_space<hbm>> -> memref<8x1024xf32, #tpu.memory_space<hbm>>
      %dma_start3A_334 = arith.constant 0 : i32
      %dma_start3A_335 = tpu.memref_slice %arg6[%add3A_329, %dma_start3A_334] : memref<50000x1024xf32, #tpu.memory_space<hbm>> -> memref<8x1024xf32, #tpu.memory_space<hbm>>
      %dma_start3A_336 = arith.constant 0 : i32
      %dma_start3A_337 = arith.constant 0 : i32
      %dma_start3A_338 = tpu.memref_slice %arg9[%dma_start3A_336, %dma_start3A_337] : memref<32x1024xf32, #tpu.memory_space<vmem>> -> memref<8x1024xf32, #tpu.memory_space<vmem>>
      tpu.enqueue_dma source(%dma_start3A_338 : memref<8x1024xf32, #tpu.memory_space<vmem>>) target(%dma_start3A_335 : memref<8x1024xf32, #tpu.memory_space<hbm>>) target_semaphore(%run_scoped3A : memref<!tpu.dma_semaphore, #tpu.memory_space<semaphore_mem>>)
      %dma_wait3A = arith.constant 0 : i32
      %dma_wait3A_339 = arith.constant 0 : i32
      %dma_wait3A_340 = tpu.memref_slice %arg9[%dma_wait3A, %dma_wait3A_339] : memref<32x1024xf32, #tpu.memory_space<vmem>> -> memref<8x1024xf32, #tpu.memory_space<vmem>>
      %dma_wait3A_341 = arith.constant 0 : i32
      %dma_wait3A_342 = tpu.memref_slice %arg6[%add3A_329, %dma_wait3A_341] : memref<50000x1024xf32, #tpu.memory_space<hbm>> -> memref<8x1024xf32, #tpu.memory_space<hbm>>
      %dma_wait3A_343 = arith.constant 0 : i32
      %dma_wait3A_344 = tpu.memref_slice %arg6[%add3A_329, %dma_wait3A_343] : memref<50000x1024xf32, #tpu.memory_space<hbm>> -> memref<8x1024xf32, #tpu.memory_space<hbm>>
      %dma_wait3A_345 = arith.constant 0 : i32
      %dma_wait3A_346 = arith.constant 0 : i32
      %dma_wait3A_347 = tpu.memref_slice %arg9[%dma_wait3A_345, %dma_wait3A_346] : memref<32x1024xf32, #tpu.memory_space<vmem>> -> memref<8x1024xf32, #tpu.memory_space<vmem>>
      tpu.wait_dma2 semaphore(%run_scoped3A : memref<!tpu.dma_semaphore, #tpu.memory_space<semaphore_mem>>) src(%dma_wait3A_347 : memref<8x1024xf32, #tpu.memory_space<vmem>>) dst(%dma_wait3A_344 : memref<8x1024xf32, #tpu.memory_space<hbm>>)
      tpu.yield
    }) : () -> ()
    "tpu.region"() ({
      %run_scoped3A = tpu.sem_alloc : memref<!tpu.dma_semaphore, #tpu.memory_space<semaphore_mem>>
      %dma_start3A = tpu.memref_slice %arg7[%add3A_241] : memref<50000xf32, #tpu.memory_space<hbm>> -> memref<1384xf32, #tpu.memory_space<hbm>>
      %dma_start3A_330 = tpu.memref_slice %arg7[%add3A_241] : memref<50000xf32, #tpu.memory_space<hbm>> -> memref<1384xf32, #tpu.memory_space<hbm>>
      tpu.enqueue_dma source(%arg11 : memref<1384xf32, #tpu.memory_space<vmem>>) target(%dma_start3A_330 : memref<1384xf32, #tpu.memory_space<hbm>>) target_semaphore(%run_scoped3A : memref<!tpu.dma_semaphore, #tpu.memory_space<semaphore_mem>>)
      %dma_wait3A = tpu.memref_slice %arg7[%add3A_241] : memref<50000xf32, #tpu.memory_space<hbm>> -> memref<1384xf32, #tpu.memory_space<hbm>>
      %dma_wait3A_331 = tpu.memref_slice %arg7[%add3A_241] : memref<50000xf32, #tpu.memory_space<hbm>> -> memref<1384xf32, #tpu.memory_space<hbm>>
      tpu.wait_dma2 semaphore(%run_scoped3A : memref<!tpu.dma_semaphore, #tpu.memory_space<semaphore_mem>>) src(%arg11 : memref<1384xf32, #tpu.memory_space<vmem>>) dst(%dma_wait3A_331 : memref<1384xf32, #tpu.memory_space<hbm>>)
      tpu.yield
    }) : () -> ()
    return
  }
}

</mosaic_0001>

<sc_bundles>
// kernel: kernel.3.cloned.1.call-start
scs
__scs_entry_jumppad:
0x0: {  	(pc) =	sbr.rel $0x88, $3  }
0x1: {  	(tag) =	ssettag $0x0;
	lr =	simm.s32 $0x1  }
0x2: {  	[smem:$0x3F9D] =	sst lr;
	_ =	strace $0xD0000000  }
0x3: {  	_ = 	snop  }
0x4: {  	_ = 	snop  }
0x5: {  	_ = 	snop  }
0x6: {  	_ = 	snop  }
0x7: {  	_ = 	snop  }
__scs_overlays_trampoline_lowered:
0x8: {  	[smem:$0x3FAC] =	sst s0  }
0x9: {  	[smem:$0x3FAD] =	sst s1  }
0xa: {  	[smem:$0x3FAE] =	sst s2  }
0xb: {  	[smem:$0x3FAF] =	sst s3  }
0xc: {  	[smem:$0x3FB0] =	sst s4  }
0xd: {  	[smem:$0x3FB1] =	sst s5  }
0xe: {  	[smem:$0x3FB2] =	sst s6  }
0xf: {  	[smem:$0x3FB3] =	sst s7  }
0x10: {  	[smem:$0x3FB4] =	sst s8  }
0x11: {  	[smem:$0x3FB5] =	sst s9;
	s0 =	simm.s32 @!p0 $0x0  }
0x12: {  	s1 =	sld [smem:$0x3F9B];
	s0 =	simm.s32 @p0 $0x1  }
0x13: {  	[smem:$0x3FB6] =	sst s0;
	s0 =	simm.s32 @!p1 $0x0  }
0x14: {  	s2 =	sld [smem:$0x3F9A];
	s0 =	simm.s32 @p1 $0x1  }
0x15: {  	[smem:$0x3FB7] =	sst s0;
	s0 =	simm.s32 @!p2 $0x0  }
0x16: {  	s3 =	sld [smem:$0x3FDB];
	s0 =	simm.s32 @p2 $0x1  }
0x17: {  	s4 =	simm.s32 $0x1BF5;
	[smem:$0x3FB9] =	sst s0  }
0x18: {  	s0 =	sld [smem:$0x3F9C];
	_ =	swait.ge [sflag:s4], $0x0  }
0x19: {  	s7 =	sld [smem:$0x3F9D]  }
0x1a: {  	s8 =	sadd.s32 $0xFFFFE003, lr  }
0x1b: {  	s9 =	sadd.s32 $0xFFFFFEF7, lr;
	s5 =	simm.s32 $0xFFFFFFFF;
	p2 =	slt.u32 s8, $0xFFFFF086  }
0x1c: {  	p1 =	slt.u32 s9, $0xF7A;
	s5 =	simm.s32 @!p2 $0x0  }
0x1d: {  	s5 =	simm.s32 @p1 $0x1;
	p0 =	seq.s32 s7, s2  }
0x1e: {  	s7 =	smul.u32 @!p0 $0xF7A, s2;
	p2 =	seq.s32 @!p0 s5, $0x0  }
0x1f: {  	s9 =	smul.u32 $0xF7A, s1;
	s8 =	simm.s32 @!p0 $0x1BF5;
	p2 =	por !p2, p0  }
0x20: {  	[sflag:s8] =	ssyncset.s32 @!p0 $0xFFFFF086;
	s6 =	sadd.s32 @!p0 s3, s7;
	s7 =	simm.s32 @!p0 $0x108  }
0x21: {  	s3 =	sadd.s32 s3, s9;
	s6 =	sadd.s32 @!p0 $0x88, s6;
	s7 =	simm.s32 @p2 $0x1082  }
0x22: {  	[simem:s7], [sflag:s8] =	dma.local @!p0 [hbm:s6], $0xF7A  }
0x23: {  	s9 =	sor.u32 $0xD0000000, s2;
	s6 =	simm.s32 $0x108;
	_ =	swait.ge @!p0 [sflag:s8], $0x0  }
0x24: {  	s3 =	sadd.s32 $0x88, s3;
	s6 =	simm.s32 @!p1 $0x1082;
	[sflag:s4] =	ssyncset.s32 $0xFFFFF086  }
0x25: {  	[simem:s6], [sflag:s4] =	dma.local [hbm:s3], $0xF7A  }
0x26: {  	[smem:$0x3F9D] =	sst s1;
	(tag) =	ssettag s2;
	_ =	strace s9  }
0x27: {  	s1 =	sld [smem:$0x3FAD]  }
0x28: {  	s2 =	sld [smem:$0x3FAE]  }
0x29: {  	s4 =	sld [smem:$0x3FB0]  }
0x2a: {  	p0 =	seq.s32 s5, $0x0;
	s5 =	sld [smem:$0x3FB1]  }
0x2b: {  	s6 =	sld [smem:$0x3FB2]  }
0x2c: {  	s7 =	sld [smem:$0x3FB3]  }
0x2d: {  	s3 =	simm.s32 $0x108;
	s8 =	sld [smem:$0x3FB4]  }
0x2e: {  	s3 =	simm.s32 @!p0 $0x1082;
	s9 =	sld [smem:$0x3FB5]  }
0x2f: {  	lr =	sadd.s32 s0, s3;
	s0 =	sld [smem:$0x3FAC]  }
0x30: {  	s3 =	sld [smem:$0x3FAF]  }
0x31: {  	[smem:$0x3FB8] =	sst s10  }
0x32: {  	s10 =	sld [smem:$0x3FB6];
	_ =	sdelay $0x3  }
0x33: {  	p0 =	seq.s32 s10, $0x1;
	s10 =	sld [smem:$0x3FB8];
	_ =	sdelay $0x3  }
0x34: {  	[smem:$0x3FB8] =	sst s10  }
0x35: {  	s10 =	sld [smem:$0x3FB7];
	_ =	sdelay $0x3  }
0x36: {  	p1 =	seq.s32 s10, $0x1;
	s10 =	sld [smem:$0x3FB8];
	_ =	sdelay $0x3  }
0x37: {  	[smem:$0x3FB8] =	sst s10  }
0x38: {  	s10 =	sld [smem:$0x3FB9]  }
0x39: {  	_ = 	snop;
	(pc) =	sbr.ind lr, $3  }
0x3a: {  	_ = 	snop  }
0x3b: {  	_ = 	snop  }
0x3c: {  	p2 =	seq.s32 s10, $0x1;
	s10 =	sld [smem:$0x3FB8]  }
0x3d: {  	_ =	shalt  }
0x3e: {  	_ =	shalt  }
0x3f: {  	_ =	shalt  }
0x40: {  	_ =	shalt  }
0x41: {  	_ =	shalt  }
0x42: {  	_ =	shalt  }
0x43: {  	_ =	shalt  }
0x44: {  	_ =	shalt  }
0x45: {  	_ =	shalt  }
0x46: {  	_ =	shalt  }
0x47: {  	_ =	shalt  }
0x48: {  	_ =	shalt  }
0x49: {  	_ =	shalt  }
0x4a: {  	_ =	shalt  }
0x4b: {  	_ =	shalt  }
0x4c: {  	_ =	shalt  }
0x4d: {  	_ =	shalt  }
0x4e: {  	_ =	shalt  }
0x4f: {  	_ =	shalt  }
0x50: {  	_ =	shalt  }
0x51: {  	_ =	shalt  }
0x52: {  	_ =	shalt  }
0x53: {  	_ =	shalt  }
0x54: {  	_ =	shalt  }
0x55: {  	_ =	shalt  }
0x56: {  	_ =	shalt  }
0x57: {  	_ =	shalt  }
0x58: {  	_ =	shalt  }
0x59: {  	_ =	shalt  }
0x5a: {  	_ =	shalt  }
0x5b: {  	_ =	shalt  }
0x5c: {  	_ =	shalt  }
0x5d: {  	_ =	shalt  }
0x5e: {  	_ =	shalt  }
0x5f: {  	_ =	shalt  }
0x60: {  	_ =	shalt  }
0x61: {  	_ =	shalt  }
0x62: {  	_ =	shalt  }
0x63: {  	_ =	shalt  }
0x64: {  	_ =	shalt  }
0x65: {  	_ =	shalt  }
0x66: {  	_ =	shalt  }
0x67: {  	_ =	shalt  }
0x68: {  	_ =	shalt  }
0x69: {  	_ =	shalt  }
0x6a: {  	_ =	shalt  }
0x6b: {  	_ =	shalt  }
0x6c: {  	_ =	shalt  }
0x6d: {  	_ =	shalt  }
0x6e: {  	_ =	shalt  }
0x6f: {  	_ =	shalt  }
0x70: {  	_ =	shalt  }
0x71: {  	_ =	shalt  }
0x72: {  	_ =	shalt  }
0x73: {  	_ =	shalt  }
0x74: {  	_ =	shalt  }
0x75: {  	_ =	shalt  }
0x76: {  	_ =	shalt  }
0x77: {  	_ =	shalt  }
0x78: {  	_ =	shalt  }
0x79: {  	_ =	shalt  }
0x7a: {  	_ =	shalt  }
0x7b: {  	_ =	shalt  }
0x7c: {  	_ =	shalt  }
0x7d: {  	_ =	shalt  }
0x7e: {  	_ =	shalt  }
0x7f: {  	_ =	shalt  }
0x80: {  	_ =	shalt  }
0x81: {  	_ =	shalt  }
0x82: {  	_ =	shalt  }
0x83: {  	_ =	shalt  }
0x84: {  	_ =	shalt  }
0x85: {  	_ =	shalt  }
0x86: {  	_ =	shalt  }
0x87: {  	_ =	shalt  }
.Lfunc_end0:
.L_simem_size_0:
called_computation_lowered:
.L_overlay_start_0:
0x88: {  	s2 =	sld [smem:$0x3FD9]  }
0x89: {  	s3 =	sld [smem:$0x3FFE];
	_ =	sdelay $0x1  }
0x8a: {  	s1 =	srdreg.scid  }
0x8b: {  	s0 =	sand.u32 $0x1, s1  }
0x8c: {  	s14 =	sshll.u32 s0, $0xA;
	s2 =	sadd.s32 s3, s2  }
0x8d: {  	s2 =	sadd.s32 s2, s14  }
0x8e: {  	[smem:$0x3FC4] =	sst s2  }
0x8f: {  	_ = 	snop  }
0x90: {  	s2 =	sld [smem:$0x3FD0]  }
0x91: {  	s15 =	sld [smem:$0x3FC9]  }
0x92: {  	s4 =	sld [smem:$0x3FC7]  }
0x93: {  	s6 =	simm.s32 $0xA;
	s7 =	simm.s32 $0x10;
	s5 =	sld [smem:$0x3FC6]  }
0x94: {  	[smem:s7], [sflag:s6] =	dma.local [hbm:s2], $0x1  }
0x95: {  	_ =	swait.eq [sflag:s6], $0x1  }
0x96: {  	[sflag:s6] =	ssyncset.done $0x0  }
0x97: {  	s16 =	sld [smem:$0x10];
	[sflag:s6] =	ssyncadd.s32 $0xFFFFFFFF  }
0x98: {  	s17 =	sld [smem:$0x11];
	(tm) =	ssettm $0x1  }
0x99: {  	s18 =	sld [smem:$0x3FFB];
	_ =	sdelay $0x3  }
0x9a: {  	_ =	strace s18  }
0x9b: {  	s7 =	sld [smem:$0x3FFC];
	_ =	sdelay $0x3  }
0x9c: {  	_ =	strace s7  }
0x9d: {  	s7 =	sld [smem:$0x3FFD];
	_ =	sdelay $0x3  }
0x9e: {  	_ =	strace s7  }
0x9f: {  	_ =	strace $0x8FFFFFFF  }
0xa0: {  	s19 =	sld [smem:$0x3FDB];
	_ =	sdelay $0x1  }
0xa1: {  	s8 =	simm.s32 $_scs_section_size  }
0xa2: {  	s9 =	simm.s32 $_size__tile_overlayer_lowered;
	s10 =	simm.s32 $_tile_overlayer_lowered  }
0xa3: {  	s22 =	simm.s32 $0x1BFF;
	s21 =	sshll.u32 s10, $0x1;
	s7 =	sadd.s32 s8, s19  }
0xa4: {  	s11 =	simm.s32 $0x0;
	s20 =	sshll.u32 s9, $0x1;
	s9 =	sadd.s32 s21, s7  }
0xa5: {  	[timem:s11], [sflag:s22] =	dma.local [hbm:s9], s20  }
0xa6: {  	_ =	swait.ge [sflag:s22], s20  }
0xa7: {  	s8 =	ssub.s32 $0x0, s20;
	[sflag:s22] =	ssyncset.done $0x0  }
0xa8: {  	[sflag:s22] =	ssyncadd.s32 s8;
	_ =	sdelay $0x1  }
0xa9: {  	s23 =	simm.s32 $0x1B8B  }
0xaa: {  	_ =	swait.ge [sflag:s23], $0x1  }
0xab: {  	[sflag:s23] =	ssyncset.done $0x0  }
0xac: {  	s25 =	simm.s32 $0x1B8E;
	s24 =	sld [smem:$0x3FFE];
	[sflag:s23] =	ssyncadd.s32 $0xFFFFFFFF  }
0xad: {  	s26 =	simm.s32 $execute0_lowered;
	[smem:$0x3FD2] =	sst s25  }
0xae: {  	s9 =	sshll.u32 s26, $0x1;
	_ =	strace $0x80000046;
	[dreg:$0x1] =	wrdreg $0xFFFFFFFF  }
0xaf: {  	s28 =	simm.s32 $_size_execute0_lowered;
	s7 =	sadd.s32 s7, s9;
	[dreg:$0x0] =	wrdreg $0x0  }
0xb0: {  	s9 =	sshll.u32 s28, $0x1;
	[dreg:$0x2] =	wrdreg s7  }
0xb1: {  	[dreg:$0x3] =	wrdreg s9  }
0xb2: {  	[dreg:$0x4] =	wrdreg $0xC0  }
0xb3: {  	_ =	task [dreg:s11], $0x5FFFF  }
0xb4: {  	[dreg:$0x1] =	wrdreg $0xFFFFFFFF  }
0xb5: {  	[dreg:$0x0] =	wrdreg $0x60  }
0xb6: {  	[dreg:$0x2] =	wrdreg s15  }
0xb7: {  	[dreg:$0x3] =	wrdreg s24  }
0xb8: {  	[dreg:$0x4] =	wrdreg s4  }
0xb9: {  	[dreg:$0x5] =	wrdreg s5  }
0xba: {  	[dreg:$0x6] =	wrdreg s16  }
0xbb: {  	[dreg:$0x7] =	wrdreg s17  }
0xbc: {  	[dreg:$0x8] =	wrdreg $0x9  }
0xbd: {  	_ =	task.clear_ibuf [dreg:s11], $0x9FFFF;
	_ =	strace $0x90000046  }
0xbe: {  	s29 =	simm.s32 $0x9;
	_ =	strace $0x80000048  }
0xbf: {  	_ =	swait.ge [sflag:s29], $0x1  }
0xc0: {  	[sflag:s29] =	ssyncadd.s32 $0xFFFFFFFF  }
0xc1: {  	_ =	strace $0x90000048  }
0xc2: {  	_ =	sfence  }
0xc3: {  	s30 =	sld [smem:$0x0];
	_ =	sdelay $0x2  }
0xc4: {  	s31 =	sshll.u32 s1, $0xD;
	s1 =	sshrl.u32 s1, $0x2  }
0xc5: {  	s3 =	sand.u32 $0x4000, s31;
	s1 =	sadd.s32 s1, s30  }
0xc6: {  	s0 =	sor.u32 s3, s0;
	s1 =	sshll.u32 s1, $0x11  }
0xc7: {  	s0 =	sor.u32 s1, s0  }
0xc8: {  	s0 =	sadd.s32 $0x8F2B, s0  }
0xc9: {  	[sflag:s0] =	ssyncadd.remote.s32 $0x1  }
0xca: {  	_ =	sfence.sel $0xFFFF  }
0xcb: {  	[dreg:$0x0] =	wrdreg $0xFFFFFFFF;
	(pc) =	sbr.abs _section_cstart, $3  }
0xcc: {  	[dreg:$0x1] =	wrdreg $0xFFFFFFFF  }
0xcd: {  	_ =	task.clear_ibuf [dreg:s11], $0x2FFFF;
	_ =	strace $0x9FFFFFFF  }
0xce: {  	(tm) =	ssettm $0x7FFFFFFF  }
0xcf: {  	_ =	shalt  }
tec
execute0_lowered:
.L_overlay_start_1:
0x0: {  	(tag) =	ssettag $0x1  }
0x1: {  	s4 =	rddreg [dreg:$0x0]  }
0x2: {  	s5 =	rddreg [dreg:$0x1]  }
0x3: {  	s0 =	rddreg [dreg:$0x2]  }
0x4: {  	s18 =	rddreg [dreg:$0x3]  }
0x5: {  	s3 =	rddreg [dreg:$0x4]  }
0x6: {  	s2 =	srdreg.scid;
	s19 =	stileid.u32  }
0x7: {  	[dreg:$0x7] =	wrdreg s0;
	s25 =	sand.u32 $0x1, s2;
	s6 =	sshll.u32 s19, $0x1  }
0x8: {  	[dreg:$0x8] =	wrdreg s18;
	s2 =	simm.s32 $0x0;
	s6 =	sor.u32 s25, s6  }
0x9: {  	[smem:$0x7FF] =	sst s2;
	s7 =	sshll.u32 s6, $0xF  }
0xa: {  	s1 =	rddreg [dreg:$0x5];
	_ =	strace $0x80000047;
	s8 =	sadd.s32 s4, s7  }
0xb: {  	s20 =	sadd.s32 s3, s7;
	s9 =	sor.u32 $0x1000, s7;
	[dreg:$0x9] =	wrdreg s8  }
0xc: {  	[dreg:$0xa] =	wrdreg s20;
	s21 =	sadd.s32 s4, s9  }
0xd: {  	s23 =	sor.u32 $0x2000, s7;
	s22 =	sadd.s32 s3, s9;
	[dreg:$0xb] =	wrdreg s21  }
0xe: {  	s24 =	sadd.s32 s4, s23;
	[dreg:$0xc] =	wrdreg s22  }
0xf: {  	s0 =	sor.u32 $0x3000, s7;
	s26 =	sadd.s32 s3, s23;
	[dreg:$0xd] =	wrdreg s24  }
0x10: {  	s10 =	sadd.s32 s4, s0;
	[dreg:$0xe] =	wrdreg s26  }
0x11: {  	s12 =	sor.u32 $0x4000, s7;
	s11 =	sadd.s32 s3, s0;
	[dreg:$0xf] =	wrdreg s10  }
0x12: {  	s13 =	sadd.s32 s4, s12;
	[dreg:$0x10] =	wrdreg s11  }
0x13: {  	s15 =	sor.u32 $0x5000, s7;
	s14 =	sadd.s32 s3, s12;
	[dreg:$0x11] =	wrdreg s13  }
0x14: {  	s16 =	sadd.s32 s4, s15;
	[dreg:$0x12] =	wrdreg s14  }
0x15: {  	s18 =	sor.u32 $0x6000, s7;
	s17 =	sadd.s32 s3, s15;
	[dreg:$0x13] =	wrdreg s16  }
0x16: {  	s7 =	sor.u32 $0x7000, s7;
	s19 =	sadd.s32 s4, s18;
	[dreg:$0x14] =	wrdreg s17  }
0x17: {  	s20 =	sadd.s32 s3, s18;
	s4 =	sadd.s32 s4, s7;
	[dreg:$0x15] =	wrdreg s19  }
0x18: {  	s10 =	sshll.u32 s6, $0x5;
	[dreg:$0x16] =	wrdreg s20;
	s22 =	smul.u32 $0x518, s6  }
0x19: {  	[dreg:$0x17] =	wrdreg s4;
	s21 =	sadd.s32 s3, s7;
	s24 =	smul.u32 $0x146000, s6  }
0x1a: {  	s5 =	sadd.s32 s10, s5;
	[dreg:$0x18] =	wrdreg s21;
	s26 =	sadd.s32 s1, s10  }
0x1b: {  	s23 =	sadd.s32 $0x600, s5;
	s29 =	sadd.s32 $0x2000, s22;
	[dreg:$0x1a] =	wrdreg s26  }
0x1c: {  	s5 =	sshrl.u32 s24, $0x3;
	s26 =	rddreg [dreg:$0x9];
	s0 =	sshll.u32 s29, $0x7  }
0x1d: {  	[tilespmem:s2], [sflag:$0x1] =	stream.linear.gather [hbm4b:s26+s2], $0x8000, $0x38;
	[tilespmem:$0x10680] =	vst v63  }
0x1e: {  	[dreg:$0x19] =	wrdreg s23;
	s28 =	sadd.s32 s3, s5;
	s6 =	sadd.s32 s3, s0  }
0x1f: {  	s3 =	sadd.s32 $0x101000, s28;
	[dreg:$0x1b] =	wrdreg s6  }
0x20: {  	s7 =	sadd.s32 $0x102000, s28;
	[dreg:$0x1c] =	wrdreg s3  }
0x21: {  	s8 =	sadd.s32 $0x103000, s28;
	[dreg:$0x1d] =	wrdreg s7  }
0x22: {  	s9 =	sadd.s32 $0x104000, s28;
	[dreg:$0x1e] =	wrdreg s8  }
0x23: {  	s10 =	sadd.s32 $0x105000, s28;
	[dreg:$0x1f] =	wrdreg s9  }
0x24: {  	s11 =	sadd.s32 $0x106000, s28;
	[smem:$0x7EE] =	sst s10  }
0x25: {  	s12 =	sadd.s32 $0x107000, s28;
	[smem:$0x7EF] =	sst s11  }
0x26: {  	s13 =	sadd.s32 $0x108000, s28;
	[smem:$0x7F0] =	sst s12  }
0x27: {  	s14 =	sadd.s32 $0x109000, s28;
	[smem:$0x7F1] =	sst s13  }
0x28: {  	s15 =	sadd.s32 $0x10A000, s28;
	[smem:$0x7F2] =	sst s14  }
0x29: {  	s16 =	sadd.s32 $0x10B000, s28;
	[smem:$0x7F3] =	sst s15  }
0x2a: {  	s17 =	sadd.s32 $0x10C000, s28;
	[smem:$0x7F4] =	sst s16  }
0x2b: {  	s18 =	sadd.s32 $0x10D000, s28;
	[smem:$0x7F5] =	sst s17  }
0x2c: {  	s19 =	sadd.s32 $0x10E000, s28;
	[smem:$0x7F6] =	sst s18  }
0x2d: {  	s20 =	sadd.s32 $0x10F000, s28;
	[smem:$0x7F7] =	sst s19  }
0x2e: {  	s21 =	sadd.s32 $0x110000, s28;
	[smem:$0x7F8] =	sst s20  }
0x2f: {  	s22 =	sadd.s32 $0x111000, s28;
	[smem:$0x7F9] =	sst s21  }
0x30: {  	s23 =	sadd.s32 $0x112000, s28;
	[smem:$0x7FA] =	sst s22  }
0x31: {  	s24 =	sadd.s32 $0x113000, s28;
	[smem:$0x7FB] =	sst s23  }
0x32: {  	s0 =	sadd.s32 $0x114000, s28;
	[smem:$0x7FC] =	sst s24  }
0x33: {  	[smem:$0x7FD] =	sst s0;
	s3 =	simm.s32 $0x1  }
0x34: {  	_ =	swait.ge [sflag:s3], $0x8000  }
0x35: {  	[sflag:s3] =	ssyncset.done $0x0  }
0x36: {  	s5 =	rddreg [dreg:$0xa];
	[sflag:s3] =	ssyncadd.s32 $0xFFFF8000  }
0x37: {  	[hbm4b:s5+s2] =	stream.linear.scatter [tilespmem:s2], [sflag:$0x1], $0x8000, $0x38;
	[tilespmem:$0x10680] =	vst v63  }
0x38: {  	_ =	swait.ge [sflag:s3], $0x8000  }
0x39: {  	[sflag:s3] =	ssyncset.done $0x0  }
0x3a: {  	s6 =	rddreg [dreg:$0xb];
	[sflag:s3] =	ssyncadd.s32 $0xFFFF8000  }
0x3b: {  	[tilespmem:s2], [sflag:$0x1] =	stream.linear.gather [hbm4b:s6+s2], $0x8000, $0x38;
	[tilespmem:$0x10680] =	vst v63  }
0x3c: {  	_ =	swait.ge [sflag:s3], $0x8000  }
0x3d: {  	[sflag:s3] =	ssyncset.done $0x0  }
0x3e: {  	s7 =	rddreg [dreg:$0xc];
	[sflag:s3] =	ssyncadd.s32 $0xFFFF8000  }
0x3f: {  	[hbm4b:s7+s2] =	stream.linear.scatter [tilespmem:s2], [sflag:$0x1], $0x8000, $0x38;
	[tilespmem:$0x10680] =	vst v63  }
0x40: {  	_ =	swait.ge [sflag:s3], $0x8000  }
0x41: {  	[sflag:s3] =	ssyncset.done $0x0  }
0x42: {  	s8 =	rddreg [dreg:$0xd];
	[sflag:s3] =	ssyncadd.s32 $0xFFFF8000  }
0x43: {  	[tilespmem:s2], [sflag:$0x1] =	stream.linear.gather [hbm4b:s8+s2], $0x8000, $0x38;
	[tilespmem:$0x10680] =	vst v63  }
0x44: {  	_ =	swait.ge [sflag:s3], $0x8000  }
0x45: {  	[sflag:s3] =	ssyncset.done $0x0  }
0x46: {  	s9 =	rddreg [dreg:$0xe];
	[sflag:s3] =	ssyncadd.s32 $0xFFFF8000  }
0x47: {  	[hbm4b:s9+s2] =	stream.linear.scatter [tilespmem:s2], [sflag:$0x1], $0x8000, $0x38;
	[tilespmem:$0x10680] =	vst v63  }
0x48: {  	_ =	swait.ge [sflag:s3], $0x8000  }
0x49: {  	[sflag:s3] =	ssyncset.done $0x0  }
0x4a: {  	s10 =	rddreg [dreg:$0xf];
	[sflag:s3] =	ssyncadd.s32 $0xFFFF8000  }
0x4b: {  	[tilespmem:s2], [sflag:$0x1] =	stream.linear.gather [hbm4b:s10+s2], $0x8000, $0x38;
	[tilespmem:$0x10680] =	vst v63  }
0x4c: {  	_ =	swait.ge [sflag:s3], $0x8000  }
0x4d: {  	[sflag:s3] =	ssyncset.done $0x0  }
0x4e: {  	s11 =	rddreg [dreg:$0x10];
	[sflag:s3] =	ssyncadd.s32 $0xFFFF8000  }
0x4f: {  	[hbm4b:s11+s2] =	stream.linear.scatter [tilespmem:s2], [sflag:$0x1], $0x8000, $0x38;
	[tilespmem:$0x10680] =	vst v63  }
0x50: {  	_ =	swait.ge [sflag:s3], $0x8000  }
0x51: {  	[sflag:s3] =	ssyncset.done $0x0  }
0x52: {  	s12 =	rddreg [dreg:$0x11];
	[sflag:s3] =	ssyncadd.s32 $0xFFFF8000  }
0x53: {  	[tilespmem:s2], [sflag:$0x1] =	stream.linear.gather [hbm4b:s12+s2], $0x8000, $0x38;
	[tilespmem:$0x10680] =	vst v63  }
0x54: {  	_ =	swait.ge [sflag:s3], $0x8000  }
0x55: {  	[sflag:s3] =	ssyncset.done $0x0  }
0x56: {  	s13 =	rddreg [dreg:$0x12];
	[sflag:s3] =	ssyncadd.s32 $0xFFFF8000  }
0x57: {  	[hbm4b:s13+s2] =	stream.linear.scatter [tilespmem:s2], [sflag:$0x1], $0x8000, $0x38;
	[tilespmem:$0x10680] =	vst v63  }
0x58: {  	_ =	swait.ge [sflag:s3], $0x8000  }
0x59: {  	[sflag:s3] =	ssyncset.done $0x0  }
0x5a: {  	s14 =	rddreg [dreg:$0x13];
	[sflag:s3] =	ssyncadd.s32 $0xFFFF8000  }
0x5b: {  	[tilespmem:s2], [sflag:$0x1] =	stream.linear.gather [hbm4b:s14+s2], $0x8000, $0x38;
	[tilespmem:$0x10680] =	vst v63  }
0x5c: {  	_ =	swait.ge [sflag:s3], $0x8000  }
0x5d: {  	[sflag:s3] =	ssyncset.done $0x0  }
0x5e: {  	s15 =	rddreg [dreg:$0x14];
	[sflag:s3] =	ssyncadd.s32 $0xFFFF8000  }
0x5f: {  	[hbm4b:s15+s2] =	stream.linear.scatter [tilespmem:s2], [sflag:$0x1], $0x8000, $0x38;
	[tilespmem:$0x10680] =	vst v63  }
0x60: {  	_ =	swait.ge [sflag:s3], $0x8000  }
0x61: {  	[sflag:s3] =	ssyncset.done $0x0  }
0x62: {  	s16 =	rddreg [dreg:$0x15];
	[sflag:s3] =	ssyncadd.s32 $0xFFFF8000  }
0x63: {  	[tilespmem:s2], [sflag:$0x1] =	stream.linear.gather [hbm4b:s16+s2], $0x8000, $0x38;
	[tilespmem:$0x10680] =	vst v63  }
0x64: {  	_ =	swait.ge [sflag:s3], $0x8000  }
0x65: {  	[sflag:s3] =	ssyncset.done $0x0  }
0x66: {  	s17 =	rddreg [dreg:$0x16];
	[sflag:s3] =	ssyncadd.s32 $0xFFFF8000  }
0x67: {  	[hbm4b:s17+s2] =	stream.linear.scatter [tilespmem:s2], [sflag:$0x1], $0x8000, $0x38;
	[tilespmem:$0x10680] =	vst v63  }
0x68: {  	_ =	swait.ge [sflag:s3], $0x8000  }
0x69: {  	[sflag:s3] =	ssyncset.done $0x0  }
0x6a: {  	s18 =	rddreg [dreg:$0x17];
	[sflag:s3] =	ssyncadd.s32 $0xFFFF8000  }
0x6b: {  	[tilespmem:s2], [sflag:$0x1] =	stream.linear.gather [hbm4b:s18+s2], $0x8000, $0x38;
	[tilespmem:$0x10680] =	vst v63  }
0x6c: {  	_ =	swait.ge [sflag:s3], $0x8000  }
0x6d: {  	[sflag:s3] =	ssyncset.done $0x0  }
0x6e: {  	s19 =	rddreg [dreg:$0x18];
	[sflag:s3] =	ssyncadd.s32 $0xFFFF8000  }
0x6f: {  	[hbm4b:s19+s2] =	stream.linear.scatter [tilespmem:s2], [sflag:$0x1], $0x8000, $0x38;
	[tilespmem:$0x10680] =	vst v63  }
0x70: {  	_ =	swait.ge [sflag:s3], $0x8000  }
0x71: {  	[sflag:s3] =	ssyncset.done $0x0  }
0x72: {  	s4 =	simm.s32 $0x10000;
	s20 =	rddreg [dreg:$0x19];
	[sflag:s3] =	ssyncadd.s32 $0xFFFF8000  }
0x73: {  	[tilespmem:s4], [sflag:$0x1] =	stream.linear.gather [hbm4b:s20+s2], $0x100, $0x38;
	[tilespmem:$0x10680] =	vst v63  }
0x74: {  	_ =	swait.ge [sflag:s3], $0x100  }
0x75: {  	[sflag:s3] =	ssyncset.done $0x0  }
0x76: {  	[sflag:s3] =	ssyncadd.s32 $0xFFFFFF00  }
0x77: {  	v0 =	vld [tilespmem:$0x100F0]  }
0x78: {  	v1 =	vld [tilespmem:$0x100B0]  }
0x79: {  	v2 =	vld [tilespmem:$0x10010]  }
0x7a: {  	v3 =	vld [tilespmem:$0x10030]  }
0x7b: {  	v4 =	vld [tilespmem:$0x10040]  }
0x7c: {  	v5 =	vld [tilespmem:$0x10060];
	v0 =	vmax.f32 v0, $0.0e+00  }
0x7d: {  	v6 =	vld [tilespmem:$0x100E0];
	v1 =	vmax.f32 v1, $0.0e+00;
	v0 =	vmin.f32 v0, $5.000000000e+00  }
0x7e: {  	v7 =	vld [tilespmem:$0x10020];
	v36 =	vmax.f32 v2, $0.0e+00;
	v35 =	vmin.f32 v1, $5.000000000e+00;
	[tilespmem:$0x100F0] =	vst v0  }
0x7f: {  	v37 =	vld [tilespmem:$0x10070];
	v39 =	vmax.f32 v3, $0.0e+00;
	v38 =	vmin.f32 v36, $5.000000000e+00;
	[tilespmem:$0x100B0] =	vst v35  }
0x80: {  	v42 =	vld [tilespmem:$0x10080];
	v41 =	vmax.f32 v4, $0.0e+00;
	v40 =	vmin.f32 v39, $5.000000000e+00;
	[tilespmem:$0x10010] =	vst v38  }
0x81: {  	v43 =	vld [tilespmem:$0x10050];
	v45 =	vmax.f32 v5, $0.0e+00;
	v44 =	vmin.f32 v41, $5.000000000e+00;
	[tilespmem:$0x10030] =	vst v40  }
0x82: {  	v50 =	vld [tilespmem:$0x100C0];
	v46 =	vmax.f32 v6, $0.0e+00;
	v47 =	vmin.f32 v45, $5.000000000e+00;
	[tilespmem:$0x10040] =	vst v44  }
0x83: {  	v52 =	vld [tilespmem:$0x10000];
	v49 =	vmax.f32 v7, $0.0e+00;
	v51 =	vmin.f32 v46, $5.000000000e+00;
	[tilespmem:$0x10060] =	vst v47  }
0x84: {  	v55 =	vld [tilespmem:$0x10090];
	v2 =	vmax.f32 v37, $0.0e+00;
	v6 =	vmin.f32 v49, $5.000000000e+00;
	[tilespmem:$0x100E0] =	vst v51  }
0x85: {  	v48 =	vld [tilespmem:$0x100A0];
	v3 =	vmax.f32 v42, $0.0e+00;
	v53 =	vmin.f32 v2, $5.000000000e+00;
	[tilespmem:$0x10020] =	vst v6  }
0x86: {  	v54 =	vld [tilespmem:$0x100D0];
	v4 =	vmax.f32 v43, $0.0e+00;
	v56 =	vmin.f32 v3, $5.000000000e+00;
	[tilespmem:$0x10070] =	vst v53  }
0x87: {  	v59 =	vmax.f32 v50, $0.0e+00;
	v57 =	vmin.f32 v4, $5.000000000e+00;
	[tilespmem:$0x10080] =	vst v56  }
0x88: {  	v60 =	vmax.f32 v52, $0.0e+00;
	v1 =	vmin.f32 v59, $5.000000000e+00;
	[tilespmem:$0x10050] =	vst v57  }
0x89: {  	v62 =	vmax.f32 v55, $0.0e+00;
	v61 =	vmin.f32 v60, $5.000000000e+00;
	[tilespmem:$0x100C0] =	vst v1  }
0x8a: {  	v58 =	vmax.f32 v48, $0.0e+00;
	v63 =	vmin.f32 v62, $5.000000000e+00;
	[tilespmem:$0x10000] =	vst v61  }
0x8b: {  	v2 =	vmax.f32 v54, $0.0e+00;
	v0 =	vmin.f32 v58, $5.000000000e+00;
	[tilespmem:$0x10090] =	vst v63  }
0x8c: {  	v2 =	vmin.f32 v2, $5.000000000e+00;
	[tilespmem:$0x100A0] =	vst v0  }
0x8d: {  	s21 =	rddreg [dreg:$0x1a];
	[tilespmem:$0x100D0] =	vst v2  }
0x8e: {  	[hbm4b:s21+s2] =	stream.linear.scatter [tilespmem:s4], [sflag:$0x1], $0x100, $0x38;
	[tilespmem:$0x10680] =	vst v63  }
0x8f: {  	_ =	swait.ge [sflag:s3], $0x100  }
0x90: {  	[sflag:s3] =	ssyncset.done $0x0  }
0x91: {  	s5 =	simm.s32 $0x8000;
	s22 =	rddreg [dreg:$0x7];
	[sflag:s3] =	ssyncadd.s32 $0xFFFFFF00  }
0x92: {  	[tilespmem:s5], [sflag:$0x1] =	stream.linear.gather [hbm4b:s22+s2], $0x8000, $0x38;
	[tilespmem:$0x10680] =	vst v63  }
0x93: {  	_ =	swait.ge [sflag:s3], $0x8000  }
0x94: {  	[sflag:s3] =	ssyncset.done $0x0  }
0x95: {  	s6 =	simm.s32 $0x10100;
	s23 =	rddreg [dreg:$0x8];
	[sflag:s3] =	ssyncadd.s32 $0xFFFF8000  }
0x96: {  	[tilespmem:s6], [sflag:$0x1] =	stream.linear.gather [hbm4b:s23+s2], $0x568, $0x38;
	[tilespmem:$0x10680] =	vst v63  }
0x97: {  	_ =	swait.ge [sflag:s3], $0x568  }
0x98: {  	[sflag:s3] =	ssyncset.done $0x0  }
0x99: {  	s24 =	rddreg [dreg:$0x1b];
	[sflag:s3] =	ssyncadd.s32 $0xFFFFFA98  }
0x9a: {  	[hbm4b:s24+s2] =	stream.linear.scatter [tilespmem:s5], [sflag:$0x1], $0x8000, $0x38;
	[tilespmem:$0x10680] =	vst v63  }
0x9b: {  	_ =	swait.ge [sflag:s3], $0x8000  }
0x9c: {  	[sflag:s3] =	ssyncset.done $0x0  }
0x9d: {  	s26 =	rddreg [dreg:$0x1c];
	[sflag:s3] =	ssyncadd.s32 $0xFFFF8000  }
0x9e: {  	[hbm4b:s26+s2] =	stream.linear.scatter [tilespmem:s5], [sflag:$0x1], $0x8000, $0x38;
	[tilespmem:$0x10680] =	vst v63  }
0x9f: {  	_ =	swait.ge [sflag:s3], $0x8000  }
0xa0: {  	[sflag:s3] =	ssyncset.done $0x0  }
0xa1: {  	s0 =	rddreg [dreg:$0x1d];
	[sflag:s3] =	ssyncadd.s32 $0xFFFF8000  }
0xa2: {  	[hbm4b:s0+s2] =	stream.linear.scatter [tilespmem:s5], [sflag:$0x1], $0x8000, $0x38;
	[tilespmem:$0x10680] =	vst v63  }
0xa3: {  	_ =	swait.ge [sflag:s3], $0x8000  }
0xa4: {  	[sflag:s3] =	ssyncset.done $0x0  }
0xa5: {  	s8 =	rddreg [dreg:$0x1e];
	[sflag:s3] =	ssyncadd.s32 $0xFFFF8000  }
0xa6: {  	[hbm4b:s8+s2] =	stream.linear.scatter [tilespmem:s5], [sflag:$0x1], $0x8000, $0x38;
	[tilespmem:$0x10680] =	vst v63  }
0xa7: {  	_ =	swait.ge [sflag:s3], $0x8000  }
0xa8: {  	[sflag:s3] =	ssyncset.done $0x0  }
0xa9: {  	s9 =	rddreg [dreg:$0x1f];
	[sflag:s3] =	ssyncadd.s32 $0xFFFF8000  }
0xaa: {  	[hbm4b:s9+s2] =	stream.linear.scatter [tilespmem:s5], [sflag:$0x1], $0x8000, $0x38;
	[tilespmem:$0x10680] =	vst v63  }
0xab: {  	_ =	swait.ge [sflag:s3], $0x8000  }
0xac: {  	s10 =	sld [smem:$0x7EE]  }
0xad: {  	[sflag:s3] =	ssyncset.done $0x0  }
0xae: {  	[sflag:s3] =	ssyncadd.s32 $0xFFFF8000  }
0xaf: {  	[hbm4b:s10+s2] =	stream.linear.scatter [tilespmem:s5], [sflag:$0x1], $0x8000, $0x38;
	[tilespmem:$0x10680] =	vst v63  }
0xb0: {  	_ =	swait.ge [sflag:s3], $0x8000  }
0xb1: {  	s11 =	sld [smem:$0x7EF]  }
0xb2: {  	[sflag:s3] =	ssyncset.done $0x0  }
0xb3: {  	[sflag:s3] =	ssyncadd.s32 $0xFFFF8000  }
0xb4: {  	[hbm4b:s11+s2] =	stream.linear.scatter [tilespmem:s5], [sflag:$0x1], $0x8000, $0x38;
	[tilespmem:$0x10680] =	vst v63  }
0xb5: {  	_ =	swait.ge [sflag:s3], $0x8000  }
0xb6: {  	s12 =	sld [smem:$0x7F0]  }
0xb7: {  	[sflag:s3] =	ssyncset.done $0x0  }
0xb8: {  	[sflag:s3] =	ssyncadd.s32 $0xFFFF8000  }
0xb9: {  	[hbm4b:s12+s2] =	stream.linear.scatter [tilespmem:s5], [sflag:$0x1], $0x8000, $0x38;
	[tilespmem:$0x10680] =	vst v63  }
0xba: {  	_ =	swait.ge [sflag:s3], $0x8000  }
0xbb: {  	s13 =	sld [smem:$0x7F1]  }
0xbc: {  	[sflag:s3] =	ssyncset.done $0x0  }
0xbd: {  	[sflag:s3] =	ssyncadd.s32 $0xFFFF8000  }
0xbe: {  	[hbm4b:s13+s2] =	stream.linear.scatter [tilespmem:s5], [sflag:$0x1], $0x8000, $0x38;
	[tilespmem:$0x10680] =	vst v63  }
0xbf: {  	_ =	swait.ge [sflag:s3], $0x8000  }
0xc0: {  	s14 =	sld [smem:$0x7F2]  }
0xc1: {  	[sflag:s3] =	ssyncset.done $0x0  }
0xc2: {  	[sflag:s3] =	ssyncadd.s32 $0xFFFF8000  }
0xc3: {  	[hbm4b:s14+s2] =	stream.linear.scatter [tilespmem:s5], [sflag:$0x1], $0x8000, $0x38;
	[tilespmem:$0x10680] =	vst v63  }
0xc4: {  	_ =	swait.ge [sflag:s3], $0x8000  }
0xc5: {  	s15 =	sld [smem:$0x7F3]  }
0xc6: {  	[sflag:s3] =	ssyncset.done $0x0  }
0xc7: {  	[sflag:s3] =	ssyncadd.s32 $0xFFFF8000  }
0xc8: {  	[hbm4b:s15+s2] =	stream.linear.scatter [tilespmem:s5], [sflag:$0x1], $0x8000, $0x38;
	[tilespmem:$0x10680] =	vst v63  }
0xc9: {  	_ =	swait.ge [sflag:s3], $0x8000  }
0xca: {  	s16 =	sld [smem:$0x7F4]  }
0xcb: {  	[sflag:s3] =	ssyncset.done $0x0  }
0xcc: {  	[sflag:s3] =	ssyncadd.s32 $0xFFFF8000  }
0xcd: {  	[hbm4b:s16+s2] =	stream.linear.scatter [tilespmem:s5], [sflag:$0x1], $0x8000, $0x38;
	[tilespmem:$0x10680] =	vst v63  }
0xce: {  	_ =	swait.ge [sflag:s3], $0x8000  }
0xcf: {  	s17 =	sld [smem:$0x7F5]  }
0xd0: {  	[sflag:s3] =	ssyncset.done $0x0  }
0xd1: {  	[sflag:s3] =	ssyncadd.s32 $0xFFFF8000  }
0xd2: {  	[hbm4b:s17+s2] =	stream.linear.scatter [tilespmem:s5], [sflag:$0x1], $0x8000, $0x38;
	[tilespmem:$0x10680] =	vst v63  }
0xd3: {  	_ =	swait.ge [sflag:s3], $0x8000  }
0xd4: {  	s18 =	sld [smem:$0x7F6]  }
0xd5: {  	[sflag:s3] =	ssyncset.done $0x0  }
0xd6: {  	[sflag:s3] =	ssyncadd.s32 $0xFFFF8000  }
0xd7: {  	[hbm4b:s18+s2] =	stream.linear.scatter [tilespmem:s5], [sflag:$0x1], $0x8000, $0x38;
	[tilespmem:$0x10680] =	vst v63  }
0xd8: {  	_ =	swait.ge [sflag:s3], $0x8000  }
0xd9: {  	s19 =	sld [smem:$0x7F7]  }
0xda: {  	[sflag:s3] =	ssyncset.done $0x0  }
0xdb: {  	[sflag:s3] =	ssyncadd.s32 $0xFFFF8000  }
0xdc: {  	[hbm4b:s19+s2] =	stream.linear.scatter [tilespmem:s5], [sflag:$0x1], $0x8000, $0x38;
	[tilespmem:$0x10680] =	vst v63  }
0xdd: {  	_ =	swait.ge [sflag:s3], $0x8000  }
0xde: {  	s20 =	sld [smem:$0x7F8]  }
0xdf: {  	[sflag:s3] =	ssyncset.done $0x0  }
0xe0: {  	[sflag:s3] =	ssyncadd.s32 $0xFFFF8000  }
0xe1: {  	[hbm4b:s20+s2] =	stream.linear.scatter [tilespmem:s5], [sflag:$0x1], $0x8000, $0x38;
	[tilespmem:$0x10680] =	vst v63  }
0xe2: {  	_ =	swait.ge [sflag:s3], $0x8000  }
0xe3: {  	s21 =	sld [smem:$0x7F9]  }
0xe4: {  	[sflag:s3] =	ssyncset.done $0x0  }
0xe5: {  	[sflag:s3] =	ssyncadd.s32 $0xFFFF8000  }
0xe6: {  	[hbm4b:s21+s2] =	stream.linear.scatter [tilespmem:s5], [sflag:$0x1], $0x8000, $0x38;
	[tilespmem:$0x10680] =	vst v63  }
0xe7: {  	_ =	swait.ge [sflag:s3], $0x8000  }
0xe8: {  	s22 =	sld [smem:$0x7FA]  }
0xe9: {  	[sflag:s3] =	ssyncset.done $0x0  }
0xea: {  	[sflag:s3] =	ssyncadd.s32 $0xFFFF8000  }
0xeb: {  	[hbm4b:s22+s2] =	stream.linear.scatter [tilespmem:s5], [sflag:$0x1], $0x8000, $0x38;
	[tilespmem:$0x10680] =	vst v63  }
0xec: {  	_ =	swait.ge [sflag:s3], $0x8000  }
0xed: {  	s23 =	sld [smem:$0x7FB]  }
0xee: {  	[sflag:s3] =	ssyncset.done $0x0  }
0xef: {  	[sflag:s3] =	ssyncadd.s32 $0xFFFF8000  }
0xf0: {  	[hbm4b:s23+s2] =	stream.linear.scatter [tilespmem:s5], [sflag:$0x1], $0x8000, $0x38;
	[tilespmem:$0x10680] =	vst v63  }
0xf1: {  	_ =	swait.ge [sflag:s3], $0x8000  }
0xf2: {  	s24 =	sld [smem:$0x7FC]  }
0xf3: {  	[sflag:s3] =	ssyncset.done $0x0  }
0xf4: {  	[sflag:s3] =	ssyncadd.s32 $0xFFFF8000  }
0xf5: {  	[hbm4b:s24+s2] =	stream.linear.scatter [tilespmem:s5], [sflag:$0x1], $0x8000, $0x38;
	[tilespmem:$0x10680] =	vst v63  }
0xf6: {  	_ =	swait.ge [sflag:s3], $0x8000  }
0xf7: {  	s26 =	sld [smem:$0x7FD]  }
0xf8: {  	[sflag:s3] =	ssyncset.done $0x0  }
0xf9: {  	[sflag:s3] =	ssyncadd.s32 $0xFFFF8000  }
0xfa: {  	[hbm4b:s26+s2] =	stream.linear.scatter [tilespmem:s5], [sflag:$0x1], $0x8000, $0x38;
	[tilespmem:$0x10680] =	vst v63  }
0xfb: {  	_ =	swait.ge [sflag:s3], $0x8000  }
0xfc: {  	[sflag:s3] =	ssyncset.done $0x0  }
0xfd: {  	s7 =	sadd.s32 $0x115000, s28;
	[sflag:s3] =	ssyncadd.s32 $0xFFFF8000  }
0xfe: {  	[hbm4b:s7+s2] =	stream.linear.scatter [tilespmem:s5], [sflag:$0x1], $0x8000, $0x38;
	[tilespmem:$0x10680] =	vst v63  }
0xff: {  	_ =	swait.ge [sflag:s3], $0x8000  }
0x100: {  	[sflag:s3] =	ssyncset.done $0x0  }
0x101: {  	s8 =	sadd.s32 $0x116000, s28;
	[sflag:s3] =	ssyncadd.s32 $0xFFFF8000  }
0x102: {  	[hbm4b:s8+s2] =	stream.linear.scatter [tilespmem:s5], [sflag:$0x1], $0x8000, $0x38;
	[tilespmem:$0x10680] =	vst v63  }
0x103: {  	_ =	swait.ge [sflag:s3], $0x8000  }
0x104: {  	[sflag:s3] =	ssyncset.done $0x0  }
0x105: {  	s9 =	sadd.s32 $0x117000, s28;
	[sflag:s3] =	ssyncadd.s32 $0xFFFF8000  }
0x106: {  	[hbm4b:s9+s2] =	stream.linear.scatter [tilespmem:s5], [sflag:$0x1], $0x8000, $0x38;
	[tilespmem:$0x10680] =	vst v63  }
0x107: {  	_ =	swait.ge [sflag:s3], $0x8000  }
0x108: {  	[sflag:s3] =	ssyncset.done $0x0  }
0x109: {  	s10 =	sadd.s32 $0x118000, s28;
	[sflag:s3] =	ssyncadd.s32 $0xFFFF8000  }
0x10a: {  	[hbm4b:s10+s2] =	stream.linear.scatter [tilespmem:s5], [sflag:$0x1], $0x8000, $0x38;
	[tilespmem:$0x10680] =	vst v63  }
0x10b: {  	_ =	swait.ge [sflag:s3], $0x8000  }
0x10c: {  	[sflag:s3] =	ssyncset.done $0x0  }
0x10d: {  	s11 =	sadd.s32 $0x119000, s28;
	[sflag:s3] =	ssyncadd.s32 $0xFFFF8000  }
0x10e: {  	[hbm4b:s11+s2] =	stream.linear.scatter [tilespmem:s5], [sflag:$0x1], $0x8000, $0x38;
	[tilespmem:$0x10680] =	vst v63  }
0x10f: {  	_ =	swait.ge [sflag:s3], $0x8000  }
0x110: {  	[sflag:s3] =	ssyncset.done $0x0  }
0x111: {  	s12 =	sadd.s32 $0x11A000, s28;
	[sflag:s3] =	ssyncadd.s32 $0xFFFF8000  }
0x112: {  	[hbm4b:s12+s2] =	stream.linear.scatter [tilespmem:s5], [sflag:$0x1], $0x8000, $0x38;
	[tilespmem:$0x10680] =	vst v63  }
0x113: {  	_ =	swait.ge [sflag:s3], $0x8000  }
0x114: {  	[sflag:s3] =	ssyncset.done $0x0  }
0x115: {  	s13 =	sadd.s32 $0x11B000, s28;
	[sflag:s3] =	ssyncadd.s32 $0xFFFF8000  }
0x116: {  	[hbm4b:s13+s2] =	stream.linear.scatter [tilespmem:s5], [sflag:$0x1], $0x8000, $0x38;
	[tilespmem:$0x10680] =	vst v63  }
0x117: {  	_ =	swait.ge [sflag:s3], $0x8000  }
0x118: {  	[sflag:s3] =	ssyncset.done $0x0  }
0x119: {  	s14 =	sadd.s32 $0x11C000, s28;
	[sflag:s3] =	ssyncadd.s32 $0xFFFF8000  }
0x11a: {  	[hbm4b:s14+s2] =	stream.linear.scatter [tilespmem:s5], [sflag:$0x1], $0x8000, $0x38;
	[tilespmem:$0x10680] =	vst v63  }
0x11b: {  	_ =	swait.ge [sflag:s3], $0x8000  }
0x11c: {  	[sflag:s3] =	ssyncset.done $0x0  }
0x11d: {  	s15 =	sadd.s32 $0x11D000, s28;
	[sflag:s3] =	ssyncadd.s32 $0xFFFF8000  }
0x11e: {  	[hbm4b:s15+s2] =	stream.linear.scatter [tilespmem:s5], [sflag:$0x1], $0x8000, $0x38;
	[tilespmem:$0x10680] =	vst v63  }
0x11f: {  	_ =	swait.ge [sflag:s3], $0x8000  }
0x120: {  	[sflag:s3] =	ssyncset.done $0x0  }
0x121: {  	s16 =	sadd.s32 $0x11E000, s28;
	[sflag:s3] =	ssyncadd.s32 $0xFFFF8000  }
0x122: {  	[hbm4b:s16+s2] =	stream.linear.scatter [tilespmem:s5], [sflag:$0x1], $0x8000, $0x38;
	[tilespmem:$0x10680] =	vst v63  }
0x123: {  	_ =	swait.ge [sflag:s3], $0x8000  }
0x124: {  	[sflag:s3] =	ssyncset.done $0x0  }
0x125: {  	s17 =	sadd.s32 $0x11F000, s28;
	[sflag:s3] =	ssyncadd.s32 $0xFFFF8000  }
0x126: {  	[hbm4b:s17+s2] =	stream.linear.scatter [tilespmem:s5], [sflag:$0x1], $0x8000, $0x38;
	[tilespmem:$0x10680] =	vst v63  }
0x127: {  	_ =	swait.ge [sflag:s3], $0x8000  }
0x128: {  	[sflag:s3] =	ssyncset.done $0x0  }
0x129: {  	s18 =	sadd.s32 $0x120000, s28;
	[sflag:s3] =	ssyncadd.s32 $0xFFFF8000  }
0x12a: {  	[hbm4b:s18+s2] =	stream.linear.scatter [tilespmem:s5], [sflag:$0x1], $0x8000, $0x38;
	[tilespmem:$0x10680] =	vst v63  }
0x12b: {  	_ =	swait.ge [sflag:s3], $0x8000  }
0x12c: {  	[sflag:s3] =	ssyncset.done $0x0  }
0x12d: {  	s19 =	sadd.s32 $0x121000, s28;
	[sflag:s3] =	ssyncadd.s32 $0xFFFF8000  }
0x12e: {  	[hbm4b:s19+s2] =	stream.linear.scatter [tilespmem:s5], [sflag:$0x1], $0x8000, $0x38;
	[tilespmem:$0x10680] =	vst v63  }
0x12f: {  	_ =	swait.ge [sflag:s3], $0x8000  }
0x130: {  	[sflag:s3] =	ssyncset.done $0x0  }
0x131: {  	s20 =	sadd.s32 $0x122000, s28;
	[sflag:s3] =	ssyncadd.s32 $0xFFFF8000  }
0x132: {  	[hbm4b:s20+s2] =	stream.linear.scatter [tilespmem:s5], [sflag:$0x1], $0x8000, $0x38;
	[tilespmem:$0x10680] =	vst v63  }
0x133: {  	_ =	swait.ge [sflag:s3], $0x8000  }
0x134: {  	[sflag:s3] =	ssyncset.done $0x0  }
0x135: {  	s21 =	sadd.s32 $0x123000, s28;
	[sflag:s3] =	ssyncadd.s32 $0xFFFF8000  }
0x136: {  	[hbm4b:s21+s2] =	stream.linear.scatter [tilespmem:s5], [sflag:$0x1], $0x8000, $0x38;
	[tilespmem:$0x10680] =	vst v63  }
0x137: {  	_ =	swait.ge [sflag:s3], $0x8000  }
0x138: {  	[sflag:s3] =	ssyncset.done $0x0  }
0x139: {  	s22 =	sadd.s32 $0x124000, s28;
	[sflag:s3] =	ssyncadd.s32 $0xFFFF8000  }
0x13a: {  	[hbm4b:s22+s2] =	stream.linear.scatter [tilespmem:s5], [sflag:$0x1], $0x8000, $0x38;
	[tilespmem:$0x10680] =	vst v63  }
0x13b: {  	_ =	swait.ge [sflag:s3], $0x8000  }
0x13c: {  	[sflag:s3] =	ssyncset.done $0x0  }
0x13d: {  	s23 =	sadd.s32 $0x125000, s28;
	[sflag:s3] =	ssyncadd.s32 $0xFFFF8000  }
0x13e: {  	[hbm4b:s23+s2] =	stream.linear.scatter [tilespmem:s5], [sflag:$0x1], $0x8000, $0x38;
	[tilespmem:$0x10680] =	vst v63  }
0x13f: {  	_ =	swait.ge [sflag:s3], $0x8000  }
0x140: {  	s25 =	ssub.s32 $0x2, s25;
	[sflag:s3] =	ssyncset.done $0x0  }
0x141: {  	s30 =	sshrl.u32 s25, $0x1;
	s24 =	sadd.s32 $0x126000, s28;
	[sflag:s3] =	ssyncadd.s32 $0xFFFF8000  }
0x142: {  	[hbm4b:s24+s2] =	stream.linear.scatter [tilespmem:s5], [sflag:$0x1], $0x8000, $0x38;
	[tilespmem:$0x10680] =	vst v63  }
0x143: {  	s25 =	ssub.s32 s25, s30;
	_ =	swait.ge [sflag:s3], $0x8000  }
0x144: {  	s0 =	smax.u32 s25, $0x1;
	[sflag:s3] =	ssyncset.done $0x0  }
0x145: {  	p0 =	sne.s32 s0, $0x1;
	s26 =	sadd.s32 $0x127000, s28;
	[sflag:s3] =	ssyncadd.s32 $0xFFFF8000  }
0x146: {  	[hbm4b:s26+s2] =	stream.linear.scatter [tilespmem:s5], [sflag:$0x1], $0x8000, $0x38;
	[tilespmem:$0x10680] =	vst v63  }
.Ltmp0:
0x147: {  	s29 =	sshrl.u32 s29, $0x3;
	(pc) =	sbr.rel @!p0 .LBB2_2-.Ltmp0, $4  }
0x148: {  	s31 =	sadd.s32 $0x128000, s28;
	s30 =	sadd.s32 $0x129000, s28;
	_ =	swait.ge [sflag:s3], $0x8000  }
0x149: {  	s25 =	sadd.s32 s1, s29;
	s29 =	sadd.s32 $0x12A000, s28;
	[sflag:s3] =	ssyncset.done $0x0  }
0x14a: {  	s1 =	sadd.s32 $0xFFFFFFFF, s0;
	s28 =	sadd.s32 $0x12B000, s28;
	[sflag:s3] =	ssyncadd.s32 $0xFFFF8000  }
0x14b: {  	[hbm4b:s31+s2] =	stream.linear.scatter [tilespmem:s5], [sflag:$0x1], $0x8000, $0x38;
	[tilespmem:$0x10680] =	vst v63  }
.LBB2_1:
0x14c: {  	_ =	swait.ge [sflag:s3], $0x8000  }
0x14d: {  	[sflag:s3] =	ssyncset.done $0x0  }
0x14e: {  	[sflag:s3] =	ssyncadd.s32 $0xFFFF8000  }
0x14f: {  	[hbm4b:s30+s2] =	stream.linear.scatter [tilespmem:s5], [sflag:$0x1], $0x8000, $0x38;
	[tilespmem:$0x10680] =	vst v63  }
0x150: {  	_ =	swait.ge [sflag:s3], $0x8000  }
0x151: {  	[sflag:s3] =	ssyncset.done $0x0  }
0x152: {  	[sflag:s3] =	ssyncadd.s32 $0xFFFF8000  }
0x153: {  	[hbm4b:s29+s2] =	stream.linear.scatter [tilespmem:s5], [sflag:$0x1], $0x8000, $0x38;
	[tilespmem:$0x10680] =	vst v63  }
0x154: {  	_ =	swait.ge [sflag:s3], $0x8000  }
0x155: {  	[sflag:s3] =	ssyncset.done $0x0  }
0x156: {  	[sflag:s3] =	ssyncadd.s32 $0xFFFF8000  }
0x157: {  	[hbm4b:s28+s2] =	stream.linear.scatter [tilespmem:s5], [sflag:$0x1], $0x2000, $0x38;
	[tilespmem:$0x10680] =	vst v63  }
0x158: {  	_ =	swait.ge [sflag:s3], $0x2000  }
0x159: {  	[sflag:s3] =	ssyncset.done $0x0  }
0x15a: {  	[sflag:s3] =	ssyncadd.s32 $0xFFFFE000  }
0x15b: {  	[hbm4b:s25+s2] =	stream.linear.scatter [tilespmem:s6], [sflag:$0x1], $0x568, $0x38;
	[tilespmem:$0x10680] =	vst v63  }
0x15c: {  	_ =	swait.ge [sflag:s3], $0x568  }
0x15d: {  	[sflag:s3] =	ssyncset.done $0x0  }
0x15e: {  	s0 =	rddreg [dreg:$0x9];
	[sflag:s3] =	ssyncadd.s32 $0xFFFFFA98  }
0x15f: {  	[tilespmem:s2], [sflag:$0x1] =	stream.linear.gather [hbm4b:s0+s2], $0x8000, $0x38;
	[tilespmem:$0x10680] =	vst v63  }
0x160: {  	_ =	swait.ge [sflag:s3], $0x8000  }
0x161: {  	[sflag:s3] =	ssyncset.done $0x0  }
0x162: {  	s0 =	rddreg [dreg:$0xa];
	[sflag:s3] =	ssyncadd.s32 $0xFFFF8000  }
0x163: {  	[hbm4b:s0+s2] =	stream.linear.scatter [tilespmem:s2], [sflag:$0x1], $0x8000, $0x38;
	[tilespmem:$0x10680] =	vst v63  }
0x164: {  	_ =	swait.ge [sflag:s3], $0x8000  }
0x165: {  	[sflag:s3] =	ssyncset.done $0x0  }
0x166: {  	s0 =	rddreg [dreg:$0xb];
	[sflag:s3] =	ssyncadd.s32 $0xFFFF8000  }
0x167: {  	[tilespmem:s2], [sflag:$0x1] =	stream.linear.gather [hbm4b:s0+s2], $0x8000, $0x38;
	[tilespmem:$0x10680] =	vst v63  }
0x168: {  	_ =	swait.ge [sflag:s3], $0x8000  }
0x169: {  	[sflag:s3] =	ssyncset.done $0x0  }
0x16a: {  	s0 =	rddreg [dreg:$0xc];
	[sflag:s3] =	ssyncadd.s32 $0xFFFF8000  }
0x16b: {  	[hbm4b:s0+s2] =	stream.linear.scatter [tilespmem:s2], [sflag:$0x1], $0x8000, $0x38;
	[tilespmem:$0x10680] =	vst v63  }
0x16c: {  	_ =	swait.ge [sflag:s3], $0x8000  }
0x16d: {  	[sflag:s3] =	ssyncset.done $0x0  }
0x16e: {  	s0 =	rddreg [dreg:$0xd];
	[sflag:s3] =	ssyncadd.s32 $0xFFFF8000  }
0x16f: {  	[tilespmem:s2], [sflag:$0x1] =	stream.linear.gather [hbm4b:s0+s2], $0x8000, $0x38;
	[tilespmem:$0x10680] =	vst v63  }
0x170: {  	_ =	swait.ge [sflag:s3], $0x8000  }
0x171: {  	[sflag:s3] =	ssyncset.done $0x0  }
0x172: {  	s0 =	rddreg [dreg:$0xe];
	[sflag:s3] =	ssyncadd.s32 $0xFFFF8000  }
0x173: {  	[hbm4b:s0+s2] =	stream.linear.scatter [tilespmem:s2], [sflag:$0x1], $0x8000, $0x38;
	[tilespmem:$0x10680] =	vst v63  }
0x174: {  	_ =	swait.ge [sflag:s3], $0x8000  }
0x175: {  	[sflag:s3] =	ssyncset.done $0x0  }
0x176: {  	s0 =	rddreg [dreg:$0xf];
	[sflag:s3] =	ssyncadd.s32 $0xFFFF8000  }
0x177: {  	[tilespmem:s2], [sflag:$0x1] =	stream.linear.gather [hbm4b:s0+s2], $0x8000, $0x38;
	[tilespmem:$0x10680] =	vst v63  }
0x178: {  	_ =	swait.ge [sflag:s3], $0x8000  }
0x179: {  	[sflag:s3] =	ssyncset.done $0x0  }
0x17a: {  	s0 =	rddreg [dreg:$0x10];
	[sflag:s3] =	ssyncadd.s32 $0xFFFF8000  }
0x17b: {  	[hbm4b:s0+s2] =	stream.linear.scatter [tilespmem:s2], [sflag:$0x1], $0x8000, $0x38;
	[tilespmem:$0x10680] =	vst v63  }
0x17c: {  	_ =	swait.ge [sflag:s3], $0x8000  }
0x17d: {  	[sflag:s3] =	ssyncset.done $0x0  }
0x17e: {  	s0 =	rddreg [dreg:$0x11];
	[sflag:s3] =	ssyncadd.s32 $0xFFFF8000  }
0x17f: {  	[tilespmem:s2], [sflag:$0x1] =	stream.linear.gather [hbm4b:s0+s2], $0x8000, $0x38;
	[tilespmem:$0x10680] =	vst v63  }
0x180: {  	_ =	swait.ge [sflag:s3], $0x8000  }
0x181: {  	[sflag:s3] =	ssyncset.done $0x0  }
0x182: {  	s0 =	rddreg [dreg:$0x12];
	[sflag:s3] =	ssyncadd.s32 $0xFFFF8000  }
0x183: {  	[hbm4b:s0+s2] =	stream.linear.scatter [tilespmem:s2], [sflag:$0x1], $0x8000, $0x38;
	[tilespmem:$0x10680] =	vst v63  }
0x184: {  	_ =	swait.ge [sflag:s3], $0x8000  }
0x185: {  	[sflag:s3] =	ssyncset.done $0x0  }
0x186: {  	s0 =	rddreg [dreg:$0x13];
	[sflag:s3] =	ssyncadd.s32 $0xFFFF8000  }
0x187: {  	[tilespmem:s2], [sflag:$0x1] =	stream.linear.gather [hbm4b:s0+s2], $0x8000, $0x38;
	[tilespmem:$0x10680] =	vst v63  }
0x188: {  	_ =	swait.ge [sflag:s3], $0x8000  }
0x189: {  	[sflag:s3] =	ssyncset.done $0x0  }
0x18a: {  	s0 =	rddreg [dreg:$0x14];
	[sflag:s3] =	ssyncadd.s32 $0xFFFF8000  }
0x18b: {  	[hbm4b:s0+s2] =	stream.linear.scatter [tilespmem:s2], [sflag:$0x1], $0x8000, $0x38;
	[tilespmem:$0x10680] =	vst v63  }
0x18c: {  	_ =	swait.ge [sflag:s3], $0x8000  }
0x18d: {  	[sflag:s3] =	ssyncset.done $0x0  }
0x18e: {  	s0 =	rddreg [dreg:$0x15];
	[sflag:s3] =	ssyncadd.s32 $0xFFFF8000  }
0x18f: {  	[tilespmem:s2], [sflag:$0x1] =	stream.linear.gather [hbm4b:s0+s2], $0x8000, $0x38;
	[tilespmem:$0x10680] =	vst v63  }
0x190: {  	_ =	swait.ge [sflag:s3], $0x8000  }
0x191: {  	[sflag:s3] =	ssyncset.done $0x0  }
0x192: {  	s0 =	rddreg [dreg:$0x16];
	[sflag:s3] =	ssyncadd.s32 $0xFFFF8000  }
0x193: {  	[hbm4b:s0+s2] =	stream.linear.scatter [tilespmem:s2], [sflag:$0x1], $0x8000, $0x38;
	[tilespmem:$0x10680] =	vst v63  }
0x194: {  	_ =	swait.ge [sflag:s3], $0x8000  }
0x195: {  	[sflag:s3] =	ssyncset.done $0x0  }
0x196: {  	s0 =	rddreg [dreg:$0x17];
	[sflag:s3] =	ssyncadd.s32 $0xFFFF8000  }
0x197: {  	[tilespmem:s2], [sflag:$0x1] =	stream.linear.gather [hbm4b:s0+s2], $0x8000, $0x38;
	[tilespmem:$0x10680] =	vst v63  }
0x198: {  	_ =	swait.ge [sflag:s3], $0x8000  }
0x199: {  	[sflag:s3] =	ssyncset.done $0x0  }
0x19a: {  	s0 =	rddreg [dreg:$0x18];
	[sflag:s3] =	ssyncadd.s32 $0xFFFF8000  }
0x19b: {  	[hbm4b:s0+s2] =	stream.linear.scatter [tilespmem:s2], [sflag:$0x1], $0x8000, $0x38;
	[tilespmem:$0x10680] =	vst v63  }
0x19c: {  	_ =	swait.ge [sflag:s3], $0x8000  }
0x19d: {  	[sflag:s3] =	ssyncset.done $0x0  }
0x19e: {  	s0 =	rddreg [dreg:$0x19];
	[sflag:s3] =	ssyncadd.s32 $0xFFFF8000  }
0x19f: {  	[tilespmem:s4], [sflag:$0x1] =	stream.linear.gather [hbm4b:s0+s2], $0x100, $0x38;
	[tilespmem:$0x10680] =	vst v63  }
0x1a0: {  	_ =	swait.ge [sflag:s3], $0x100  }
0x1a1: {  	[sflag:s3] =	ssyncset.done $0x0  }
0x1a2: {  	[sflag:s3] =	ssyncadd.s32 $0xFFFFFF00  }
0x1a3: {  	v0 =	vld [tilespmem:$0x100F0]  }
0x1a4: {  	v1 =	vld [tilespmem:$0x100B0]  }
0x1a5: {  	v2 =	vld [tilespmem:$0x10060]  }
0x1a6: {  	v4 =	vld [tilespmem:$0x10030]  }
0x1a7: {  	v3 =	vld [tilespmem:$0x10040]  }
0x1a8: {  	v5 =	vld [tilespmem:$0x10010]  }
0x1a9: {  	v7 =	vld [tilespmem:$0x100E0];
	v0 =	vmax.f32 v0, $0.0e+00  }
0x1aa: {  	v6 =	vld [tilespmem:$0x10020];
	v1 =	vmax.f32 v1, $0.0e+00;
	v0 =	vmin.f32 v0, $5.000000000e+00  }
0x1ab: {  	v8 =	vld [tilespmem:$0x10070];
	v4 =	vmax.f32 v4, $0.0e+00;
	v1 =	vmin.f32 v1, $5.000000000e+00;
	[tilespmem:$0x100F0] =	vst v0  }
0x1ac: {  	v50 =	vld [tilespmem:$0x10050];
	v3 =	vmax.f32 v3, $0.0e+00;
	v51 =	vmin.f32 v4, $5.000000000e+00;
	[tilespmem:$0x100B0] =	vst v1  }
0x1ad: {  	v9 =	vld [tilespmem:$0x10090];
	v2 =	vmax.f32 v2, $0.0e+00;
	v53 =	vmin.f32 v3, $5.000000000e+00;
	[tilespmem:$0x10030] =	vst v51  }
0x1ae: {  	v7 =	vmax.f32 v7, $0.0e+00;
	v55 =	vmin.f32 v2, $5.000000000e+00;
	[tilespmem:$0x10040] =	vst v53  }
0x1af: {  	v52 =	vld [tilespmem:$0x10080];
	v6 =	vmax.f32 v6, $0.0e+00;
	v7 =	vmin.f32 v7, $5.000000000e+00;
	[tilespmem:$0x10060] =	vst v55  }
0x1b0: {  	v54 =	vld [tilespmem:$0x100C0];
	v56 =	vmax.f32 v8, $0.0e+00;
	v6 =	vmin.f32 v6, $5.000000000e+00;
	[tilespmem:$0x100E0] =	vst v7  }
0x1b1: {  	v59 =	vld [tilespmem:$0x100D0];
	v49 =	vmax.f32 v5, $0.0e+00;
	v5 =	vmax.f32 v50, $0.0e+00;
	v58 =	vmin.f32 v56, $5.000000000e+00;
	[tilespmem:$0x10020] =	vst v6  }
0x1b2: {  	v57 =	vld [tilespmem:$0x100A0];
	v9 =	vmax.f32 v9, $0.0e+00;
	v5 =	vmin.f32 v5, $5.000000000e+00;
	[tilespmem:$0x10070] =	vst v58  }
0x1b3: {  	v48 =	vld [tilespmem:$0x10000];
	v60 =	vmin.f32 v9, $5.000000000e+00;
	[tilespmem:$0x10050] =	vst v5  }
0x1b4: {  	v4 =	vmax.f32 v52, $0.0e+00;
	v1 =	vmin.f32 v49, $5.000000000e+00;
	[tilespmem:$0x10090] =	vst v60  }
0x1b5: {  	v3 =	vmax.f32 v54, $0.0e+00;
	v61 =	vmin.f32 v4, $5.000000000e+00;
	[tilespmem:$0x10010] =	vst v1  }
0x1b6: {  	v2 =	vmax.f32 v59, $0.0e+00;
	v3 =	vmin.f32 v3, $5.000000000e+00;
	[tilespmem:$0x10080] =	vst v61  }
0x1b7: {  	v62 =	vmax.f32 v57, $0.0e+00;
	v63 =	vmin.f32 v2, $5.000000000e+00;
	[tilespmem:$0x100C0] =	vst v3  }
0x1b8: {  	v0 =	vmax.f32 v48, $0.0e+00;
	v1 =	vmin.f32 v62, $5.000000000e+00;
	[tilespmem:$0x100D0] =	vst v63  }
0x1b9: {  	v0 =	vmin.f32 v0, $5.000000000e+00;
	[tilespmem:$0x100A0] =	vst v1  }
0x1ba: {  	s0 =	rddreg [dreg:$0x1a];
	[tilespmem:$0x10000] =	vst v0  }
0x1bb: {  	[hbm4b:s0+s2] =	stream.linear.scatter [tilespmem:s4], [sflag:$0x1], $0x100, $0x38;
	[tilespmem:$0x10680] =	vst v63  }
0x1bc: {  	_ =	swait.ge [sflag:s3], $0x100  }
0x1bd: {  	[sflag:s3] =	ssyncset.done $0x0  }
0x1be: {  	s0 =	rddreg [dreg:$0x7];
	[sflag:s3] =	ssyncadd.s32 $0xFFFFFF00  }
0x1bf: {  	[tilespmem:s5], [sflag:$0x1] =	stream.linear.gather [hbm4b:s0+s2], $0x8000, $0x38;
	[tilespmem:$0x10680] =	vst v63  }
0x1c0: {  	_ =	swait.ge [sflag:s3], $0x8000  }
0x1c1: {  	[sflag:s3] =	ssyncset.done $0x0  }
0x1c2: {  	s0 =	rddreg [dreg:$0x8];
	[sflag:s3] =	ssyncadd.s32 $0xFFFF8000  }
0x1c3: {  	[tilespmem:s6], [sflag:$0x1] =	stream.linear.gather [hbm4b:s0+s2], $0x568, $0x38;
	[tilespmem:$0x10680] =	vst v63  }
0x1c4: {  	_ =	swait.ge [sflag:s3], $0x568  }
0x1c5: {  	[sflag:s3] =	ssyncset.done $0x0  }
0x1c6: {  	s0 =	rddreg [dreg:$0x1b];
	[sflag:s3] =	ssyncadd.s32 $0xFFFFFA98  }
0x1c7: {  	[hbm4b:s0+s2] =	stream.linear.scatter [tilespmem:s5], [sflag:$0x1], $0x8000, $0x38;
	[tilespmem:$0x10680] =	vst v63  }
0x1c8: {  	_ =	swait.ge [sflag:s3], $0x8000  }
0x1c9: {  	[sflag:s3] =	ssyncset.done $0x0  }
0x1ca: {  	s0 =	rddreg [dreg:$0x1c];
	[sflag:s3] =	ssyncadd.s32 $0xFFFF8000  }
0x1cb: {  	[hbm4b:s0+s2] =	stream.linear.scatter [tilespmem:s5], [sflag:$0x1], $0x8000, $0x38;
	[tilespmem:$0x10680] =	vst v63  }
0x1cc: {  	_ =	swait.ge [sflag:s3], $0x8000  }
0x1cd: {  	[sflag:s3] =	ssyncset.done $0x0  }
0x1ce: {  	s0 =	rddreg [dreg:$0x1d];
	[sflag:s3] =	ssyncadd.s32 $0xFFFF8000  }
0x1cf: {  	[hbm4b:s0+s2] =	stream.linear.scatter [tilespmem:s5], [sflag:$0x1], $0x8000, $0x38;
	[tilespmem:$0x10680] =	vst v63  }
0x1d0: {  	_ =	swait.ge [sflag:s3], $0x8000  }
0x1d1: {  	[sflag:s3] =	ssyncset.done $0x0  }
0x1d2: {  	s0 =	rddreg [dreg:$0x1e];
	[sflag:s3] =	ssyncadd.s32 $0xFFFF8000  }
0x1d3: {  	[hbm4b:s0+s2] =	stream.linear.scatter [tilespmem:s5], [sflag:$0x1], $0x8000, $0x38;
	[tilespmem:$0x10680] =	vst v63  }
0x1d4: {  	_ =	swait.ge [sflag:s3], $0x8000  }
0x1d5: {  	[sflag:s3] =	ssyncset.done $0x0  }
0x1d6: {  	s0 =	rddreg [dreg:$0x1f];
	[sflag:s3] =	ssyncadd.s32 $0xFFFF8000  }
0x1d7: {  	[hbm4b:s0+s2] =	stream.linear.scatter [tilespmem:s5], [sflag:$0x1], $0x8000, $0x38;
	[tilespmem:$0x10680] =	vst v63  }
0x1d8: {  	_ =	swait.ge [sflag:s3], $0x8000  }
0x1d9: {  	s0 =	sld [smem:$0x7EE]  }
0x1da: {  	[sflag:s3] =	ssyncset.done $0x0  }
0x1db: {  	[sflag:s3] =	ssyncadd.s32 $0xFFFF8000  }
0x1dc: {  	[hbm4b:s0+s2] =	stream.linear.scatter [tilespmem:s5], [sflag:$0x1], $0x8000, $0x38;
	[tilespmem:$0x10680] =	vst v63  }
0x1dd: {  	_ =	swait.ge [sflag:s3], $0x8000  }
0x1de: {  	s0 =	sld [smem:$0x7EF]  }
0x1df: {  	[sflag:s3] =	ssyncset.done $0x0  }
0x1e0: {  	[sflag:s3] =	ssyncadd.s32 $0xFFFF8000  }
0x1e1: {  	[hbm4b:s0+s2] =	stream.linear.scatter [tilespmem:s5], [sflag:$0x1], $0x8000, $0x38;
	[tilespmem:$0x10680] =	vst v63  }
0x1e2: {  	_ =	swait.ge [sflag:s3], $0x8000  }
0x1e3: {  	s0 =	sld [smem:$0x7F0]  }
0x1e4: {  	[sflag:s3] =	ssyncset.done $0x0  }
0x1e5: {  	[sflag:s3] =	ssyncadd.s32 $0xFFFF8000  }
0x1e6: {  	[hbm4b:s0+s2] =	stream.linear.scatter [tilespmem:s5], [sflag:$0x1], $0x8000, $0x38;
	[tilespmem:$0x10680] =	vst v63  }
0x1e7: {  	_ =	swait.ge [sflag:s3], $0x8000  }
0x1e8: {  	s0 =	sld [smem:$0x7F1]  }
0x1e9: {  	[sflag:s3] =	ssyncset.done $0x0  }
0x1ea: {  	[sflag:s3] =	ssyncadd.s32 $0xFFFF8000  }
0x1eb: {  	[hbm4b:s0+s2] =	stream.linear.scatter [tilespmem:s5], [sflag:$0x1], $0x8000, $0x38;
	[tilespmem:$0x10680] =	vst v63  }
0x1ec: {  	_ =	swait.ge [sflag:s3], $0x8000  }
0x1ed: {  	s0 =	sld [smem:$0x7F2]  }
0x1ee: {  	[sflag:s3] =	ssyncset.done $0x0  }
0x1ef: {  	[sflag:s3] =	ssyncadd.s32 $0xFFFF8000  }
0x1f0: {  	[hbm4b:s0+s2] =	stream.linear.scatter [tilespmem:s5], [sflag:$0x1], $0x8000, $0x38;
	[tilespmem:$0x10680] =	vst v63  }
0x1f1: {  	_ =	swait.ge [sflag:s3], $0x8000  }
0x1f2: {  	s0 =	sld [smem:$0x7F3]  }
0x1f3: {  	[sflag:s3] =	ssyncset.done $0x0  }
0x1f4: {  	[sflag:s3] =	ssyncadd.s32 $0xFFFF8000  }
0x1f5: {  	[hbm4b:s0+s2] =	stream.linear.scatter [tilespmem:s5], [sflag:$0x1], $0x8000, $0x38;
	[tilespmem:$0x10680] =	vst v63  }
0x1f6: {  	_ =	swait.ge [sflag:s3], $0x8000  }
0x1f7: {  	s0 =	sld [smem:$0x7F4]  }
0x1f8: {  	[sflag:s3] =	ssyncset.done $0x0  }
0x1f9: {  	[sflag:s3] =	ssyncadd.s32 $0xFFFF8000  }
0x1fa: {  	[hbm4b:s0+s2] =	stream.linear.scatter [tilespmem:s5], [sflag:$0x1], $0x8000, $0x38;
	[tilespmem:$0x10680] =	vst v63  }
0x1fb: {  	_ =	swait.ge [sflag:s3], $0x8000  }
0x1fc: {  	s0 =	sld [smem:$0x7F5]  }
0x1fd: {  	[sflag:s3] =	ssyncset.done $0x0  }
0x1fe: {  	[sflag:s3] =	ssyncadd.s32 $0xFFFF8000  }
0x1ff: {  	[hbm4b:s0+s2] =	stream.linear.scatter [tilespmem:s5], [sflag:$0x1], $0x8000, $0x38;
	[tilespmem:$0x10680] =	vst v63  }
0x200: {  	_ =	swait.ge [sflag:s3], $0x8000  }
0x201: {  	s0 =	sld [smem:$0x7F6]  }
0x202: {  	[sflag:s3] =	ssyncset.done $0x0  }
0x203: {  	[sflag:s3] =	ssyncadd.s32 $0xFFFF8000  }
0x204: {  	[hbm4b:s0+s2] =	stream.linear.scatter [tilespmem:s5], [sflag:$0x1], $0x8000, $0x38;
	[tilespmem:$0x10680] =	vst v63  }
0x205: {  	_ =	swait.ge [sflag:s3], $0x8000  }
0x206: {  	s0 =	sld [smem:$0x7F7]  }
0x207: {  	[sflag:s3] =	ssyncset.done $0x0  }
0x208: {  	[sflag:s3] =	ssyncadd.s32 $0xFFFF8000  }
0x209: {  	[hbm4b:s0+s2] =	stream.linear.scatter [tilespmem:s5], [sflag:$0x1], $0x8000, $0x38;
	[tilespmem:$0x10680] =	vst v63  }
0x20a: {  	_ =	swait.ge [sflag:s3], $0x8000  }
0x20b: {  	s0 =	sld [smem:$0x7F8]  }
0x20c: {  	[sflag:s3] =	ssyncset.done $0x0  }
0x20d: {  	[sflag:s3] =	ssyncadd.s32 $0xFFFF8000  }
0x20e: {  	[hbm4b:s0+s2] =	stream.linear.scatter [tilespmem:s5], [sflag:$0x1], $0x8000, $0x38;
	[tilespmem:$0x10680] =	vst v63  }
0x20f: {  	_ =	swait.ge [sflag:s3], $0x8000  }
0x210: {  	s0 =	sld [smem:$0x7F9]  }
0x211: {  	[sflag:s3] =	ssyncset.done $0x0  }
0x212: {  	[sflag:s3] =	ssyncadd.s32 $0xFFFF8000  }
0x213: {  	[hbm4b:s0+s2] =	stream.linear.scatter [tilespmem:s5], [sflag:$0x1], $0x8000, $0x38;
	[tilespmem:$0x10680] =	vst v63  }
0x214: {  	_ =	swait.ge [sflag:s3], $0x8000  }
0x215: {  	s0 =	sld [smem:$0x7FA]  }
0x216: {  	[sflag:s3] =	ssyncset.done $0x0  }
0x217: {  	[sflag:s3] =	ssyncadd.s32 $0xFFFF8000  }
0x218: {  	[hbm4b:s0+s2] =	stream.linear.scatter [tilespmem:s5], [sflag:$0x1], $0x8000, $0x38;
	[tilespmem:$0x10680] =	vst v63  }
0x219: {  	_ =	swait.ge [sflag:s3], $0x8000  }
0x21a: {  	s0 =	sld [smem:$0x7FB]  }
0x21b: {  	[sflag:s3] =	ssyncset.done $0x0  }
0x21c: {  	[sflag:s3] =	ssyncadd.s32 $0xFFFF8000  }
0x21d: {  	[hbm4b:s0+s2] =	stream.linear.scatter [tilespmem:s5], [sflag:$0x1], $0x8000, $0x38;
	[tilespmem:$0x10680] =	vst v63  }
0x21e: {  	_ =	swait.ge [sflag:s3], $0x8000  }
0x21f: {  	s0 =	sld [smem:$0x7FC]  }
0x220: {  	[sflag:s3] =	ssyncset.done $0x0  }
0x221: {  	[sflag:s3] =	ssyncadd.s32 $0xFFFF8000  }
0x222: {  	[hbm4b:s0+s2] =	stream.linear.scatter [tilespmem:s5], [sflag:$0x1], $0x8000, $0x38;
	[tilespmem:$0x10680] =	vst v63  }
0x223: {  	_ =	swait.ge [sflag:s3], $0x8000  }
0x224: {  	s0 =	sld [smem:$0x7FD]  }
0x225: {  	[sflag:s3] =	ssyncset.done $0x0  }
0x226: {  	[sflag:s3] =	ssyncadd.s32 $0xFFFF8000  }
0x227: {  	[hbm4b:s0+s2] =	stream.linear.scatter [tilespmem:s5], [sflag:$0x1], $0x8000, $0x38;
	[tilespmem:$0x10680] =	vst v63  }
0x228: {  	_ =	swait.ge [sflag:s3], $0x8000  }
0x229: {  	[sflag:s3] =	ssyncset.done $0x0  }
0x22a: {  	[sflag:s3] =	ssyncadd.s32 $0xFFFF8000  }
0x22b: {  	[hbm4b:s7+s2] =	stream.linear.scatter [tilespmem:s5], [sflag:$0x1], $0x8000, $0x38;
	[tilespmem:$0x10680] =	vst v63  }
0x22c: {  	_ =	swait.ge [sflag:s3], $0x8000  }
0x22d: {  	[sflag:s3] =	ssyncset.done $0x0  }
0x22e: {  	[sflag:s3] =	ssyncadd.s32 $0xFFFF8000  }
0x22f: {  	[hbm4b:s8+s2] =	stream.linear.scatter [tilespmem:s5], [sflag:$0x1], $0x8000, $0x38;
	[tilespmem:$0x10680] =	vst v63  }
0x230: {  	_ =	swait.ge [sflag:s3], $0x8000  }
0x231: {  	[sflag:s3] =	ssyncset.done $0x0  }
0x232: {  	[sflag:s3] =	ssyncadd.s32 $0xFFFF8000  }
0x233: {  	[hbm4b:s9+s2] =	stream.linear.scatter [tilespmem:s5], [sflag:$0x1], $0x8000, $0x38;
	[tilespmem:$0x10680] =	vst v63  }
0x234: {  	_ =	swait.ge [sflag:s3], $0x8000  }
0x235: {  	[sflag:s3] =	ssyncset.done $0x0  }
0x236: {  	[sflag:s3] =	ssyncadd.s32 $0xFFFF8000  }
0x237: {  	[hbm4b:s10+s2] =	stream.linear.scatter [tilespmem:s5], [sflag:$0x1], $0x8000, $0x38;
	[tilespmem:$0x10680] =	vst v63  }
0x238: {  	_ =	swait.ge [sflag:s3], $0x8000  }
0x239: {  	[sflag:s3] =	ssyncset.done $0x0  }
0x23a: {  	[sflag:s3] =	ssyncadd.s32 $0xFFFF8000  }
0x23b: {  	[hbm4b:s11+s2] =	stream.linear.scatter [tilespmem:s5], [sflag:$0x1], $0x8000, $0x38;
	[tilespmem:$0x10680] =	vst v63  }
0x23c: {  	_ =	swait.ge [sflag:s3], $0x8000  }
0x23d: {  	[sflag:s3] =	ssyncset.done $0x0  }
0x23e: {  	[sflag:s3] =	ssyncadd.s32 $0xFFFF8000  }
0x23f: {  	[hbm4b:s12+s2] =	stream.linear.scatter [tilespmem:s5], [sflag:$0x1], $0x8000, $0x38;
	[tilespmem:$0x10680] =	vst v63  }
0x240: {  	_ =	swait.ge [sflag:s3], $0x8000  }
0x241: {  	[sflag:s3] =	ssyncset.done $0x0  }
0x242: {  	[sflag:s3] =	ssyncadd.s32 $0xFFFF8000  }
0x243: {  	[hbm4b:s13+s2] =	stream.linear.scatter [tilespmem:s5], [sflag:$0x1], $0x8000, $0x38;
	[tilespmem:$0x10680] =	vst v63  }
0x244: {  	_ =	swait.ge [sflag:s3], $0x8000  }
0x245: {  	[sflag:s3] =	ssyncset.done $0x0  }
0x246: {  	[sflag:s3] =	ssyncadd.s32 $0xFFFF8000  }
0x247: {  	[hbm4b:s14+s2] =	stream.linear.scatter [tilespmem:s5], [sflag:$0x1], $0x8000, $0x38;
	[tilespmem:$0x10680] =	vst v63  }
0x248: {  	_ =	swait.ge [sflag:s3], $0x8000  }
0x249: {  	[sflag:s3] =	ssyncset.done $0x0  }
0x24a: {  	[sflag:s3] =	ssyncadd.s32 $0xFFFF8000  }
0x24b: {  	[hbm4b:s15+s2] =	stream.linear.scatter [tilespmem:s5], [sflag:$0x1], $0x8000, $0x38;
	[tilespmem:$0x10680] =	vst v63  }
0x24c: {  	_ =	swait.ge [sflag:s3], $0x8000  }
0x24d: {  	[sflag:s3] =	ssyncset.done $0x0  }
0x24e: {  	[sflag:s3] =	ssyncadd.s32 $0xFFFF8000  }
0x24f: {  	[hbm4b:s16+s2] =	stream.linear.scatter [tilespmem:s5], [sflag:$0x1], $0x8000, $0x38;
	[tilespmem:$0x10680] =	vst v63  }
0x250: {  	_ =	swait.ge [sflag:s3], $0x8000  }
0x251: {  	[sflag:s3] =	ssyncset.done $0x0  }
0x252: {  	[sflag:s3] =	ssyncadd.s32 $0xFFFF8000  }
0x253: {  	[hbm4b:s17+s2] =	stream.linear.scatter [tilespmem:s5], [sflag:$0x1], $0x8000, $0x38;
	[tilespmem:$0x10680] =	vst v63  }
0x254: {  	_ =	swait.ge [sflag:s3], $0x8000  }
0x255: {  	[sflag:s3] =	ssyncset.done $0x0  }
0x256: {  	[sflag:s3] =	ssyncadd.s32 $0xFFFF8000  }
0x257: {  	[hbm4b:s18+s2] =	stream.linear.scatter [tilespmem:s5], [sflag:$0x1], $0x8000, $0x38;
	[tilespmem:$0x10680] =	vst v63  }
0x258: {  	_ =	swait.ge [sflag:s3], $0x8000  }
0x259: {  	[sflag:s3] =	ssyncset.done $0x0  }
0x25a: {  	[sflag:s3] =	ssyncadd.s32 $0xFFFF8000  }
0x25b: {  	[hbm4b:s19+s2] =	stream.linear.scatter [tilespmem:s5], [sflag:$0x1], $0x8000, $0x38;
	[tilespmem:$0x10680] =	vst v63  }
0x25c: {  	_ =	swait.ge [sflag:s3], $0x8000  }
0x25d: {  	[sflag:s3] =	ssyncset.done $0x0  }
0x25e: {  	[sflag:s3] =	ssyncadd.s32 $0xFFFF8000  }
0x25f: {  	[hbm4b:s20+s2] =	stream.linear.scatter [tilespmem:s5], [sflag:$0x1], $0x8000, $0x38;
	[tilespmem:$0x10680] =	vst v63  }
0x260: {  	_ =	swait.ge [sflag:s3], $0x8000  }
0x261: {  	[sflag:s3] =	ssyncset.done $0x0  }
0x262: {  	[sflag:s3] =	ssyncadd.s32 $0xFFFF8000  }
0x263: {  	[hbm4b:s21+s2] =	stream.linear.scatter [tilespmem:s5], [sflag:$0x1], $0x8000, $0x38;
	[tilespmem:$0x10680] =	vst v63  }
0x264: {  	_ =	swait.ge [sflag:s3], $0x8000  }
0x265: {  	[sflag:s3] =	ssyncset.done $0x0  }
0x266: {  	[sflag:s3] =	ssyncadd.s32 $0xFFFF8000  }
0x267: {  	[hbm4b:s22+s2] =	stream.linear.scatter [tilespmem:s5], [sflag:$0x1], $0x8000, $0x38;
	[tilespmem:$0x10680] =	vst v63  }
0x268: {  	_ =	swait.ge [sflag:s3], $0x8000  }
0x269: {  	[sflag:s3] =	ssyncset.done $0x0  }
0x26a: {  	[sflag:s3] =	ssyncadd.s32 $0xFFFF8000  }
0x26b: {  	[hbm4b:s23+s2] =	stream.linear.scatter [tilespmem:s5], [sflag:$0x1], $0x8000, $0x38;
	[tilespmem:$0x10680] =	vst v63  }
0x26c: {  	_ =	swait.ge [sflag:s3], $0x8000  }
0x26d: {  	[sflag:s3] =	ssyncset.done $0x0  }
0x26e: {  	[sflag:s3] =	ssyncadd.s32 $0xFFFF8000  }
0x26f: {  	[hbm4b:s24+s2] =	stream.linear.scatter [tilespmem:s5], [sflag:$0x1], $0x8000, $0x38;
	[tilespmem:$0x10680] =	vst v63  }
0x270: {  	_ =	swait.ge [sflag:s3], $0x8000  }
0x271: {  	[sflag:s3] =	ssyncset.done $0x0  }
0x272: {  	p0 =	sne.s32 s1, $0x1;
	[sflag:s3] =	ssyncadd.s32 $0xFFFF8000  }
0x273: {  	[hbm4b:s26+s2] =	stream.linear.scatter [tilespmem:s5], [sflag:$0x1], $0x8000, $0x38;
	[tilespmem:$0x10680] =	vst v63  }
.Ltmp1:
0x274: {  	_ = 	snop;
	(pc) =	sbr.rel @p0 .LBB2_1-.Ltmp1, $4  }
0x275: {  	_ =	swait.ge [sflag:s3], $0x8000  }
0x276: {  	[sflag:s3] =	ssyncset.done $0x0  }
0x277: {  	s1 =	sadd.s32 $0xFFFFFFFF, s1;
	[sflag:s3] =	ssyncadd.s32 $0xFFFF8000  }
0x278: {  	[hbm4b:s31+s2] =	stream.linear.scatter [tilespmem:s5], [sflag:$0x1], $0x8000, $0x38;
	[tilespmem:$0x10680] =	vst v63  }
.LBB2_2:
0x279: {  	_ =	swait.ge [sflag:s3], $0x8000  }
0x27a: {  	[sflag:s3] =	ssyncset.done $0x0  }
0x27b: {  	[sflag:s3] =	ssyncadd.s32 $0xFFFF8000  }
0x27c: {  	[hbm4b:s30+s2] =	stream.linear.scatter [tilespmem:s5], [sflag:$0x1], $0x8000, $0x38;
	[tilespmem:$0x10680] =	vst v63  }
0x27d: {  	_ =	swait.ge [sflag:s3], $0x8000  }
0x27e: {  	[sflag:s3] =	ssyncset.done $0x0  }
0x27f: {  	[sflag:s3] =	ssyncadd.s32 $0xFFFF8000  }
0x280: {  	[hbm4b:s29+s2] =	stream.linear.scatter [tilespmem:s5], [sflag:$0x1], $0x8000, $0x38;
	[tilespmem:$0x10680] =	vst v63  }
0x281: {  	_ =	swait.ge [sflag:s3], $0x8000  }
0x282: {  	[sflag:s3] =	ssyncset.done $0x0  }
0x283: {  	[sflag:s3] =	ssyncadd.s32 $0xFFFF8000  }
0x284: {  	[hbm4b:s28+s2] =	stream.linear.scatter [tilespmem:s5], [sflag:$0x1], $0x2000, $0x38;
	[tilespmem:$0x10680] =	vst v63  }
0x285: {  	_ =	swait.ge [sflag:s3], $0x2000  }
0x286: {  	[sflag:s3] =	ssyncset.done $0x0  }
0x287: {  	[sflag:s3] =	ssyncadd.s32 $0xFFFFE000  }
0x288: {  	[hbm4b:s25+s2] =	stream.linear.scatter [tilespmem:s6], [sflag:$0x1], $0x568, $0x38;
	[tilespmem:$0x10680] =	vst v63  }
0x289: {  	_ =	swait.ge [sflag:s3], $0x568  }
0x28a: {  	[sflag:s3] =	ssyncset.done $0x0  }
0x28b: {  	[sflag:s3] =	ssyncadd.s32 $0xFFFFFA98  }
0x28c: {  	_ =	sfence.sel $0x180000  }
0x28d: {  	[bflag:$0x0] =	sbarrier.arrive $0xFFFF  }
0x28e: {  	_ =	strace $0x90000047  }
0x28f: {  	s0 =	stileid.u32;
	[bflag:$0x2] =	sbarrier.arrive $0xFFFF  }
0x290: {  	p0 =	sne.s32 s0, $0x0;
	s0 =	rddreg [dreg:$0x6]  }
0x291: {  	s0 =	sadd.s32 @!p0 $0x100000, s0  }
0x292: {  	[sflag:s0] =	ssyncadd.tile.s32 @!p0 $0x1;
	_ =	shalt  }
.Lfunc_end2:
_tile_overlayer_lowered:
.L_overlay_start_2:
0x293: {  	(tag) =	ssettag $0x2  }
0x294: {  	s0 =	rddreg [dreg:$0x0];
	s2 =	stileid.u32  }
0x295: {  	s1 =	rddreg [dreg:$0x1];
	p0 =	sne.s32 s2, $0x0  }
0x296: {  	s3 =	rddreg [dreg:$0x2];
	[bflag:$0x3] =	sbarrier.arrive $0xFFFF;
	s2 =	simm.s32 @!p0 $0x1C01  }
0x297: {  	[timem:s3], [sflag:s2] =	dma.local @!p0 [hbm:s0], s1  }
0x298: {  	s0 =	simm.s32 @!p0 $0x1  }
0x299: {  	_ =	swait.ge @!p0 [sflag:s0], s1  }
0x29a: {  	s1 =	ssub.s32 @!p0 $0x0, s1;
	[sflag:s0] =	ssyncset.done @!p0 $0x0  }
0x29b: {  	[sflag:s0] =	ssyncadd.s32 @!p0 s1  }
0x29c: {  	[bflag:$0x3] =	sbarrier.arrive $0xFFFF  }
0x29d: {  	_ =	shalt  }

</sc_bundles>
